<compile_context>
chip_gen: v7x
topology: tpu7x:2x2x1
jax: 0.10.2.dev20260603
libtpu: 0.0.44.dev20260713+nightly
codegen_flags: <defaults>
</compile_context>

<pallas_src>
import functools

import jax
import jax.numpy as jnp
from jax import lax
from jax.experimental import pallas as pl
from jax.experimental.pallas import tpu as pltpu
from jax.experimental.pallas import tpu_sc as plsc

B, S = 4096, 200
N = B * S
NUM_STATIONS, NUM_DISTRICTS, NUM_OPS = 100000, 1000, 8
NUM_DO = NUM_DISTRICTS * NUM_OPS
CTX = 32
PACK = CTX // 2

NC, NS = 2, 16
NW = NC * NS
IDX_ROWS = N // 128
ROWS_PER_W = IDX_ROWS // NW
CHUNK_ROWS = 8
CHUNK_TOK = CHUNK_ROWS * 128
N_CHUNKS = ROWS_PER_W // CHUNK_ROWS


def _pack_pair(x):
    b = jax.lax.bitcast_convert_type(x.astype(jnp.bfloat16), jnp.uint16)
    w = b.astype(jnp.uint32)
    lo = w[:PACK, :]
    hi = w[PACK:, :]
    return jax.lax.bitcast_convert_type(
        lo | (hi << jnp.uint32(16)), jnp.int32)


def _prep_body(se_ref, w1a_ref, de_ref, opv_ref, w1b_ref, w1c_ref,
               tst_ref, tdo_ref):
    st = jnp.dot(w1a_ref[...], se_ref[...],
                 preferred_element_type=jnp.float32)
    tst_ref[...] = _pack_pair(st)
    do = (jnp.dot(w1b_ref[...], de_ref[...],
                  preferred_element_type=jnp.float32)
          + w1c_ref[...] * opv_ref[...])
    tdo_ref[...] = _pack_pair(do)


NUM_ST_PAD = 102400
NUM_DO_PAD = 8192
PREP_G = 8
ST_BLK = NUM_ST_PAD // PREP_G
DO_BLK = NUM_DO_PAD // PREP_G


def _prep_tables(se_t, w1a_t, de_rep_t, op_rep_t, w1b_t, w1c_t):
    return pl.pallas_call(
        _prep_body,
        grid=(PREP_G,),
        in_specs=[
            pl.BlockSpec((16, ST_BLK), lambda i: (0, i)),
            pl.BlockSpec((CTX, 16), lambda i: (0, 0)),
            pl.BlockSpec((8, DO_BLK), lambda i: (0, i)),
            pl.BlockSpec((1, DO_BLK), lambda i: (0, i)),
            pl.BlockSpec((CTX, 8), lambda i: (0, 0)),
            pl.BlockSpec((CTX, 1), lambda i: (0, 0)),
        ],
        out_specs=(
            pl.BlockSpec((PACK, ST_BLK), lambda i: (0, i)),
            pl.BlockSpec((PACK, DO_BLK), lambda i: (0, i)),
        ),
        out_shape=(
            jax.ShapeDtypeStruct((PACK, NUM_ST_PAD), jnp.int32),
            jax.ShapeDtypeStruct((PACK, NUM_DO_PAD), jnp.int32),
        ),
    )(se_t, w1a_t, de_rep_t, op_rep_t, w1b_t, w1c_t)




def _sc_gather_body(st_idx, di_idx, op_idx, t_st, t_do,
                    g_st, g_do,
                    ist_v, idi_v, iop_v, ido_v, bst_v, bdo_v, sem):
    wid = lax.axis_index("s") * NC + lax.axis_index("c")
    base_row = wid * ROWS_PER_W

    def chunk_body(ci, _):
        row0 = base_row + ci * CHUNK_ROWS
        tok0 = row0 * 128
        s = tok0 // B
        b0 = tok0 % B
        pltpu.sync_copy(st_idx.at[pl.ds(row0, CHUNK_ROWS)], ist_v)
        pltpu.sync_copy(di_idx.at[pl.ds(row0, CHUNK_ROWS)], idi_v)
        pltpu.sync_copy(op_idx.at[pl.ds(row0, CHUNK_ROWS)], iop_v)
        for j in range(CHUNK_ROWS):
            for v in range(8):
                sl = pl.ds(v * 16, 16)
                d = idi_v[j, sl]
                o = jnp.maximum(iop_v[j, sl], 0)
                ido_v[j, sl] = d * NUM_OPS + o
        copies = []
        for j in range(CHUNK_ROWS):
            dst = pl.ds(j * 128, 128)
            copies.append(pltpu.async_copy(
                t_st.at[ist_v.at[j]], bst_v.at[dst], sem))
            copies.append(pltpu.async_copy(
                t_do.at[ido_v.at[j]], bdo_v.at[dst], sem))
        for c in copies:
            c.wait()
        pltpu.sync_copy(bst_v, g_st.at[s, pl.ds(b0, CHUNK_TOK)])
        pltpu.sync_copy(bdo_v, g_do.at[s, pl.ds(b0, CHUNK_TOK)])
        return _

    lax.fori_loop(0, N_CHUNKS, chunk_body, None)


def _sc_gather(st_idx, di_idx, op_idx, t_st, t_do):
    mesh = plsc.VectorSubcoreMesh(core_axis_name="c", subcore_axis_name="s")
    kern = functools.partial(
        pl.kernel,
        mesh=mesh,
        compiler_params=pltpu.CompilerParams(use_tc_tiling_on_sc=False),
        out_type=(
            jax.ShapeDtypeStruct((S, B, PACK), jnp.int32),
            jax.ShapeDtypeStruct((S, B, PACK), jnp.int32),
        ),
        scratch_types=[
            pltpu.VMEM((CHUNK_ROWS, 128), jnp.int32),
            pltpu.VMEM((CHUNK_ROWS, 128), jnp.int32),
            pltpu.VMEM((CHUNK_ROWS, 128), jnp.int32),
            pltpu.VMEM((CHUNK_ROWS, 128), jnp.int32),
            pltpu.VMEM((CHUNK_TOK, PACK), jnp.int32),
            pltpu.VMEM((CHUNK_TOK, PACK), jnp.int32),
            pltpu.SemaphoreType.DMA,
        ],
    )(_sc_gather_body)
    return kern(st_idx, di_idx, op_idx, t_st, t_do)


def _unpack_pair(w):
    lo = jax.lax.bitcast_convert_type(
        jax.lax.shift_left(w, jnp.int32(16)), jnp.float32)
    hi = jax.lax.bitcast_convert_type(
        jnp.bitwise_and(w, jnp.int32(-65536)), jnp.float32)
    return lo, hi


def _mlp_body(gst_ref, gdo_ref, stat_ref, w1d_ref, b1_ref, w2_ref, b2_ref,
              out_ref):
    st_lo, st_hi = _unpack_pair(gst_ref[0])
    do_lo, do_hi = _unpack_pair(gdo_ref[0])
    g = jnp.concatenate([st_lo + do_lo, st_hi + do_hi], axis=0)
    acc = jnp.dot(w1d_ref[...], stat_ref[0],
                  preferred_element_type=jnp.float32) + g + b1_ref[...]
    h = jnp.maximum(acc, 0.0)
    out_ref[0] = jnp.dot(w2_ref[...], h,
                         preferred_element_type=jnp.float32) + b2_ref[...]


def _mlp(g_st3, g_do3, static_t, w1d_t, b1c, w2_t, b2c):
    return pl.pallas_call(
        _mlp_body,
        grid=(S,),
        in_specs=[
            pl.BlockSpec((1, PACK, B), lambda i: (i, 0, 0)),
            pl.BlockSpec((1, PACK, B), lambda i: (i, 0, 0)),
            pl.BlockSpec((1, 16, B), lambda i: (i, 0, 0)),
            pl.BlockSpec((CTX, 16), lambda i: (0, 0)),
            pl.BlockSpec((CTX, 1), lambda i: (0, 0)),
            pl.BlockSpec((CTX, CTX), lambda i: (0, 0)),
            pl.BlockSpec((CTX, 1), lambda i: (0, 0)),
        ],
        out_specs=pl.BlockSpec((1, CTX, B), lambda i: (i, 0, 0)),
        out_shape=jax.ShapeDtypeStruct((S, CTX, B), jnp.float32),
    )(g_st3, g_do3, static_t, w1d_t, b1c, w2_t, b2c)


def kernel(static_numeric, station_index, district_id, operation_type_id,
           station_emb, district_emb, op_emb, W1, b1, W2, b2):
    st_idx = station_index.astype(jnp.int32).T.reshape(IDX_ROWS, 128)
    di_idx = district_id.astype(jnp.int32).T.reshape(IDX_ROWS, 128)
    op_idx = operation_type_id.astype(jnp.int32).T.reshape(IDX_ROWS, 128)
    static_t = static_numeric.astype(jnp.float32).transpose(1, 2, 0)

    w1a_t = W1[0:16, :].T
    w1b_t = W1[16:24, :].T
    w1c_t = W1[24:25, :].T
    w1d_t = W1[25:41, :].T
    de_rep_t = jnp.repeat(district_emb.T, NUM_OPS, axis=1)
    op_rep_t = jnp.tile(op_emb.T, (1, NUM_DISTRICTS))

    se_t = jnp.pad(station_emb.T, ((0, 0), (0, NUM_ST_PAD - NUM_STATIONS)))
    de_rep_t = jnp.pad(de_rep_t, ((0, 0), (0, NUM_DO_PAD - NUM_DO)))
    op_rep_t = jnp.pad(op_rep_t, ((0, 0), (0, NUM_DO_PAD - NUM_DO)))

    tst_t, tdo_t = _prep_tables(
        se_t, w1a_t, de_rep_t, op_rep_t, w1b_t, w1c_t)
    t_st = tst_t.T
    t_do = tdo_t.T

    g_st, g_do = _sc_gather(st_idx, di_idx, op_idx, t_st, t_do)
    g_st3 = g_st.transpose(0, 2, 1)
    g_do3 = g_do.transpose(0, 2, 1)

    out_t = _mlp(g_st3, g_do3, static_t, w1d_t, b1.reshape(CTX, 1), W2.T,
                 b2.reshape(CTX, 1))
    return out_t.transpose(2, 0, 1)

# --- scband reference (transcript-rebuilt; emitter-appended) ---
"""Pipeline reference for scband-station-context-encoder-26036091748724 (READ-ONLY COPY).

The authoritative reference and input builder live on the scoring server;
editing this copy changes nothing except your own understanding.
"""

import jax, jax.numpy as jnp
import numpy as np

B, S = 4096, 200
NUM_STATIONS, NUM_DISTRICTS, NUM_OPS = 100000, 1000, 8
STATIC_F = 16
ST_DIM, DI_DIM, OP_DIM, CTX_DIM = 16, 8, 1, 32
IN_DIM = ST_DIM + DI_DIM + OP_DIM + STATIC_F


def setup_inputs(seed: int = 0) -> dict:
    key = jax.random.key(seed)
    ks = jax.random.split(key, 10)
    static_numeric = jax.random.normal(ks[0], (B, S, STATIC_F), dtype=jnp.float32)
    station_index = jax.random.randint(ks[1], (B, S), 0, NUM_STATIONS, dtype=jnp.int64 if jax.config.jax_enable_x64 else jnp.int32)
    district_id = jax.random.randint(ks[2], (B, S), 0, NUM_DISTRICTS, dtype=jnp.int64 if jax.config.jax_enable_x64 else jnp.int32)
    operation_type_id = jax.random.randint(ks[3], (B, S), 0, NUM_OPS, dtype=jnp.int64 if jax.config.jax_enable_x64 else jnp.int32)
    station_emb = jax.random.normal(ks[4], (NUM_STATIONS, ST_DIM), dtype=jnp.float32) * 0.02
    district_emb = jax.random.normal(ks[5], (NUM_DISTRICTS, DI_DIM), dtype=jnp.float32) * 0.02
    op_emb = jax.random.normal(ks[6], (NUM_OPS, OP_DIM), dtype=jnp.float32) * 0.02
    W1 = jax.random.normal(ks[7], (IN_DIM, CTX_DIM), dtype=jnp.float32) * (1.0 / np.sqrt(IN_DIM))
    b1 = jnp.zeros((CTX_DIM,), dtype=jnp.float32)
    W2 = jax.random.normal(ks[8], (CTX_DIM, CTX_DIM), dtype=jnp.float32) * (1.0 / np.sqrt(CTX_DIM))
    b2 = jnp.zeros((CTX_DIM,), dtype=jnp.float32)
    return {
        "static_numeric": static_numeric,
        "station_index": station_index,
        "district_id": district_id,
        "operation_type_id": operation_type_id,
        "station_emb": station_emb,
        "district_emb": district_emb,
        "op_emb": op_emb,
        "W1": W1,
        "b1": b1,
        "W2": W2,
        "b2": b2,
    }


def reference(static_numeric, station_index, district_id, operation_type_id,
              station_emb, district_emb, op_emb, W1, b1, W2, b2):
    # Embedding lookups (gather)
    se = jnp.take(station_emb, station_index, axis=0)
    de = jnp.take(district_emb, district_id, axis=0)
    oe = jnp.take(op_emb, jnp.maximum(operation_type_id, 0), axis=0)
    features = jnp.concatenate([se, de, oe, static_numeric.astype(jnp.float32)], axis=-1)
    # projection: Linear -> ReLU -> Dropout(0.0, identity) -> Linear
    h = jnp.maximum(features @ W1 + b1, 0.0)
    out = h @ W2 + b2
    return out

if __name__ == "__main__":
    import jax
    _d = setup_inputs()
    print(jax.jit(kernel)(*tuple(_d.values())))

</pallas_src>

<mosaic_0001>
#map = affine_map<(d0, d1) -> (0, 0)>
#map1 = affine_map<(d0, d1) -> (0, 0, 0)>
module attributes {stable_mosaic.version = 14 : i64} {
  func.func @_sc_gather_body(%arg0: i32, %arg1: i32, %arg2: memref<6400x128xi32, #tpu.memory_space<hbm>>, %arg3: memref<6400x128xi32, #tpu.memory_space<hbm>>, %arg4: memref<6400x128xi32, #tpu.memory_space<hbm>>, %arg5: memref<102400x16xi32, #tpu.memory_space<hbm>>, %arg6: memref<8192x16xi32, #tpu.memory_space<hbm>>, %arg7: memref<200x4096x16xi32, #tpu.memory_space<hbm>>, %arg8: memref<200x4096x16xi32, #tpu.memory_space<hbm>>, %arg9: memref<8x128xi32, #tpu.memory_space<vmem>>, %arg10: memref<8x128xi32, #tpu.memory_space<vmem>>, %arg11: memref<8x128xi32, #tpu.memory_space<vmem>>, %arg12: memref<8x128xi32, #tpu.memory_space<vmem>>, %arg13: memref<1024x16xi32, #tpu.memory_space<vmem>>, %arg14: memref<1024x16xi32, #tpu.memory_space<vmem>>, %arg15: memref<!tpu.dma_semaphore, #tpu.memory_space<semaphore_mem>>) attributes {dimension_semantics = [#tpu.dimension_semantics<core_parallel>, #tpu.dimension_semantics<subcore_parallel>], iteration_bounds = array<i64: 2, 16>, scalar_prefetch = 0 : i64, scratch_operands = 7 : i64, tpu.core_type = #tpu.core_type<sc_vector_subcore>, window_params = [{transform_indices = #map}, {transform_indices = #map}, {transform_indices = #map}, {transform_indices = #map}, {transform_indices = #map}, {transform_indices = #map1}, {transform_indices = #map1}]} {
    %mul3A = arith.constant 2 : i32
    %mul3A_0 = arith.muli %arg1, %mul3A : i32
    %add3A = arith.addi %mul3A_0, %arg0 : i32
    %mul3A_1 = arith.constant 200 : i32
    %mul3A_2 = arith.muli %add3A, %mul3A_1 : i32
    %scan3A = arith.constant 0 : i32
    %scan3A_3 = arith.constant 25 : i32
    %scan3A_4 = arith.addi %scan3A, %scan3A_3 : i32
    %scan3A_5 = arith.constant 1 : i32
    scf.for %scan3A_7 = %scan3A to %scan3A_4 step %scan3A_5  : i32 {
      %mul3A_8 = arith.constant 8 : i32
      %mul3A_9 = arith.muli %scan3A_7, %mul3A_8 : i32
      %add3A_10 = arith.addi %mul3A_2, %mul3A_9 : i32
      %mul3A_11 = arith.constant 128 : i32
      %mul3A_12 = arith.muli %add3A_10, %mul3A_11 : i32
      %jit3A = arith.constant 4096 : i32
      %div3A = arith.divsi %mul3A_12, %jit3A : i32
      %sign3A = arith.constant 0 : i32
      %sign3A_13 = arith.cmpi sgt, %mul3A_12, %sign3A : i32
      %sign3A_14 = arith.extui %sign3A_13 : i1 to i32
      %sign3A_15 = arith.constant 0 : i32
      %sign3A_16 = arith.cmpi slt, %mul3A_12, %sign3A_15 : i32
      %sign3A_17 = arith.extui %sign3A_16 : i1 to i32
      %sign3A_18 = arith.subi %sign3A_14, %sign3A_17 : i32
      %sign3A_19 = arith.constant 0 : i32
      %sign3A_20 = arith.cmpi sgt, %jit3A, %sign3A_19 : i32
      %sign3A_21 = arith.extui %sign3A_20 : i1 to i32
      %sign3A_22 = arith.constant 0 : i32
      %sign3A_23 = arith.cmpi slt, %jit3A, %sign3A_22 : i32
      %sign3A_24 = arith.extui %sign3A_23 : i1 to i32
      %sign3A_25 = arith.subi %sign3A_21, %sign3A_24 : i32
      %ne3A = arith.cmpi ne, %sign3A_18, %sign3A_25 : i32
      %rem3A = arith.remsi %mul3A_12, %jit3A : i32
      %ne3A_26 = arith.constant 0 : i32
      %ne3A_27 = arith.cmpi ne, %rem3A, %ne3A_26 : i32
      %and3A = arith.andi %ne3A, %ne3A_27 : i1
      %sub3A = arith.constant 1 : i32
      %sub3A_28 = arith.subi %div3A, %sub3A : i32
      %select_n3A = arith.select %and3A, %sub3A_28, %div3A : i32
      %jit3A_29 = arith.constant 4096 : i32
      %eq3A = arith.constant 0 : i32
      %eq3A_30 = arith.cmpi eq, %jit3A_29, %eq3A : i32
      %jit3A_31 = arith.constant 1 : i32
      %select_n3A_32 = arith.select %eq3A_30, %jit3A_31, %jit3A_29 : i32
      %rem3A_33 = arith.remsi %mul3A_12, %select_n3A_32 : i32
      %ne3A_34 = arith.constant 0 : i32
      %ne3A_35 = arith.cmpi ne, %rem3A_33, %ne3A_34 : i32
      %lt3A = arith.constant 0 : i32
      %lt3A_36 = arith.cmpi slt, %rem3A_33, %lt3A : i32
      %lt3A_37 = arith.constant 0 : i32
      %lt3A_38 = arith.cmpi slt, %select_n3A_32, %lt3A_37 : i32
      %ne3A_39 = arith.xori %lt3A_36, %lt3A_38 : i1
      %and3A_40 = arith.andi %ne3A_39, %ne3A_35 : i1
      %add3A_41 = arith.addi %rem3A_33, %select_n3A_32 : i32
      %select_n3A_42 = arith.select %and3A_40, %add3A_41, %rem3A_33 : i32
      "tpu.region"() ({
        %run_scoped3A = tpu.sem_alloc : memref<!tpu.dma_semaphore, #tpu.memory_space<semaphore_mem>>
        %dma_start3A_1830 = arith.constant 0 : i32
        %dma_start3A_1831 = tpu.memref_slice %arg2[%add3A_10, %dma_start3A_1830] : memref<6400x128xi32, #tpu.memory_space<hbm>> -> memref<8x128xi32, #tpu.memory_space<hbm>>
        %dma_start3A_1832 = arith.constant 0 : i32
        %dma_start3A_1833 = tpu.memref_slice %arg2[%add3A_10, %dma_start3A_1832] : memref<6400x128xi32, #tpu.memory_space<hbm>> -> memref<8x128xi32, #tpu.memory_space<hbm>>
        tpu.enqueue_dma source(%dma_start3A_1833 : memref<8x128xi32, #tpu.memory_space<hbm>>) target(%arg9 : memref<8x128xi32, #tpu.memory_space<vmem>>) target_semaphore(%run_scoped3A : memref<!tpu.dma_semaphore, #tpu.memory_space<semaphore_mem>>)
        %dma_wait3A_1834 = arith.constant 0 : i32
        %dma_wait3A_1835 = tpu.memref_slice %arg2[%add3A_10, %dma_wait3A_1834] : memref<6400x128xi32, #tpu.memory_space<hbm>> -> memref<8x128xi32, #tpu.memory_space<hbm>>
        %dma_wait3A_1836 = arith.constant 0 : i32
        %dma_wait3A_1837 = tpu.memref_slice %arg2[%add3A_10, %dma_wait3A_1836] : memref<6400x128xi32, #tpu.memory_space<hbm>> -> memref<8x128xi32, #tpu.memory_space<hbm>>
        tpu.wait_dma2 semaphore(%run_scoped3A : memref<!tpu.dma_semaphore, #tpu.memory_space<semaphore_mem>>) src(%dma_wait3A_1837 : memref<8x128xi32, #tpu.memory_space<hbm>>) dst(%arg9 : memref<8x128xi32, #tpu.memory_space<vmem>>)
        tpu.yield
      }) : () -> ()
      "tpu.region"() ({
        %run_scoped3A = tpu.sem_alloc : memref<!tpu.dma_semaphore, #tpu.memory_space<semaphore_mem>>
        %dma_start3A_1830 = arith.constant 0 : i32
        %dma_start3A_1831 = tpu.memref_slice %arg3[%add3A_10, %dma_start3A_1830] : memref<6400x128xi32, #tpu.memory_space<hbm>> -> memref<8x128xi32, #tpu.memory_space<hbm>>
        %dma_start3A_1832 = arith.constant 0 : i32
        %dma_start3A_1833 = tpu.memref_slice %arg3[%add3A_10, %dma_start3A_1832] : memref<6400x128xi32, #tpu.memory_space<hbm>> -> memref<8x128xi32, #tpu.memory_space<hbm>>
        tpu.enqueue_dma source(%dma_start3A_1833 : memref<8x128xi32, #tpu.memory_space<hbm>>) target(%arg10 : memref<8x128xi32, #tpu.memory_space<vmem>>) target_semaphore(%run_scoped3A : memref<!tpu.dma_semaphore, #tpu.memory_space<semaphore_mem>>)
        %dma_wait3A_1834 = arith.constant 0 : i32
        %dma_wait3A_1835 = tpu.memref_slice %arg3[%add3A_10, %dma_wait3A_1834] : memref<6400x128xi32, #tpu.memory_space<hbm>> -> memref<8x128xi32, #tpu.memory_space<hbm>>
        %dma_wait3A_1836 = arith.constant 0 : i32
        %dma_wait3A_1837 = tpu.memref_slice %arg3[%add3A_10, %dma_wait3A_1836] : memref<6400x128xi32, #tpu.memory_space<hbm>> -> memref<8x128xi32, #tpu.memory_space<hbm>>
        tpu.wait_dma2 semaphore(%run_scoped3A : memref<!tpu.dma_semaphore, #tpu.memory_space<semaphore_mem>>) src(%dma_wait3A_1837 : memref<8x128xi32, #tpu.memory_space<hbm>>) dst(%arg10 : memref<8x128xi32, #tpu.memory_space<vmem>>)
        tpu.yield
      }) : () -> ()
      "tpu.region"() ({
        %run_scoped3A = tpu.sem_alloc : memref<!tpu.dma_semaphore, #tpu.memory_space<semaphore_mem>>
        %dma_start3A_1830 = arith.constant 0 : i32
        %dma_start3A_1831 = tpu.memref_slice %arg4[%add3A_10, %dma_start3A_1830] : memref<6400x128xi32, #tpu.memory_space<hbm>> -> memref<8x128xi32, #tpu.memory_space<hbm>>
        %dma_start3A_1832 = arith.constant 0 : i32
        %dma_start3A_1833 = tpu.memref_slice %arg4[%add3A_10, %dma_start3A_1832] : memref<6400x128xi32, #tpu.memory_space<hbm>> -> memref<8x128xi32, #tpu.memory_space<hbm>>
        tpu.enqueue_dma source(%dma_start3A_1833 : memref<8x128xi32, #tpu.memory_space<hbm>>) target(%arg11 : memref<8x128xi32, #tpu.memory_space<vmem>>) target_semaphore(%run_scoped3A : memref<!tpu.dma_semaphore, #tpu.memory_space<semaphore_mem>>)
        %dma_wait3A_1834 = arith.constant 0 : i32
        %dma_wait3A_1835 = tpu.memref_slice %arg4[%add3A_10, %dma_wait3A_1834] : memref<6400x128xi32, #tpu.memory_space<hbm>> -> memref<8x128xi32, #tpu.memory_space<hbm>>
        %dma_wait3A_1836 = arith.constant 0 : i32
        %dma_wait3A_1837 = tpu.memref_slice %arg4[%add3A_10, %dma_wait3A_1836] : memref<6400x128xi32, #tpu.memory_space<hbm>> -> memref<8x128xi32, #tpu.memory_space<hbm>>
        tpu.wait_dma2 semaphore(%run_scoped3A : memref<!tpu.dma_semaphore, #tpu.memory_space<semaphore_mem>>) src(%dma_wait3A_1837 : memref<8x128xi32, #tpu.memory_space<hbm>>) dst(%arg11 : memref<8x128xi32, #tpu.memory_space<vmem>>)
        tpu.yield
      }) : () -> ()
      %get3A = arith.constant 0 : i32
      %get3A_43 = arith.index_cast %get3A : i32 to index
      %get3A_44 = arith.constant 0 : index
      %get3A_45 = tpu.vector_load %arg10[%get3A_43, %get3A_44] {strides = array<i32>} : memref<8x128xi32, #tpu.memory_space<vmem>>, vector<1x16xi32>,
      %get3A_46 = vector.shape_cast %get3A_45 : vector<1x16xi32> to vector<16xi32>
      %get3A_47 = arith.constant 0 : i32
      %get3A_48 = arith.index_cast %get3A_47 : i32 to index
      %get3A_49 = arith.constant 0 : index
      %get3A_50 = tpu.vector_load %arg11[%get3A_48, %get3A_49] {strides = array<i32>} : memref<8x128xi32, #tpu.memory_space<vmem>>, vector<1x16xi32>,
      %get3A_51 = vector.shape_cast %get3A_50 : vector<1x16xi32> to vector<16xi32>
      %max3A = arith.constant 0 : i32
      %max3A_52 = vector.broadcast %max3A : i32 to vector<16xi32>
      %max3A_53 = arith.maxsi %get3A_51, %max3A_52 : vector<16xi32>
      %mul3A_54 = arith.constant 8 : i32
      %mul3A_55 = vector.broadcast %mul3A_54 : i32 to vector<16xi32>
      %mul3A_56 = arith.muli %get3A_46, %mul3A_55 : vector<16xi32>
      %add3A_57 = arith.addi %mul3A_56, %max3A_53 : vector<16xi32>
      %swap3A = arith.constant 0 : i32
      %swap3A_58 = arith.index_cast %swap3A : i32 to index
      %swap3A_59 = arith.constant 0 : index
      %swap3A_60 = tpu.vector_load %arg12[%swap3A_58, %swap3A_59] {strides = array<i32>} : memref<8x128xi32, #tpu.memory_space<vmem>>, vector<1x16xi32>,
      %swap3A_61 = vector.shape_cast %swap3A_60 : vector<1x16xi32> to vector<16xi32>
      %swap3A_62 = vector.shape_cast %add3A_57 : vector<16xi32> to vector<1x16xi32>
      tpu.vector_store %arg12[%swap3A_58, %swap3A_59], %swap3A_62 {strides = array<i32>} : memref<8x128xi32, #tpu.memory_space<vmem>>, vector<1x16xi32>,
      %get3A_63 = arith.constant 0 : i32
      %get3A_64 = arith.index_cast %get3A_63 : i32 to index
      %get3A_65 = arith.constant 16 : index
      %get3A_66 = tpu.vector_load %arg10[%get3A_64, %get3A_65] {strides = array<i32>} : memref<8x128xi32, #tpu.memory_space<vmem>>, vector<1x16xi32>,
      %get3A_67 = vector.shape_cast %get3A_66 : vector<1x16xi32> to vector<16xi32>
      %get3A_68 = arith.constant 0 : i32
      %get3A_69 = arith.index_cast %get3A_68 : i32 to index
      %get3A_70 = arith.constant 16 : index
      %get3A_71 = tpu.vector_load %arg11[%get3A_69, %get3A_70] {strides = array<i32>} : memref<8x128xi32, #tpu.memory_space<vmem>>, vector<1x16xi32>,
      %get3A_72 = vector.shape_cast %get3A_71 : vector<1x16xi32> to vector<16xi32>
      %max3A_73 = arith.constant 0 : i32
      %max3A_74 = vector.broadcast %max3A_73 : i32 to vector<16xi32>
      %max3A_75 = arith.maxsi %get3A_72, %max3A_74 : vector<16xi32>
      %mul3A_76 = arith.constant 8 : i32
      %mul3A_77 = vector.broadcast %mul3A_76 : i32 to vector<16xi32>
      %mul3A_78 = arith.muli %get3A_67, %mul3A_77 : vector<16xi32>
      %add3A_79 = arith.addi %mul3A_78, %max3A_75 : vector<16xi32>
      %swap3A_80 = arith.constant 0 : i32
      %swap3A_81 = arith.index_cast %swap3A_80 : i32 to index
      %swap3A_82 = arith.constant 16 : index
      %swap3A_83 = tpu.vector_load %arg12[%swap3A_81, %swap3A_82] {strides = array<i32>} : memref<8x128xi32, #tpu.memory_space<vmem>>, vector<1x16xi32>,
      %swap3A_84 = vector.shape_cast %swap3A_83 : vector<1x16xi32> to vector<16xi32>
      %swap3A_85 = vector.shape_cast %add3A_79 : vector<16xi32> to vector<1x16xi32>
      tpu.vector_store %arg12[%swap3A_81, %swap3A_82], %swap3A_85 {strides = array<i32>} : memref<8x128xi32, #tpu.memory_space<vmem>>, vector<1x16xi32>,
      %get3A_86 = arith.constant 0 : i32
      %get3A_87 = arith.index_cast %get3A_86 : i32 to index
      %get3A_88 = arith.constant 32 : index
      %get3A_89 = tpu.vector_load %arg10[%get3A_87, %get3A_88] {strides = array<i32>} : memref<8x128xi32, #tpu.memory_space<vmem>>, vector<1x16xi32>,
      %get3A_90 = vector.shape_cast %get3A_89 : vector<1x16xi32> to vector<16xi32>
      %get3A_91 = arith.constant 0 : i32
      %get3A_92 = arith.index_cast %get3A_91 : i32 to index
      %get3A_93 = arith.constant 32 : index
      %get3A_94 = tpu.vector_load %arg11[%get3A_92, %get3A_93] {strides = array<i32>} : memref<8x128xi32, #tpu.memory_space<vmem>>, vector<1x16xi32>,
      %get3A_95 = vector.shape_cast %get3A_94 : vector<1x16xi32> to vector<16xi32>
      %max3A_96 = arith.constant 0 : i32
      %max3A_97 = vector.broadcast %max3A_96 : i32 to vector<16xi32>
      %max3A_98 = arith.maxsi %get3A_95, %max3A_97 : vector<16xi32>
      %mul3A_99 = arith.constant 8 : i32
      %mul3A_100 = vector.broadcast %mul3A_99 : i32 to vector<16xi32>
      %mul3A_101 = arith.muli %get3A_90, %mul3A_100 : vector<16xi32>
      %add3A_102 = arith.addi %mul3A_101, %max3A_98 : vector<16xi32>
      %swap3A_103 = arith.constant 0 : i32
      %swap3A_104 = arith.index_cast %swap3A_103 : i32 to index
      %swap3A_105 = arith.constant 32 : index
      %swap3A_106 = tpu.vector_load %arg12[%swap3A_104, %swap3A_105] {strides = array<i32>} : memref<8x128xi32, #tpu.memory_space<vmem>>, vector<1x16xi32>,
      %swap3A_107 = vector.shape_cast %swap3A_106 : vector<1x16xi32> to vector<16xi32>
      %swap3A_108 = vector.shape_cast %add3A_102 : vector<16xi32> to vector<1x16xi32>
      tpu.vector_store %arg12[%swap3A_104, %swap3A_105], %swap3A_108 {strides = array<i32>} : memref<8x128xi32, #tpu.memory_space<vmem>>, vector<1x16xi32>,
      %get3A_109 = arith.constant 0 : i32
      %get3A_110 = arith.index_cast %get3A_109 : i32 to index
      %get3A_111 = arith.constant 48 : index
      %get3A_112 = tpu.vector_load %arg10[%get3A_110, %get3A_111] {strides = array<i32>} : memref<8x128xi32, #tpu.memory_space<vmem>>, vector<1x16xi32>,
      %get3A_113 = vector.shape_cast %get3A_112 : vector<1x16xi32> to vector<16xi32>
      %get3A_114 = arith.constant 0 : i32
      %get3A_115 = arith.index_cast %get3A_114 : i32 to index
      %get3A_116 = arith.constant 48 : index
      %get3A_117 = tpu.vector_load %arg11[%get3A_115, %get3A_116] {strides = array<i32>} : memref<8x128xi32, #tpu.memory_space<vmem>>, vector<1x16xi32>,
      %get3A_118 = vector.shape_cast %get3A_117 : vector<1x16xi32> to vector<16xi32>
      %max3A_119 = arith.constant 0 : i32
      %max3A_120 = vector.broadcast %max3A_119 : i32 to vector<16xi32>
      %max3A_121 = arith.maxsi %get3A_118, %max3A_120 : vector<16xi32>
      %mul3A_122 = arith.constant 8 : i32
      %mul3A_123 = vector.broadcast %mul3A_122 : i32 to vector<16xi32>
      %mul3A_124 = arith.muli %get3A_113, %mul3A_123 : vector<16xi32>
      %add3A_125 = arith.addi %mul3A_124, %max3A_121 : vector<16xi32>
      %swap3A_126 = arith.constant 0 : i32
      %swap3A_127 = arith.index_cast %swap3A_126 : i32 to index
      %swap3A_128 = arith.constant 48 : index
      %swap3A_129 = tpu.vector_load %arg12[%swap3A_127, %swap3A_128] {strides = array<i32>} : memref<8x128xi32, #tpu.memory_space<vmem>>, vector<1x16xi32>,
      %swap3A_130 = vector.shape_cast %swap3A_129 : vector<1x16xi32> to vector<16xi32>
      %swap3A_131 = vector.shape_cast %add3A_125 : vector<16xi32> to vector<1x16xi32>
      tpu.vector_store %arg12[%swap3A_127, %swap3A_128], %swap3A_131 {strides = array<i32>} : memref<8x128xi32, #tpu.memory_space<vmem>>, vector<1x16xi32>,
      %get3A_132 = arith.constant 0 : i32
      %get3A_133 = arith.index_cast %get3A_132 : i32 to index
      %get3A_134 = arith.constant 64 : index
      %get3A_135 = tpu.vector_load %arg10[%get3A_133, %get3A_134] {strides = array<i32>} : memref<8x128xi32, #tpu.memory_space<vmem>>, vector<1x16xi32>,
      %get3A_136 = vector.shape_cast %get3A_135 : vector<1x16xi32> to vector<16xi32>
      %get3A_137 = arith.constant 0 : i32
      %get3A_138 = arith.index_cast %get3A_137 : i32 to index
      %get3A_139 = arith.constant 64 : index
      %get3A_140 = tpu.vector_load %arg11[%get3A_138, %get3A_139] {strides = array<i32>} : memref<8x128xi32, #tpu.memory_space<vmem>>, vector<1x16xi32>,
      %get3A_141 = vector.shape_cast %get3A_140 : vector<1x16xi32> to vector<16xi32>
      %max3A_142 = arith.constant 0 : i32
      %max3A_143 = vector.broadcast %max3A_142 : i32 to vector<16xi32>
      %max3A_144 = arith.maxsi %get3A_141, %max3A_143 : vector<16xi32>
      %mul3A_145 = arith.constant 8 : i32
      %mul3A_146 = vector.broadcast %mul3A_145 : i32 to vector<16xi32>
      %mul3A_147 = arith.muli %get3A_136, %mul3A_146 : vector<16xi32>
      %add3A_148 = arith.addi %mul3A_147, %max3A_144 : vector<16xi32>
      %swap3A_149 = arith.constant 0 : i32
      %swap3A_150 = arith.index_cast %swap3A_149 : i32 to index
      %swap3A_151 = arith.constant 64 : index
      %swap3A_152 = tpu.vector_load %arg12[%swap3A_150, %swap3A_151] {strides = array<i32>} : memref<8x128xi32, #tpu.memory_space<vmem>>, vector<1x16xi32>,
      %swap3A_153 = vector.shape_cast %swap3A_152 : vector<1x16xi32> to vector<16xi32>
      %swap3A_154 = vector.shape_cast %add3A_148 : vector<16xi32> to vector<1x16xi32>
      tpu.vector_store %arg12[%swap3A_150, %swap3A_151], %swap3A_154 {strides = array<i32>} : memref<8x128xi32, #tpu.memory_space<vmem>>, vector<1x16xi32>,
      %get3A_155 = arith.constant 0 : i32
      %get3A_156 = arith.index_cast %get3A_155 : i32 to index
      %get3A_157 = arith.constant 80 : index
      %get3A_158 = tpu.vector_load %arg10[%get3A_156, %get3A_157] {strides = array<i32>} : memref<8x128xi32, #tpu.memory_space<vmem>>, vector<1x16xi32>,
      %get3A_159 = vector.shape_cast %get3A_158 : vector<1x16xi32> to vector<16xi32>
      %get3A_160 = arith.constant 0 : i32
      %get3A_161 = arith.index_cast %get3A_160 : i32 to index
      %get3A_162 = arith.constant 80 : index
      %get3A_163 = tpu.vector_load %arg11[%get3A_161, %get3A_162] {strides = array<i32>} : memref<8x128xi32, #tpu.memory_space<vmem>>, vector<1x16xi32>,
      %get3A_164 = vector.shape_cast %get3A_163 : vector<1x16xi32> to vector<16xi32>
      %max3A_165 = arith.constant 0 : i32
      %max3A_166 = vector.broadcast %max3A_165 : i32 to vector<16xi32>
      %max3A_167 = arith.maxsi %get3A_164, %max3A_166 : vector<16xi32>
      %mul3A_168 = arith.constant 8 : i32
      %mul3A_169 = vector.broadcast %mul3A_168 : i32 to vector<16xi32>
      %mul3A_170 = arith.muli %get3A_159, %mul3A_169 : vector<16xi32>
      %add3A_171 = arith.addi %mul3A_170, %max3A_167 : vector<16xi32>
      %swap3A_172 = arith.constant 0 : i32
      %swap3A_173 = arith.index_cast %swap3A_172 : i32 to index
      %swap3A_174 = arith.constant 80 : index
      %swap3A_175 = tpu.vector_load %arg12[%swap3A_173, %swap3A_174] {strides = array<i32>} : memref<8x128xi32, #tpu.memory_space<vmem>>, vector<1x16xi32>,
      %swap3A_176 = vector.shape_cast %swap3A_175 : vector<1x16xi32> to vector<16xi32>
      %swap3A_177 = vector.shape_cast %add3A_171 : vector<16xi32> to vector<1x16xi32>
      tpu.vector_store %arg12[%swap3A_173, %swap3A_174], %swap3A_177 {strides = array<i32>} : memref<8x128xi32, #tpu.memory_space<vmem>>, vector<1x16xi32>,
      %get3A_178 = arith.constant 0 : i32
      %get3A_179 = arith.index_cast %get3A_178 : i32 to index
      %get3A_180 = arith.constant 96 : index
      %get3A_181 = tpu.vector_load %arg10[%get3A_179, %get3A_180] {strides = array<i32>} : memref<8x128xi32, #tpu.memory_space<vmem>>, vector<1x16xi32>,
      %get3A_182 = vector.shape_cast %get3A_181 : vector<1x16xi32> to vector<16xi32>
      %get3A_183 = arith.constant 0 : i32
      %get3A_184 = arith.index_cast %get3A_183 : i32 to index
      %get3A_185 = arith.constant 96 : index
      %get3A_186 = tpu.vector_load %arg11[%get3A_184, %get3A_185] {strides = array<i32>} : memref<8x128xi32, #tpu.memory_space<vmem>>, vector<1x16xi32>,
      %get3A_187 = vector.shape_cast %get3A_186 : vector<1x16xi32> to vector<16xi32>
      %max3A_188 = arith.constant 0 : i32
      %max3A_189 = vector.broadcast %max3A_188 : i32 to vector<16xi32>
      %max3A_190 = arith.maxsi %get3A_187, %max3A_189 : vector<16xi32>
      %mul3A_191 = arith.constant 8 : i32
      %mul3A_192 = vector.broadcast %mul3A_191 : i32 to vector<16xi32>
      %mul3A_193 = arith.muli %get3A_182, %mul3A_192 : vector<16xi32>
      %add3A_194 = arith.addi %mul3A_193, %max3A_190 : vector<16xi32>
      %swap3A_195 = arith.constant 0 : i32
      %swap3A_196 = arith.index_cast %swap3A_195 : i32 to index
      %swap3A_197 = arith.constant 96 : index
      %swap3A_198 = tpu.vector_load %arg12[%swap3A_196, %swap3A_197] {strides = array<i32>} : memref<8x128xi32, #tpu.memory_space<vmem>>, vector<1x16xi32>,
      %swap3A_199 = vector.shape_cast %swap3A_198 : vector<1x16xi32> to vector<16xi32>
      %swap3A_200 = vector.shape_cast %add3A_194 : vector<16xi32> to vector<1x16xi32>
      tpu.vector_store %arg12[%swap3A_196, %swap3A_197], %swap3A_200 {strides = array<i32>} : memref<8x128xi32, #tpu.memory_space<vmem>>, vector<1x16xi32>,
      %get3A_201 = arith.constant 0 : i32
      %get3A_202 = arith.index_cast %get3A_201 : i32 to index
      %get3A_203 = arith.constant 112 : index
      %get3A_204 = tpu.vector_load %arg10[%get3A_202, %get3A_203] {strides = array<i32>} : memref<8x128xi32, #tpu.memory_space<vmem>>, vector<1x16xi32>,
      %get3A_205 = vector.shape_cast %get3A_204 : vector<1x16xi32> to vector<16xi32>
      %get3A_206 = arith.constant 0 : i32
      %get3A_207 = arith.index_cast %get3A_206 : i32 to index
      %get3A_208 = arith.constant 112 : index
      %get3A_209 = tpu.vector_load %arg11[%get3A_207, %get3A_208] {strides = array<i32>} : memref<8x128xi32, #tpu.memory_space<vmem>>, vector<1x16xi32>,
      %get3A_210 = vector.shape_cast %get3A_209 : vector<1x16xi32> to vector<16xi32>
      %max3A_211 = arith.constant 0 : i32
      %max3A_212 = vector.broadcast %max3A_211 : i32 to vector<16xi32>
      %max3A_213 = arith.maxsi %get3A_210, %max3A_212 : vector<16xi32>
      %mul3A_214 = arith.constant 8 : i32
      %mul3A_215 = vector.broadcast %mul3A_214 : i32 to vector<16xi32>
      %mul3A_216 = arith.muli %get3A_205, %mul3A_215 : vector<16xi32>
      %add3A_217 = arith.addi %mul3A_216, %max3A_213 : vector<16xi32>
      %swap3A_218 = arith.constant 0 : i32
      %swap3A_219 = arith.index_cast %swap3A_218 : i32 to index
      %swap3A_220 = arith.constant 112 : index
      %swap3A_221 = tpu.vector_load %arg12[%swap3A_219, %swap3A_220] {strides = array<i32>} : memref<8x128xi32, #tpu.memory_space<vmem>>, vector<1x16xi32>,
      %swap3A_222 = vector.shape_cast %swap3A_221 : vector<1x16xi32> to vector<16xi32>
      %swap3A_223 = vector.shape_cast %add3A_217 : vector<16xi32> to vector<1x16xi32>
      tpu.vector_store %arg12[%swap3A_219, %swap3A_220], %swap3A_223 {strides = array<i32>} : memref<8x128xi32, #tpu.memory_space<vmem>>, vector<1x16xi32>,
      %get3A_224 = arith.constant 1 : i32
      %get3A_225 = arith.index_cast %get3A_224 : i32 to index
      %get3A_226 = arith.constant 0 : index
      %get3A_227 = tpu.vector_load %arg10[%get3A_225, %get3A_226] {strides = array<i32>} : memref<8x128xi32, #tpu.memory_space<vmem>>, vector<1x16xi32>,
      %get3A_228 = vector.shape_cast %get3A_227 : vector<1x16xi32> to vector<16xi32>
      %get3A_229 = arith.constant 1 : i32
      %get3A_230 = arith.index_cast %get3A_229 : i32 to index
      %get3A_231 = arith.constant 0 : index
      %get3A_232 = tpu.vector_load %arg11[%get3A_230, %get3A_231] {strides = array<i32>} : memref<8x128xi32, #tpu.memory_space<vmem>>, vector<1x16xi32>,
      %get3A_233 = vector.shape_cast %get3A_232 : vector<1x16xi32> to vector<16xi32>
      %max3A_234 = arith.constant 0 : i32
      %max3A_235 = vector.broadcast %max3A_234 : i32 to vector<16xi32>
      %max3A_236 = arith.maxsi %get3A_233, %max3A_235 : vector<16xi32>
      %mul3A_237 = arith.constant 8 : i32
      %mul3A_238 = vector.broadcast %mul3A_237 : i32 to vector<16xi32>
      %mul3A_239 = arith.muli %get3A_228, %mul3A_238 : vector<16xi32>
      %add3A_240 = arith.addi %mul3A_239, %max3A_236 : vector<16xi32>
      %swap3A_241 = arith.constant 1 : i32
      %swap3A_242 = arith.index_cast %swap3A_241 : i32 to index
      %swap3A_243 = arith.constant 0 : index
      %swap3A_244 = tpu.vector_load %arg12[%swap3A_242, %swap3A_243] {strides = array<i32>} : memref<8x128xi32, #tpu.memory_space<vmem>>, vector<1x16xi32>,
      %swap3A_245 = vector.shape_cast %swap3A_244 : vector<1x16xi32> to vector<16xi32>
      %swap3A_246 = vector.shape_cast %add3A_240 : vector<16xi32> to vector<1x16xi32>
      tpu.vector_store %arg12[%swap3A_242, %swap3A_243], %swap3A_246 {strides = array<i32>} : memref<8x128xi32, #tpu.memory_space<vmem>>, vector<1x16xi32>,
      %get3A_247 = arith.constant 1 : i32
      %get3A_248 = arith.index_cast %get3A_247 : i32 to index
      %get3A_249 = arith.constant 16 : index
      %get3A_250 = tpu.vector_load %arg10[%get3A_248, %get3A_249] {strides = array<i32>} : memref<8x128xi32, #tpu.memory_space<vmem>>, vector<1x16xi32>,
      %get3A_251 = vector.shape_cast %get3A_250 : vector<1x16xi32> to vector<16xi32>
      %get3A_252 = arith.constant 1 : i32
      %get3A_253 = arith.index_cast %get3A_252 : i32 to index
      %get3A_254 = arith.constant 16 : index
      %get3A_255 = tpu.vector_load %arg11[%get3A_253, %get3A_254] {strides = array<i32>} : memref<8x128xi32, #tpu.memory_space<vmem>>, vector<1x16xi32>,
      %get3A_256 = vector.shape_cast %get3A_255 : vector<1x16xi32> to vector<16xi32>
      %max3A_257 = arith.constant 0 : i32
      %max3A_258 = vector.broadcast %max3A_257 : i32 to vector<16xi32>
      %max3A_259 = arith.maxsi %get3A_256, %max3A_258 : vector<16xi32>
      %mul3A_260 = arith.constant 8 : i32
      %mul3A_261 = vector.broadcast %mul3A_260 : i32 to vector<16xi32>
      %mul3A_262 = arith.muli %get3A_251, %mul3A_261 : vector<16xi32>
      %add3A_263 = arith.addi %mul3A_262, %max3A_259 : vector<16xi32>
      %swap3A_264 = arith.constant 1 : i32
      %swap3A_265 = arith.index_cast %swap3A_264 : i32 to index
      %swap3A_266 = arith.constant 16 : index
      %swap3A_267 = tpu.vector_load %arg12[%swap3A_265, %swap3A_266] {strides = array<i32>} : memref<8x128xi32, #tpu.memory_space<vmem>>, vector<1x16xi32>,
      %swap3A_268 = vector.shape_cast %swap3A_267 : vector<1x16xi32> to vector<16xi32>
      %swap3A_269 = vector.shape_cast %add3A_263 : vector<16xi32> to vector<1x16xi32>
      tpu.vector_store %arg12[%swap3A_265, %swap3A_266], %swap3A_269 {strides = array<i32>} : memref<8x128xi32, #tpu.memory_space<vmem>>, vector<1x16xi32>,
      %get3A_270 = arith.constant 1 : i32
      %get3A_271 = arith.index_cast %get3A_270 : i32 to index
      %get3A_272 = arith.constant 32 : index
      %get3A_273 = tpu.vector_load %arg10[%get3A_271, %get3A_272] {strides = array<i32>} : memref<8x128xi32, #tpu.memory_space<vmem>>, vector<1x16xi32>,
      %get3A_274 = vector.shape_cast %get3A_273 : vector<1x16xi32> to vector<16xi32>
      %get3A_275 = arith.constant 1 : i32
      %get3A_276 = arith.index_cast %get3A_275 : i32 to index
      %get3A_277 = arith.constant 32 : index
      %get3A_278 = tpu.vector_load %arg11[%get3A_276, %get3A_277] {strides = array<i32>} : memref<8x128xi32, #tpu.memory_space<vmem>>, vector<1x16xi32>,
      %get3A_279 = vector.shape_cast %get3A_278 : vector<1x16xi32> to vector<16xi32>
      %max3A_280 = arith.constant 0 : i32
      %max3A_281 = vector.broadcast %max3A_280 : i32 to vector<16xi32>
      %max3A_282 = arith.maxsi %get3A_279, %max3A_281 : vector<16xi32>
      %mul3A_283 = arith.constant 8 : i32
      %mul3A_284 = vector.broadcast %mul3A_283 : i32 to vector<16xi32>
      %mul3A_285 = arith.muli %get3A_274, %mul3A_284 : vector<16xi32>
      %add3A_286 = arith.addi %mul3A_285, %max3A_282 : vector<16xi32>
      %swap3A_287 = arith.constant 1 : i32
      %swap3A_288 = arith.index_cast %swap3A_287 : i32 to index
      %swap3A_289 = arith.constant 32 : index
      %swap3A_290 = tpu.vector_load %arg12[%swap3A_288, %swap3A_289] {strides = array<i32>} : memref<8x128xi32, #tpu.memory_space<vmem>>, vector<1x16xi32>,
      %swap3A_291 = vector.shape_cast %swap3A_290 : vector<1x16xi32> to vector<16xi32>
      %swap3A_292 = vector.shape_cast %add3A_286 : vector<16xi32> to vector<1x16xi32>
      tpu.vector_store %arg12[%swap3A_288, %swap3A_289], %swap3A_292 {strides = array<i32>} : memref<8x128xi32, #tpu.memory_space<vmem>>, vector<1x16xi32>,
      %get3A_293 = arith.constant 1 : i32
      %get3A_294 = arith.index_cast %get3A_293 : i32 to index
      %get3A_295 = arith.constant 48 : index
      %get3A_296 = tpu.vector_load %arg10[%get3A_294, %get3A_295] {strides = array<i32>} : memref<8x128xi32, #tpu.memory_space<vmem>>, vector<1x16xi32>,
      %get3A_297 = vector.shape_cast %get3A_296 : vector<1x16xi32> to vector<16xi32>
      %get3A_298 = arith.constant 1 : i32
      %get3A_299 = arith.index_cast %get3A_298 : i32 to index
      %get3A_300 = arith.constant 48 : index
      %get3A_301 = tpu.vector_load %arg11[%get3A_299, %get3A_300] {strides = array<i32>} : memref<8x128xi32, #tpu.memory_space<vmem>>, vector<1x16xi32>,
      %get3A_302 = vector.shape_cast %get3A_301 : vector<1x16xi32> to vector<16xi32>
      %max3A_303 = arith.constant 0 : i32
      %max3A_304 = vector.broadcast %max3A_303 : i32 to vector<16xi32>
      %max3A_305 = arith.maxsi %get3A_302, %max3A_304 : vector<16xi32>
      %mul3A_306 = arith.constant 8 : i32
      %mul3A_307 = vector.broadcast %mul3A_306 : i32 to vector<16xi32>
      %mul3A_308 = arith.muli %get3A_297, %mul3A_307 : vector<16xi32>
      %add3A_309 = arith.addi %mul3A_308, %max3A_305 : vector<16xi32>
      %swap3A_310 = arith.constant 1 : i32
      %swap3A_311 = arith.index_cast %swap3A_310 : i32 to index
      %swap3A_312 = arith.constant 48 : index
      %swap3A_313 = tpu.vector_load %arg12[%swap3A_311, %swap3A_312] {strides = array<i32>} : memref<8x128xi32, #tpu.memory_space<vmem>>, vector<1x16xi32>,
      %swap3A_314 = vector.shape_cast %swap3A_313 : vector<1x16xi32> to vector<16xi32>
      %swap3A_315 = vector.shape_cast %add3A_309 : vector<16xi32> to vector<1x16xi32>
      tpu.vector_store %arg12[%swap3A_311, %swap3A_312], %swap3A_315 {strides = array<i32>} : memref<8x128xi32, #tpu.memory_space<vmem>>, vector<1x16xi32>,
      %get3A_316 = arith.constant 1 : i32
      %get3A_317 = arith.index_cast %get3A_316 : i32 to index
      %get3A_318 = arith.constant 64 : index
      %get3A_319 = tpu.vector_load %arg10[%get3A_317, %get3A_318] {strides = array<i32>} : memref<8x128xi32, #tpu.memory_space<vmem>>, vector<1x16xi32>,
      %get3A_320 = vector.shape_cast %get3A_319 : vector<1x16xi32> to vector<16xi32>
      %get3A_321 = arith.constant 1 : i32
      %get3A_322 = arith.index_cast %get3A_321 : i32 to index
      %get3A_323 = arith.constant 64 : index
      %get3A_324 = tpu.vector_load %arg11[%get3A_322, %get3A_323] {strides = array<i32>} : memref<8x128xi32, #tpu.memory_space<vmem>>, vector<1x16xi32>,
      %get3A_325 = vector.shape_cast %get3A_324 : vector<1x16xi32> to vector<16xi32>
      %max3A_326 = arith.constant 0 : i32
      %max3A_327 = vector.broadcast %max3A_326 : i32 to vector<16xi32>
      %max3A_328 = arith.maxsi %get3A_325, %max3A_327 : vector<16xi32>
      %mul3A_329 = arith.constant 8 : i32
      %mul3A_330 = vector.broadcast %mul3A_329 : i32 to vector<16xi32>
      %mul3A_331 = arith.muli %get3A_320, %mul3A_330 : vector<16xi32>
      %add3A_332 = arith.addi %mul3A_331, %max3A_328 : vector<16xi32>
      %swap3A_333 = arith.constant 1 : i32
      %swap3A_334 = arith.index_cast %swap3A_333 : i32 to index
      %swap3A_335 = arith.constant 64 : index
      %swap3A_336 = tpu.vector_load %arg12[%swap3A_334, %swap3A_335] {strides = array<i32>} : memref<8x128xi32, #tpu.memory_space<vmem>>, vector<1x16xi32>,
      %swap3A_337 = vector.shape_cast %swap3A_336 : vector<1x16xi32> to vector<16xi32>
      %swap3A_338 = vector.shape_cast %add3A_332 : vector<16xi32> to vector<1x16xi32>
      tpu.vector_store %arg12[%swap3A_334, %swap3A_335], %swap3A_338 {strides = array<i32>} : memref<8x128xi32, #tpu.memory_space<vmem>>, vector<1x16xi32>,
      %get3A_339 = arith.constant 1 : i32
      %get3A_340 = arith.index_cast %get3A_339 : i32 to index
      %get3A_341 = arith.constant 80 : index
      %get3A_342 = tpu.vector_load %arg10[%get3A_340, %get3A_341] {strides = array<i32>} : memref<8x128xi32, #tpu.memory_space<vmem>>, vector<1x16xi32>,
      %get3A_343 = vector.shape_cast %get3A_342 : vector<1x16xi32> to vector<16xi32>
      %get3A_344 = arith.constant 1 : i32
      %get3A_345 = arith.index_cast %get3A_344 : i32 to index
      %get3A_346 = arith.constant 80 : index
      %get3A_347 = tpu.vector_load %arg11[%get3A_345, %get3A_346] {strides = array<i32>} : memref<8x128xi32, #tpu.memory_space<vmem>>, vector<1x16xi32>,
      %get3A_348 = vector.shape_cast %get3A_347 : vector<1x16xi32> to vector<16xi32>
      %max3A_349 = arith.constant 0 : i32
      %max3A_350 = vector.broadcast %max3A_349 : i32 to vector<16xi32>
      %max3A_351 = arith.maxsi %get3A_348, %max3A_350 : vector<16xi32>
      %mul3A_352 = arith.constant 8 : i32
      %mul3A_353 = vector.broadcast %mul3A_352 : i32 to vector<16xi32>
      %mul3A_354 = arith.muli %get3A_343, %mul3A_353 : vector<16xi32>
      %add3A_355 = arith.addi %mul3A_354, %max3A_351 : vector<16xi32>
      %swap3A_356 = arith.constant 1 : i32
      %swap3A_357 = arith.index_cast %swap3A_356 : i32 to index
      %swap3A_358 = arith.constant 80 : index
      %swap3A_359 = tpu.vector_load %arg12[%swap3A_357, %swap3A_358] {strides = array<i32>} : memref<8x128xi32, #tpu.memory_space<vmem>>, vector<1x16xi32>,
      %swap3A_360 = vector.shape_cast %swap3A_359 : vector<1x16xi32> to vector<16xi32>
      %swap3A_361 = vector.shape_cast %add3A_355 : vector<16xi32> to vector<1x16xi32>
      tpu.vector_store %arg12[%swap3A_357, %swap3A_358], %swap3A_361 {strides = array<i32>} : memref<8x128xi32, #tpu.memory_space<vmem>>, vector<1x16xi32>,
      %get3A_362 = arith.constant 1 : i32
      %get3A_363 = arith.index_cast %get3A_362 : i32 to index
      %get3A_364 = arith.constant 96 : index
      %get3A_365 = tpu.vector_load %arg10[%get3A_363, %get3A_364] {strides = array<i32>} : memref<8x128xi32, #tpu.memory_space<vmem>>, vector<1x16xi32>,
      %get3A_366 = vector.shape_cast %get3A_365 : vector<1x16xi32> to vector<16xi32>
      %get3A_367 = arith.constant 1 : i32
      %get3A_368 = arith.index_cast %get3A_367 : i32 to index
      %get3A_369 = arith.constant 96 : index
      %get3A_370 = tpu.vector_load %arg11[%get3A_368, %get3A_369] {strides = array<i32>} : memref<8x128xi32, #tpu.memory_space<vmem>>, vector<1x16xi32>,
      %get3A_371 = vector.shape_cast %get3A_370 : vector<1x16xi32> to vector<16xi32>
      %max3A_372 = arith.constant 0 : i32
      %max3A_373 = vector.broadcast %max3A_372 : i32 to vector<16xi32>
      %max3A_374 = arith.maxsi %get3A_371, %max3A_373 : vector<16xi32>
      %mul3A_375 = arith.constant 8 : i32
      %mul3A_376 = vector.broadcast %mul3A_375 : i32 to vector<16xi32>
      %mul3A_377 = arith.muli %get3A_366, %mul3A_376 : vector<16xi32>
      %add3A_378 = arith.addi %mul3A_377, %max3A_374 : vector<16xi32>
      %swap3A_379 = arith.constant 1 : i32
      %swap3A_380 = arith.index_cast %swap3A_379 : i32 to index
      %swap3A_381 = arith.constant 96 : index
      %swap3A_382 = tpu.vector_load %arg12[%swap3A_380, %swap3A_381] {strides = array<i32>} : memref<8x128xi32, #tpu.memory_space<vmem>>, vector<1x16xi32>,
      %swap3A_383 = vector.shape_cast %swap3A_382 : vector<1x16xi32> to vector<16xi32>
      %swap3A_384 = vector.shape_cast %add3A_378 : vector<16xi32> to vector<1x16xi32>
      tpu.vector_store %arg12[%swap3A_380, %swap3A_381], %swap3A_384 {strides = array<i32>} : memref<8x128xi32, #tpu.memory_space<vmem>>, vector<1x16xi32>,
      %get3A_385 = arith.constant 1 : i32
      %get3A_386 = arith.index_cast %get3A_385 : i32 to index
      %get3A_387 = arith.constant 112 : index
      %get3A_388 = tpu.vector_load %arg10[%get3A_386, %get3A_387] {strides = array<i32>} : memref<8x128xi32, #tpu.memory_space<vmem>>, vector<1x16xi32>,
      %get3A_389 = vector.shape_cast %get3A_388 : vector<1x16xi32> to vector<16xi32>
      %get3A_390 = arith.constant 1 : i32
      %get3A_391 = arith.index_cast %get3A_390 : i32 to index
      %get3A_392 = arith.constant 112 : index
      %get3A_393 = tpu.vector_load %arg11[%get3A_391, %get3A_392] {strides = array<i32>} : memref<8x128xi32, #tpu.memory_space<vmem>>, vector<1x16xi32>,
      %get3A_394 = vector.shape_cast %get3A_393 : vector<1x16xi32> to vector<16xi32>
      %max3A_395 = arith.constant 0 : i32
      %max3A_396 = vector.broadcast %max3A_395 : i32 to vector<16xi32>
      %max3A_397 = arith.maxsi %get3A_394, %max3A_396 : vector<16xi32>
      %mul3A_398 = arith.constant 8 : i32
      %mul3A_399 = vector.broadcast %mul3A_398 : i32 to vector<16xi32>
      %mul3A_400 = arith.muli %get3A_389, %mul3A_399 : vector<16xi32>
      %add3A_401 = arith.addi %mul3A_400, %max3A_397 : vector<16xi32>
      %swap3A_402 = arith.constant 1 : i32
      %swap3A_403 = arith.index_cast %swap3A_402 : i32 to index
      %swap3A_404 = arith.constant 112 : index
      %swap3A_405 = tpu.vector_load %arg12[%swap3A_403, %swap3A_404] {strides = array<i32>} : memref<8x128xi32, #tpu.memory_space<vmem>>, vector<1x16xi32>,
      %swap3A_406 = vector.shape_cast %swap3A_405 : vector<1x16xi32> to vector<16xi32>
      %swap3A_407 = vector.shape_cast %add3A_401 : vector<16xi32> to vector<1x16xi32>
      tpu.vector_store %arg12[%swap3A_403, %swap3A_404], %swap3A_407 {strides = array<i32>} : memref<8x128xi32, #tpu.memory_space<vmem>>, vector<1x16xi32>,
      %get3A_408 = arith.constant 2 : i32
      %get3A_409 = arith.index_cast %get3A_408 : i32 to index
      %get3A_410 = arith.constant 0 : index
      %get3A_411 = tpu.vector_load %arg10[%get3A_409, %get3A_410] {strides = array<i32>} : memref<8x128xi32, #tpu.memory_space<vmem>>, vector<1x16xi32>,
      %get3A_412 = vector.shape_cast %get3A_411 : vector<1x16xi32> to vector<16xi32>
      %get3A_413 = arith.constant 2 : i32
      %get3A_414 = arith.index_cast %get3A_413 : i32 to index
      %get3A_415 = arith.constant 0 : index
      %get3A_416 = tpu.vector_load %arg11[%get3A_414, %get3A_415] {strides = array<i32>} : memref<8x128xi32, #tpu.memory_space<vmem>>, vector<1x16xi32>,
      %get3A_417 = vector.shape_cast %get3A_416 : vector<1x16xi32> to vector<16xi32>
      %max3A_418 = arith.constant 0 : i32
      %max3A_419 = vector.broadcast %max3A_418 : i32 to vector<16xi32>
      %max3A_420 = arith.maxsi %get3A_417, %max3A_419 : vector<16xi32>
      %mul3A_421 = arith.constant 8 : i32
      %mul3A_422 = vector.broadcast %mul3A_421 : i32 to vector<16xi32>
      %mul3A_423 = arith.muli %get3A_412, %mul3A_422 : vector<16xi32>
      %add3A_424 = arith.addi %mul3A_423, %max3A_420 : vector<16xi32>
      %swap3A_425 = arith.constant 2 : i32
      %swap3A_426 = arith.index_cast %swap3A_425 : i32 to index
      %swap3A_427 = arith.constant 0 : index
      %swap3A_428 = tpu.vector_load %arg12[%swap3A_426, %swap3A_427] {strides = array<i32>} : memref<8x128xi32, #tpu.memory_space<vmem>>, vector<1x16xi32>,
      %swap3A_429 = vector.shape_cast %swap3A_428 : vector<1x16xi32> to vector<16xi32>
      %swap3A_430 = vector.shape_cast %add3A_424 : vector<16xi32> to vector<1x16xi32>
      tpu.vector_store %arg12[%swap3A_426, %swap3A_427], %swap3A_430 {strides = array<i32>} : memref<8x128xi32, #tpu.memory_space<vmem>>, vector<1x16xi32>,
      %get3A_431 = arith.constant 2 : i32
      %get3A_432 = arith.index_cast %get3A_431 : i32 to index
      %get3A_433 = arith.constant 16 : index
      %get3A_434 = tpu.vector_load %arg10[%get3A_432, %get3A_433] {strides = array<i32>} : memref<8x128xi32, #tpu.memory_space<vmem>>, vector<1x16xi32>,
      %get3A_435 = vector.shape_cast %get3A_434 : vector<1x16xi32> to vector<16xi32>
      %get3A_436 = arith.constant 2 : i32
      %get3A_437 = arith.index_cast %get3A_436 : i32 to index
      %get3A_438 = arith.constant 16 : index
      %get3A_439 = tpu.vector_load %arg11[%get3A_437, %get3A_438] {strides = array<i32>} : memref<8x128xi32, #tpu.memory_space<vmem>>, vector<1x16xi32>,
      %get3A_440 = vector.shape_cast %get3A_439 : vector<1x16xi32> to vector<16xi32>
      %max3A_441 = arith.constant 0 : i32
      %max3A_442 = vector.broadcast %max3A_441 : i32 to vector<16xi32>
      %max3A_443 = arith.maxsi %get3A_440, %max3A_442 : vector<16xi32>
      %mul3A_444 = arith.constant 8 : i32
      %mul3A_445 = vector.broadcast %mul3A_444 : i32 to vector<16xi32>
      %mul3A_446 = arith.muli %get3A_435, %mul3A_445 : vector<16xi32>
      %add3A_447 = arith.addi %mul3A_446, %max3A_443 : vector<16xi32>
      %swap3A_448 = arith.constant 2 : i32
      %swap3A_449 = arith.index_cast %swap3A_448 : i32 to index
      %swap3A_450 = arith.constant 16 : index
      %swap3A_451 = tpu.vector_load %arg12[%swap3A_449, %swap3A_450] {strides = array<i32>} : memref<8x128xi32, #tpu.memory_space<vmem>>, vector<1x16xi32>,
      %swap3A_452 = vector.shape_cast %swap3A_451 : vector<1x16xi32> to vector<16xi32>
      %swap3A_453 = vector.shape_cast %add3A_447 : vector<16xi32> to vector<1x16xi32>
      tpu.vector_store %arg12[%swap3A_449, %swap3A_450], %swap3A_453 {strides = array<i32>} : memref<8x128xi32, #tpu.memory_space<vmem>>, vector<1x16xi32>,
      %get3A_454 = arith.constant 2 : i32
      %get3A_455 = arith.index_cast %get3A_454 : i32 to index
      %get3A_456 = arith.constant 32 : index
      %get3A_457 = tpu.vector_load %arg10[%get3A_455, %get3A_456] {strides = array<i32>} : memref<8x128xi32, #tpu.memory_space<vmem>>, vector<1x16xi32>,
      %get3A_458 = vector.shape_cast %get3A_457 : vector<1x16xi32> to vector<16xi32>
      %get3A_459 = arith.constant 2 : i32
      %get3A_460 = arith.index_cast %get3A_459 : i32 to index
      %get3A_461 = arith.constant 32 : index
      %get3A_462 = tpu.vector_load %arg11[%get3A_460, %get3A_461] {strides = array<i32>} : memref<8x128xi32, #tpu.memory_space<vmem>>, vector<1x16xi32>,
      %get3A_463 = vector.shape_cast %get3A_462 : vector<1x16xi32> to vector<16xi32>
      %max3A_464 = arith.constant 0 : i32
      %max3A_465 = vector.broadcast %max3A_464 : i32 to vector<16xi32>
      %max3A_466 = arith.maxsi %get3A_463, %max3A_465 : vector<16xi32>
      %mul3A_467 = arith.constant 8 : i32
      %mul3A_468 = vector.broadcast %mul3A_467 : i32 to vector<16xi32>
      %mul3A_469 = arith.muli %get3A_458, %mul3A_468 : vector<16xi32>
      %add3A_470 = arith.addi %mul3A_469, %max3A_466 : vector<16xi32>
      %swap3A_471 = arith.constant 2 : i32
      %swap3A_472 = arith.index_cast %swap3A_471 : i32 to index
      %swap3A_473 = arith.constant 32 : index
      %swap3A_474 = tpu.vector_load %arg12[%swap3A_472, %swap3A_473] {strides = array<i32>} : memref<8x128xi32, #tpu.memory_space<vmem>>, vector<1x16xi32>,
      %swap3A_475 = vector.shape_cast %swap3A_474 : vector<1x16xi32> to vector<16xi32>
      %swap3A_476 = vector.shape_cast %add3A_470 : vector<16xi32> to vector<1x16xi32>
      tpu.vector_store %arg12[%swap3A_472, %swap3A_473], %swap3A_476 {strides = array<i32>} : memref<8x128xi32, #tpu.memory_space<vmem>>, vector<1x16xi32>,
      %get3A_477 = arith.constant 2 : i32
      %get3A_478 = arith.index_cast %get3A_477 : i32 to index
      %get3A_479 = arith.constant 48 : index
      %get3A_480 = tpu.vector_load %arg10[%get3A_478, %get3A_479] {strides = array<i32>} : memref<8x128xi32, #tpu.memory_space<vmem>>, vector<1x16xi32>,
      %get3A_481 = vector.shape_cast %get3A_480 : vector<1x16xi32> to vector<16xi32>
      %get3A_482 = arith.constant 2 : i32
      %get3A_483 = arith.index_cast %get3A_482 : i32 to index
      %get3A_484 = arith.constant 48 : index
      %get3A_485 = tpu.vector_load %arg11[%get3A_483, %get3A_484] {strides = array<i32>} : memref<8x128xi32, #tpu.memory_space<vmem>>, vector<1x16xi32>,
      %get3A_486 = vector.shape_cast %get3A_485 : vector<1x16xi32> to vector<16xi32>
      %max3A_487 = arith.constant 0 : i32
      %max3A_488 = vector.broadcast %max3A_487 : i32 to vector<16xi32>
      %max3A_489 = arith.maxsi %get3A_486, %max3A_488 : vector<16xi32>
      %mul3A_490 = arith.constant 8 : i32
      %mul3A_491 = vector.broadcast %mul3A_490 : i32 to vector<16xi32>
      %mul3A_492 = arith.muli %get3A_481, %mul3A_491 : vector<16xi32>
      %add3A_493 = arith.addi %mul3A_492, %max3A_489 : vector<16xi32>
      %swap3A_494 = arith.constant 2 : i32
      %swap3A_495 = arith.index_cast %swap3A_494 : i32 to index
      %swap3A_496 = arith.constant 48 : index
      %swap3A_497 = tpu.vector_load %arg12[%swap3A_495, %swap3A_496] {strides = array<i32>} : memref<8x128xi32, #tpu.memory_space<vmem>>, vector<1x16xi32>,
      %swap3A_498 = vector.shape_cast %swap3A_497 : vector<1x16xi32> to vector<16xi32>
      %swap3A_499 = vector.shape_cast %add3A_493 : vector<16xi32> to vector<1x16xi32>
      tpu.vector_store %arg12[%swap3A_495, %swap3A_496], %swap3A_499 {strides = array<i32>} : memref<8x128xi32, #tpu.memory_space<vmem>>, vector<1x16xi32>,
      %get3A_500 = arith.constant 2 : i32
      %get3A_501 = arith.index_cast %get3A_500 : i32 to index
      %get3A_502 = arith.constant 64 : index
      %get3A_503 = tpu.vector_load %arg10[%get3A_501, %get3A_502] {strides = array<i32>} : memref<8x128xi32, #tpu.memory_space<vmem>>, vector<1x16xi32>,
      %get3A_504 = vector.shape_cast %get3A_503 : vector<1x16xi32> to vector<16xi32>
      %get3A_505 = arith.constant 2 : i32
      %get3A_506 = arith.index_cast %get3A_505 : i32 to index
      %get3A_507 = arith.constant 64 : index
      %get3A_508 = tpu.vector_load %arg11[%get3A_506, %get3A_507] {strides = array<i32>} : memref<8x128xi32, #tpu.memory_space<vmem>>, vector<1x16xi32>,
      %get3A_509 = vector.shape_cast %get3A_508 : vector<1x16xi32> to vector<16xi32>
      %max3A_510 = arith.constant 0 : i32
      %max3A_511 = vector.broadcast %max3A_510 : i32 to vector<16xi32>
      %max3A_512 = arith.maxsi %get3A_509, %max3A_511 : vector<16xi32>
      %mul3A_513 = arith.constant 8 : i32
      %mul3A_514 = vector.broadcast %mul3A_513 : i32 to vector<16xi32>
      %mul3A_515 = arith.muli %get3A_504, %mul3A_514 : vector<16xi32>
      %add3A_516 = arith.addi %mul3A_515, %max3A_512 : vector<16xi32>
      %swap3A_517 = arith.constant 2 : i32
      %swap3A_518 = arith.index_cast %swap3A_517 : i32 to index
      %swap3A_519 = arith.constant 64 : index
      %swap3A_520 = tpu.vector_load %arg12[%swap3A_518, %swap3A_519] {strides = array<i32>} : memref<8x128xi32, #tpu.memory_space<vmem>>, vector<1x16xi32>,
      %swap3A_521 = vector.shape_cast %swap3A_520 : vector<1x16xi32> to vector<16xi32>
      %swap3A_522 = vector.shape_cast %add3A_516 : vector<16xi32> to vector<1x16xi32>
      tpu.vector_store %arg12[%swap3A_518, %swap3A_519], %swap3A_522 {strides = array<i32>} : memref<8x128xi32, #tpu.memory_space<vmem>>, vector<1x16xi32>,
      %get3A_523 = arith.constant 2 : i32
      %get3A_524 = arith.index_cast %get3A_523 : i32 to index
      %get3A_525 = arith.constant 80 : index
      %get3A_526 = tpu.vector_load %arg10[%get3A_524, %get3A_525] {strides = array<i32>} : memref<8x128xi32, #tpu.memory_space<vmem>>, vector<1x16xi32>,
      %get3A_527 = vector.shape_cast %get3A_526 : vector<1x16xi32> to vector<16xi32>
      %get3A_528 = arith.constant 2 : i32
      %get3A_529 = arith.index_cast %get3A_528 : i32 to index
      %get3A_530 = arith.constant 80 : index
      %get3A_531 = tpu.vector_load %arg11[%get3A_529, %get3A_530] {strides = array<i32>} : memref<8x128xi32, #tpu.memory_space<vmem>>, vector<1x16xi32>,
      %get3A_532 = vector.shape_cast %get3A_531 : vector<1x16xi32> to vector<16xi32>
      %max3A_533 = arith.constant 0 : i32
      %max3A_534 = vector.broadcast %max3A_533 : i32 to vector<16xi32>
      %max3A_535 = arith.maxsi %get3A_532, %max3A_534 : vector<16xi32>
      %mul3A_536 = arith.constant 8 : i32
      %mul3A_537 = vector.broadcast %mul3A_536 : i32 to vector<16xi32>
      %mul3A_538 = arith.muli %get3A_527, %mul3A_537 : vector<16xi32>
      %add3A_539 = arith.addi %mul3A_538, %max3A_535 : vector<16xi32>
      %swap3A_540 = arith.constant 2 : i32
      %swap3A_541 = arith.index_cast %swap3A_540 : i32 to index
      %swap3A_542 = arith.constant 80 : index
      %swap3A_543 = tpu.vector_load %arg12[%swap3A_541, %swap3A_542] {strides = array<i32>} : memref<8x128xi32, #tpu.memory_space<vmem>>, vector<1x16xi32>,
      %swap3A_544 = vector.shape_cast %swap3A_543 : vector<1x16xi32> to vector<16xi32>
      %swap3A_545 = vector.shape_cast %add3A_539 : vector<16xi32> to vector<1x16xi32>
      tpu.vector_store %arg12[%swap3A_541, %swap3A_542], %swap3A_545 {strides = array<i32>} : memref<8x128xi32, #tpu.memory_space<vmem>>, vector<1x16xi32>,
      %get3A_546 = arith.constant 2 : i32
      %get3A_547 = arith.index_cast %get3A_546 : i32 to index
      %get3A_548 = arith.constant 96 : index
      %get3A_549 = tpu.vector_load %arg10[%get3A_547, %get3A_548] {strides = array<i32>} : memref<8x128xi32, #tpu.memory_space<vmem>>, vector<1x16xi32>,
      %get3A_550 = vector.shape_cast %get3A_549 : vector<1x16xi32> to vector<16xi32>
      %get3A_551 = arith.constant 2 : i32
      %get3A_552 = arith.index_cast %get3A_551 : i32 to index
      %get3A_553 = arith.constant 96 : index
      %get3A_554 = tpu.vector_load %arg11[%get3A_552, %get3A_553] {strides = array<i32>} : memref<8x128xi32, #tpu.memory_space<vmem>>, vector<1x16xi32>,
      %get3A_555 = vector.shape_cast %get3A_554 : vector<1x16xi32> to vector<16xi32>
      %max3A_556 = arith.constant 0 : i32
      %max3A_557 = vector.broadcast %max3A_556 : i32 to vector<16xi32>
      %max3A_558 = arith.maxsi %get3A_555, %max3A_557 : vector<16xi32>
      %mul3A_559 = arith.constant 8 : i32
      %mul3A_560 = vector.broadcast %mul3A_559 : i32 to vector<16xi32>
      %mul3A_561 = arith.muli %get3A_550, %mul3A_560 : vector<16xi32>
      %add3A_562 = arith.addi %mul3A_561, %max3A_558 : vector<16xi32>
      %swap3A_563 = arith.constant 2 : i32
      %swap3A_564 = arith.index_cast %swap3A_563 : i32 to index
      %swap3A_565 = arith.constant 96 : index
      %swap3A_566 = tpu.vector_load %arg12[%swap3A_564, %swap3A_565] {strides = array<i32>} : memref<8x128xi32, #tpu.memory_space<vmem>>, vector<1x16xi32>,
      %swap3A_567 = vector.shape_cast %swap3A_566 : vector<1x16xi32> to vector<16xi32>
      %swap3A_568 = vector.shape_cast %add3A_562 : vector<16xi32> to vector<1x16xi32>
      tpu.vector_store %arg12[%swap3A_564, %swap3A_565], %swap3A_568 {strides = array<i32>} : memref<8x128xi32, #tpu.memory_space<vmem>>, vector<1x16xi32>,
      %get3A_569 = arith.constant 2 : i32
      %get3A_570 = arith.index_cast %get3A_569 : i32 to index
      %get3A_571 = arith.constant 112 : index
      %get3A_572 = tpu.vector_load %arg10[%get3A_570, %get3A_571] {strides = array<i32>} : memref<8x128xi32, #tpu.memory_space<vmem>>, vector<1x16xi32>,
      %get3A_573 = vector.shape_cast %get3A_572 : vector<1x16xi32> to vector<16xi32>
      %get3A_574 = arith.constant 2 : i32
      %get3A_575 = arith.index_cast %get3A_574 : i32 to index
      %get3A_576 = arith.constant 112 : index
      %get3A_577 = tpu.vector_load %arg11[%get3A_575, %get3A_576] {strides = array<i32>} : memref<8x128xi32, #tpu.memory_space<vmem>>, vector<1x16xi32>,
      %get3A_578 = vector.shape_cast %get3A_577 : vector<1x16xi32> to vector<16xi32>
      %max3A_579 = arith.constant 0 : i32
      %max3A_580 = vector.broadcast %max3A_579 : i32 to vector<16xi32>
      %max3A_581 = arith.maxsi %get3A_578, %max3A_580 : vector<16xi32>
      %mul3A_582 = arith.constant 8 : i32
      %mul3A_583 = vector.broadcast %mul3A_582 : i32 to vector<16xi32>
      %mul3A_584 = arith.muli %get3A_573, %mul3A_583 : vector<16xi32>
      %add3A_585 = arith.addi %mul3A_584, %max3A_581 : vector<16xi32>
      %swap3A_586 = arith.constant 2 : i32
      %swap3A_587 = arith.index_cast %swap3A_586 : i32 to index
      %swap3A_588 = arith.constant 112 : index
      %swap3A_589 = tpu.vector_load %arg12[%swap3A_587, %swap3A_588] {strides = array<i32>} : memref<8x128xi32, #tpu.memory_space<vmem>>, vector<1x16xi32>,
      %swap3A_590 = vector.shape_cast %swap3A_589 : vector<1x16xi32> to vector<16xi32>
      %swap3A_591 = vector.shape_cast %add3A_585 : vector<16xi32> to vector<1x16xi32>
      tpu.vector_store %arg12[%swap3A_587, %swap3A_588], %swap3A_591 {strides = array<i32>} : memref<8x128xi32, #tpu.memory_space<vmem>>, vector<1x16xi32>,
      %get3A_592 = arith.constant 3 : i32
      %get3A_593 = arith.index_cast %get3A_592 : i32 to index
      %get3A_594 = arith.constant 0 : index
      %get3A_595 = tpu.vector_load %arg10[%get3A_593, %get3A_594] {strides = array<i32>} : memref<8x128xi32, #tpu.memory_space<vmem>>, vector<1x16xi32>,
      %get3A_596 = vector.shape_cast %get3A_595 : vector<1x16xi32> to vector<16xi32>
      %get3A_597 = arith.constant 3 : i32
      %get3A_598 = arith.index_cast %get3A_597 : i32 to index
      %get3A_599 = arith.constant 0 : index
      %get3A_600 = tpu.vector_load %arg11[%get3A_598, %get3A_599] {strides = array<i32>} : memref<8x128xi32, #tpu.memory_space<vmem>>, vector<1x16xi32>,
      %get3A_601 = vector.shape_cast %get3A_600 : vector<1x16xi32> to vector<16xi32>
      %max3A_602 = arith.constant 0 : i32
      %max3A_603 = vector.broadcast %max3A_602 : i32 to vector<16xi32>
      %max3A_604 = arith.maxsi %get3A_601, %max3A_603 : vector<16xi32>
      %mul3A_605 = arith.constant 8 : i32
      %mul3A_606 = vector.broadcast %mul3A_605 : i32 to vector<16xi32>
      %mul3A_607 = arith.muli %get3A_596, %mul3A_606 : vector<16xi32>
      %add3A_608 = arith.addi %mul3A_607, %max3A_604 : vector<16xi32>
      %swap3A_609 = arith.constant 3 : i32
      %swap3A_610 = arith.index_cast %swap3A_609 : i32 to index
      %swap3A_611 = arith.constant 0 : index
      %swap3A_612 = tpu.vector_load %arg12[%swap3A_610, %swap3A_611] {strides = array<i32>} : memref<8x128xi32, #tpu.memory_space<vmem>>, vector<1x16xi32>,
      %swap3A_613 = vector.shape_cast %swap3A_612 : vector<1x16xi32> to vector<16xi32>
      %swap3A_614 = vector.shape_cast %add3A_608 : vector<16xi32> to vector<1x16xi32>
      tpu.vector_store %arg12[%swap3A_610, %swap3A_611], %swap3A_614 {strides = array<i32>} : memref<8x128xi32, #tpu.memory_space<vmem>>, vector<1x16xi32>,
      %get3A_615 = arith.constant 3 : i32
      %get3A_616 = arith.index_cast %get3A_615 : i32 to index
      %get3A_617 = arith.constant 16 : index
      %get3A_618 = tpu.vector_load %arg10[%get3A_616, %get3A_617] {strides = array<i32>} : memref<8x128xi32, #tpu.memory_space<vmem>>, vector<1x16xi32>,
      %get3A_619 = vector.shape_cast %get3A_618 : vector<1x16xi32> to vector<16xi32>
      %get3A_620 = arith.constant 3 : i32
      %get3A_621 = arith.index_cast %get3A_620 : i32 to index
      %get3A_622 = arith.constant 16 : index
      %get3A_623 = tpu.vector_load %arg11[%get3A_621, %get3A_622] {strides = array<i32>} : memref<8x128xi32, #tpu.memory_space<vmem>>, vector<1x16xi32>,
      %get3A_624 = vector.shape_cast %get3A_623 : vector<1x16xi32> to vector<16xi32>
      %max3A_625 = arith.constant 0 : i32
      %max3A_626 = vector.broadcast %max3A_625 : i32 to vector<16xi32>
      %max3A_627 = arith.maxsi %get3A_624, %max3A_626 : vector<16xi32>
      %mul3A_628 = arith.constant 8 : i32
      %mul3A_629 = vector.broadcast %mul3A_628 : i32 to vector<16xi32>
      %mul3A_630 = arith.muli %get3A_619, %mul3A_629 : vector<16xi32>
      %add3A_631 = arith.addi %mul3A_630, %max3A_627 : vector<16xi32>
      %swap3A_632 = arith.constant 3 : i32
      %swap3A_633 = arith.index_cast %swap3A_632 : i32 to index
      %swap3A_634 = arith.constant 16 : index
      %swap3A_635 = tpu.vector_load %arg12[%swap3A_633, %swap3A_634] {strides = array<i32>} : memref<8x128xi32, #tpu.memory_space<vmem>>, vector<1x16xi32>,
      %swap3A_636 = vector.shape_cast %swap3A_635 : vector<1x16xi32> to vector<16xi32>
      %swap3A_637 = vector.shape_cast %add3A_631 : vector<16xi32> to vector<1x16xi32>
      tpu.vector_store %arg12[%swap3A_633, %swap3A_634], %swap3A_637 {strides = array<i32>} : memref<8x128xi32, #tpu.memory_space<vmem>>, vector<1x16xi32>,
      %get3A_638 = arith.constant 3 : i32
      %get3A_639 = arith.index_cast %get3A_638 : i32 to index
      %get3A_640 = arith.constant 32 : index
      %get3A_641 = tpu.vector_load %arg10[%get3A_639, %get3A_640] {strides = array<i32>} : memref<8x128xi32, #tpu.memory_space<vmem>>, vector<1x16xi32>,
      %get3A_642 = vector.shape_cast %get3A_641 : vector<1x16xi32> to vector<16xi32>
      %get3A_643 = arith.constant 3 : i32
      %get3A_644 = arith.index_cast %get3A_643 : i32 to index
      %get3A_645 = arith.constant 32 : index
      %get3A_646 = tpu.vector_load %arg11[%get3A_644, %get3A_645] {strides = array<i32>} : memref<8x128xi32, #tpu.memory_space<vmem>>, vector<1x16xi32>,
      %get3A_647 = vector.shape_cast %get3A_646 : vector<1x16xi32> to vector<16xi32>
      %max3A_648 = arith.constant 0 : i32
      %max3A_649 = vector.broadcast %max3A_648 : i32 to vector<16xi32>
      %max3A_650 = arith.maxsi %get3A_647, %max3A_649 : vector<16xi32>
      %mul3A_651 = arith.constant 8 : i32
      %mul3A_652 = vector.broadcast %mul3A_651 : i32 to vector<16xi32>
      %mul3A_653 = arith.muli %get3A_642, %mul3A_652 : vector<16xi32>
      %add3A_654 = arith.addi %mul3A_653, %max3A_650 : vector<16xi32>
      %swap3A_655 = arith.constant 3 : i32
      %swap3A_656 = arith.index_cast %swap3A_655 : i32 to index
      %swap3A_657 = arith.constant 32 : index
      %swap3A_658 = tpu.vector_load %arg12[%swap3A_656, %swap3A_657] {strides = array<i32>} : memref<8x128xi32, #tpu.memory_space<vmem>>, vector<1x16xi32>,
      %swap3A_659 = vector.shape_cast %swap3A_658 : vector<1x16xi32> to vector<16xi32>
      %swap3A_660 = vector.shape_cast %add3A_654 : vector<16xi32> to vector<1x16xi32>
      tpu.vector_store %arg12[%swap3A_656, %swap3A_657], %swap3A_660 {strides = array<i32>} : memref<8x128xi32, #tpu.memory_space<vmem>>, vector<1x16xi32>,
      %get3A_661 = arith.constant 3 : i32
      %get3A_662 = arith.index_cast %get3A_661 : i32 to index
      %get3A_663 = arith.constant 48 : index
      %get3A_664 = tpu.vector_load %arg10[%get3A_662, %get3A_663] {strides = array<i32>} : memref<8x128xi32, #tpu.memory_space<vmem>>, vector<1x16xi32>,
      %get3A_665 = vector.shape_cast %get3A_664 : vector<1x16xi32> to vector<16xi32>
      %get3A_666 = arith.constant 3 : i32
      %get3A_667 = arith.index_cast %get3A_666 : i32 to index
      %get3A_668 = arith.constant 48 : index
      %get3A_669 = tpu.vector_load %arg11[%get3A_667, %get3A_668] {strides = array<i32>} : memref<8x128xi32, #tpu.memory_space<vmem>>, vector<1x16xi32>,
      %get3A_670 = vector.shape_cast %get3A_669 : vector<1x16xi32> to vector<16xi32>
      %max3A_671 = arith.constant 0 : i32
      %max3A_672 = vector.broadcast %max3A_671 : i32 to vector<16xi32>
      %max3A_673 = arith.maxsi %get3A_670, %max3A_672 : vector<16xi32>
      %mul3A_674 = arith.constant 8 : i32
      %mul3A_675 = vector.broadcast %mul3A_674 : i32 to vector<16xi32>
      %mul3A_676 = arith.muli %get3A_665, %mul3A_675 : vector<16xi32>
      %add3A_677 = arith.addi %mul3A_676, %max3A_673 : vector<16xi32>
      %swap3A_678 = arith.constant 3 : i32
      %swap3A_679 = arith.index_cast %swap3A_678 : i32 to index
      %swap3A_680 = arith.constant 48 : index
      %swap3A_681 = tpu.vector_load %arg12[%swap3A_679, %swap3A_680] {strides = array<i32>} : memref<8x128xi32, #tpu.memory_space<vmem>>, vector<1x16xi32>,
      %swap3A_682 = vector.shape_cast %swap3A_681 : vector<1x16xi32> to vector<16xi32>
      %swap3A_683 = vector.shape_cast %add3A_677 : vector<16xi32> to vector<1x16xi32>
      tpu.vector_store %arg12[%swap3A_679, %swap3A_680], %swap3A_683 {strides = array<i32>} : memref<8x128xi32, #tpu.memory_space<vmem>>, vector<1x16xi32>,
      %get3A_684 = arith.constant 3 : i32
      %get3A_685 = arith.index_cast %get3A_684 : i32 to index
      %get3A_686 = arith.constant 64 : index
      %get3A_687 = tpu.vector_load %arg10[%get3A_685, %get3A_686] {strides = array<i32>} : memref<8x128xi32, #tpu.memory_space<vmem>>, vector<1x16xi32>,
      %get3A_688 = vector.shape_cast %get3A_687 : vector<1x16xi32> to vector<16xi32>
      %get3A_689 = arith.constant 3 : i32
      %get3A_690 = arith.index_cast %get3A_689 : i32 to index
      %get3A_691 = arith.constant 64 : index
      %get3A_692 = tpu.vector_load %arg11[%get3A_690, %get3A_691] {strides = array<i32>} : memref<8x128xi32, #tpu.memory_space<vmem>>, vector<1x16xi32>,
      %get3A_693 = vector.shape_cast %get3A_692 : vector<1x16xi32> to vector<16xi32>
      %max3A_694 = arith.constant 0 : i32
      %max3A_695 = vector.broadcast %max3A_694 : i32 to vector<16xi32>
      %max3A_696 = arith.maxsi %get3A_693, %max3A_695 : vector<16xi32>
      %mul3A_697 = arith.constant 8 : i32
      %mul3A_698 = vector.broadcast %mul3A_697 : i32 to vector<16xi32>
      %mul3A_699 = arith.muli %get3A_688, %mul3A_698 : vector<16xi32>
      %add3A_700 = arith.addi %mul3A_699, %max3A_696 : vector<16xi32>
      %swap3A_701 = arith.constant 3 : i32
      %swap3A_702 = arith.index_cast %swap3A_701 : i32 to index
      %swap3A_703 = arith.constant 64 : index
      %swap3A_704 = tpu.vector_load %arg12[%swap3A_702, %swap3A_703] {strides = array<i32>} : memref<8x128xi32, #tpu.memory_space<vmem>>, vector<1x16xi32>,
      %swap3A_705 = vector.shape_cast %swap3A_704 : vector<1x16xi32> to vector<16xi32>
      %swap3A_706 = vector.shape_cast %add3A_700 : vector<16xi32> to vector<1x16xi32>
      tpu.vector_store %arg12[%swap3A_702, %swap3A_703], %swap3A_706 {strides = array<i32>} : memref<8x128xi32, #tpu.memory_space<vmem>>, vector<1x16xi32>,
      %get3A_707 = arith.constant 3 : i32
      %get3A_708 = arith.index_cast %get3A_707 : i32 to index
      %get3A_709 = arith.constant 80 : index
      %get3A_710 = tpu.vector_load %arg10[%get3A_708, %get3A_709] {strides = array<i32>} : memref<8x128xi32, #tpu.memory_space<vmem>>, vector<1x16xi32>,
      %get3A_711 = vector.shape_cast %get3A_710 : vector<1x16xi32> to vector<16xi32>
      %get3A_712 = arith.constant 3 : i32
      %get3A_713 = arith.index_cast %get3A_712 : i32 to index
      %get3A_714 = arith.constant 80 : index
      %get3A_715 = tpu.vector_load %arg11[%get3A_713, %get3A_714] {strides = array<i32>} : memref<8x128xi32, #tpu.memory_space<vmem>>, vector<1x16xi32>,
      %get3A_716 = vector.shape_cast %get3A_715 : vector<1x16xi32> to vector<16xi32>
      %max3A_717 = arith.constant 0 : i32
      %max3A_718 = vector.broadcast %max3A_717 : i32 to vector<16xi32>
      %max3A_719 = arith.maxsi %get3A_716, %max3A_718 : vector<16xi32>
      %mul3A_720 = arith.constant 8 : i32
      %mul3A_721 = vector.broadcast %mul3A_720 : i32 to vector<16xi32>
      %mul3A_722 = arith.muli %get3A_711, %mul3A_721 : vector<16xi32>
      %add3A_723 = arith.addi %mul3A_722, %max3A_719 : vector<16xi32>
      %swap3A_724 = arith.constant 3 : i32
      %swap3A_725 = arith.index_cast %swap3A_724 : i32 to index
      %swap3A_726 = arith.constant 80 : index
      %swap3A_727 = tpu.vector_load %arg12[%swap3A_725, %swap3A_726] {strides = array<i32>} : memref<8x128xi32, #tpu.memory_space<vmem>>, vector<1x16xi32>,
      %swap3A_728 = vector.shape_cast %swap3A_727 : vector<1x16xi32> to vector<16xi32>
      %swap3A_729 = vector.shape_cast %add3A_723 : vector<16xi32> to vector<1x16xi32>
      tpu.vector_store %arg12[%swap3A_725, %swap3A_726], %swap3A_729 {strides = array<i32>} : memref<8x128xi32, #tpu.memory_space<vmem>>, vector<1x16xi32>,
      %get3A_730 = arith.constant 3 : i32
      %get3A_731 = arith.index_cast %get3A_730 : i32 to index
      %get3A_732 = arith.constant 96 : index
      %get3A_733 = tpu.vector_load %arg10[%get3A_731, %get3A_732] {strides = array<i32>} : memref<8x128xi32, #tpu.memory_space<vmem>>, vector<1x16xi32>,
      %get3A_734 = vector.shape_cast %get3A_733 : vector<1x16xi32> to vector<16xi32>
      %get3A_735 = arith.constant 3 : i32
      %get3A_736 = arith.index_cast %get3A_735 : i32 to index
      %get3A_737 = arith.constant 96 : index
      %get3A_738 = tpu.vector_load %arg11[%get3A_736, %get3A_737] {strides = array<i32>} : memref<8x128xi32, #tpu.memory_space<vmem>>, vector<1x16xi32>,
      %get3A_739 = vector.shape_cast %get3A_738 : vector<1x16xi32> to vector<16xi32>
      %max3A_740 = arith.constant 0 : i32
      %max3A_741 = vector.broadcast %max3A_740 : i32 to vector<16xi32>
      %max3A_742 = arith.maxsi %get3A_739, %max3A_741 : vector<16xi32>
      %mul3A_743 = arith.constant 8 : i32
      %mul3A_744 = vector.broadcast %mul3A_743 : i32 to vector<16xi32>
      %mul3A_745 = arith.muli %get3A_734, %mul3A_744 : vector<16xi32>
      %add3A_746 = arith.addi %mul3A_745, %max3A_742 : vector<16xi32>
      %swap3A_747 = arith.constant 3 : i32
      %swap3A_748 = arith.index_cast %swap3A_747 : i32 to index
      %swap3A_749 = arith.constant 96 : index
      %swap3A_750 = tpu.vector_load %arg12[%swap3A_748, %swap3A_749] {strides = array<i32>} : memref<8x128xi32, #tpu.memory_space<vmem>>, vector<1x16xi32>,
      %swap3A_751 = vector.shape_cast %swap3A_750 : vector<1x16xi32> to vector<16xi32>
      %swap3A_752 = vector.shape_cast %add3A_746 : vector<16xi32> to vector<1x16xi32>
      tpu.vector_store %arg12[%swap3A_748, %swap3A_749], %swap3A_752 {strides = array<i32>} : memref<8x128xi32, #tpu.memory_space<vmem>>, vector<1x16xi32>,
      %get3A_753 = arith.constant 3 : i32
      %get3A_754 = arith.index_cast %get3A_753 : i32 to index
      %get3A_755 = arith.constant 112 : index
      %get3A_756 = tpu.vector_load %arg10[%get3A_754, %get3A_755] {strides = array<i32>} : memref<8x128xi32, #tpu.memory_space<vmem>>, vector<1x16xi32>,
      %get3A_757 = vector.shape_cast %get3A_756 : vector<1x16xi32> to vector<16xi32>
      %get3A_758 = arith.constant 3 : i32
      %get3A_759 = arith.index_cast %get3A_758 : i32 to index
      %get3A_760 = arith.constant 112 : index
      %get3A_761 = tpu.vector_load %arg11[%get3A_759, %get3A_760] {strides = array<i32>} : memref<8x128xi32, #tpu.memory_space<vmem>>, vector<1x16xi32>,
      %get3A_762 = vector.shape_cast %get3A_761 : vector<1x16xi32> to vector<16xi32>
      %max3A_763 = arith.constant 0 : i32
      %max3A_764 = vector.broadcast %max3A_763 : i32 to vector<16xi32>
      %max3A_765 = arith.maxsi %get3A_762, %max3A_764 : vector<16xi32>
      %mul3A_766 = arith.constant 8 : i32
      %mul3A_767 = vector.broadcast %mul3A_766 : i32 to vector<16xi32>
      %mul3A_768 = arith.muli %get3A_757, %mul3A_767 : vector<16xi32>
      %add3A_769 = arith.addi %mul3A_768, %max3A_765 : vector<16xi32>
      %swap3A_770 = arith.constant 3 : i32
      %swap3A_771 = arith.index_cast %swap3A_770 : i32 to index
      %swap3A_772 = arith.constant 112 : index
      %swap3A_773 = tpu.vector_load %arg12[%swap3A_771, %swap3A_772] {strides = array<i32>} : memref<8x128xi32, #tpu.memory_space<vmem>>, vector<1x16xi32>,
      %swap3A_774 = vector.shape_cast %swap3A_773 : vector<1x16xi32> to vector<16xi32>
      %swap3A_775 = vector.shape_cast %add3A_769 : vector<16xi32> to vector<1x16xi32>
      tpu.vector_store %arg12[%swap3A_771, %swap3A_772], %swap3A_775 {strides = array<i32>} : memref<8x128xi32, #tpu.memory_space<vmem>>, vector<1x16xi32>,
      %get3A_776 = arith.constant 4 : i32
      %get3A_777 = arith.index_cast %get3A_776 : i32 to index
      %get3A_778 = arith.constant 0 : index
      %get3A_779 = tpu.vector_load %arg10[%get3A_777, %get3A_778] {strides = array<i32>} : memref<8x128xi32, #tpu.memory_space<vmem>>, vector<1x16xi32>,
      %get3A_780 = vector.shape_cast %get3A_779 : vector<1x16xi32> to vector<16xi32>
      %get3A_781 = arith.constant 4 : i32
      %get3A_782 = arith.index_cast %get3A_781 : i32 to index
      %get3A_783 = arith.constant 0 : index
      %get3A_784 = tpu.vector_load %arg11[%get3A_782, %get3A_783] {strides = array<i32>} : memref<8x128xi32, #tpu.memory_space<vmem>>, vector<1x16xi32>,
      %get3A_785 = vector.shape_cast %get3A_784 : vector<1x16xi32> to vector<16xi32>
      %max3A_786 = arith.constant 0 : i32
      %max3A_787 = vector.broadcast %max3A_786 : i32 to vector<16xi32>
      %max3A_788 = arith.maxsi %get3A_785, %max3A_787 : vector<16xi32>
      %mul3A_789 = arith.constant 8 : i32
      %mul3A_790 = vector.broadcast %mul3A_789 : i32 to vector<16xi32>
      %mul3A_791 = arith.muli %get3A_780, %mul3A_790 : vector<16xi32>
      %add3A_792 = arith.addi %mul3A_791, %max3A_788 : vector<16xi32>
      %swap3A_793 = arith.constant 4 : i32
      %swap3A_794 = arith.index_cast %swap3A_793 : i32 to index
      %swap3A_795 = arith.constant 0 : index
      %swap3A_796 = tpu.vector_load %arg12[%swap3A_794, %swap3A_795] {strides = array<i32>} : memref<8x128xi32, #tpu.memory_space<vmem>>, vector<1x16xi32>,
      %swap3A_797 = vector.shape_cast %swap3A_796 : vector<1x16xi32> to vector<16xi32>
      %swap3A_798 = vector.shape_cast %add3A_792 : vector<16xi32> to vector<1x16xi32>
      tpu.vector_store %arg12[%swap3A_794, %swap3A_795], %swap3A_798 {strides = array<i32>} : memref<8x128xi32, #tpu.memory_space<vmem>>, vector<1x16xi32>,
      %get3A_799 = arith.constant 4 : i32
      %get3A_800 = arith.index_cast %get3A_799 : i32 to index
      %get3A_801 = arith.constant 16 : index
      %get3A_802 = tpu.vector_load %arg10[%get3A_800, %get3A_801] {strides = array<i32>} : memref<8x128xi32, #tpu.memory_space<vmem>>, vector<1x16xi32>,
      %get3A_803 = vector.shape_cast %get3A_802 : vector<1x16xi32> to vector<16xi32>
      %get3A_804 = arith.constant 4 : i32
      %get3A_805 = arith.index_cast %get3A_804 : i32 to index
      %get3A_806 = arith.constant 16 : index
      %get3A_807 = tpu.vector_load %arg11[%get3A_805, %get3A_806] {strides = array<i32>} : memref<8x128xi32, #tpu.memory_space<vmem>>, vector<1x16xi32>,
      %get3A_808 = vector.shape_cast %get3A_807 : vector<1x16xi32> to vector<16xi32>
      %max3A_809 = arith.constant 0 : i32
      %max3A_810 = vector.broadcast %max3A_809 : i32 to vector<16xi32>
      %max3A_811 = arith.maxsi %get3A_808, %max3A_810 : vector<16xi32>
      %mul3A_812 = arith.constant 8 : i32
      %mul3A_813 = vector.broadcast %mul3A_812 : i32 to vector<16xi32>
      %mul3A_814 = arith.muli %get3A_803, %mul3A_813 : vector<16xi32>
      %add3A_815 = arith.addi %mul3A_814, %max3A_811 : vector<16xi32>
      %swap3A_816 = arith.constant 4 : i32
      %swap3A_817 = arith.index_cast %swap3A_816 : i32 to index
      %swap3A_818 = arith.constant 16 : index
      %swap3A_819 = tpu.vector_load %arg12[%swap3A_817, %swap3A_818] {strides = array<i32>} : memref<8x128xi32, #tpu.memory_space<vmem>>, vector<1x16xi32>,
      %swap3A_820 = vector.shape_cast %swap3A_819 : vector<1x16xi32> to vector<16xi32>
      %swap3A_821 = vector.shape_cast %add3A_815 : vector<16xi32> to vector<1x16xi32>
      tpu.vector_store %arg12[%swap3A_817, %swap3A_818], %swap3A_821 {strides = array<i32>} : memref<8x128xi32, #tpu.memory_space<vmem>>, vector<1x16xi32>,
      %get3A_822 = arith.constant 4 : i32
      %get3A_823 = arith.index_cast %get3A_822 : i32 to index
      %get3A_824 = arith.constant 32 : index
      %get3A_825 = tpu.vector_load %arg10[%get3A_823, %get3A_824] {strides = array<i32>} : memref<8x128xi32, #tpu.memory_space<vmem>>, vector<1x16xi32>,
      %get3A_826 = vector.shape_cast %get3A_825 : vector<1x16xi32> to vector<16xi32>
      %get3A_827 = arith.constant 4 : i32
      %get3A_828 = arith.index_cast %get3A_827 : i32 to index
      %get3A_829 = arith.constant 32 : index
      %get3A_830 = tpu.vector_load %arg11[%get3A_828, %get3A_829] {strides = array<i32>} : memref<8x128xi32, #tpu.memory_space<vmem>>, vector<1x16xi32>,
      %get3A_831 = vector.shape_cast %get3A_830 : vector<1x16xi32> to vector<16xi32>
      %max3A_832 = arith.constant 0 : i32
      %max3A_833 = vector.broadcast %max3A_832 : i32 to vector<16xi32>
      %max3A_834 = arith.maxsi %get3A_831, %max3A_833 : vector<16xi32>
      %mul3A_835 = arith.constant 8 : i32
      %mul3A_836 = vector.broadcast %mul3A_835 : i32 to vector<16xi32>
      %mul3A_837 = arith.muli %get3A_826, %mul3A_836 : vector<16xi32>
      %add3A_838 = arith.addi %mul3A_837, %max3A_834 : vector<16xi32>
      %swap3A_839 = arith.constant 4 : i32
      %swap3A_840 = arith.index_cast %swap3A_839 : i32 to index
      %swap3A_841 = arith.constant 32 : index
      %swap3A_842 = tpu.vector_load %arg12[%swap3A_840, %swap3A_841] {strides = array<i32>} : memref<8x128xi32, #tpu.memory_space<vmem>>, vector<1x16xi32>,
      %swap3A_843 = vector.shape_cast %swap3A_842 : vector<1x16xi32> to vector<16xi32>
      %swap3A_844 = vector.shape_cast %add3A_838 : vector<16xi32> to vector<1x16xi32>
      tpu.vector_store %arg12[%swap3A_840, %swap3A_841], %swap3A_844 {strides = array<i32>} : memref<8x128xi32, #tpu.memory_space<vmem>>, vector<1x16xi32>,
      %get3A_845 = arith.constant 4 : i32
      %get3A_846 = arith.index_cast %get3A_845 : i32 to index
      %get3A_847 = arith.constant 48 : index
      %get3A_848 = tpu.vector_load %arg10[%get3A_846, %get3A_847] {strides = array<i32>} : memref<8x128xi32, #tpu.memory_space<vmem>>, vector<1x16xi32>,
      %get3A_849 = vector.shape_cast %get3A_848 : vector<1x16xi32> to vector<16xi32>
      %get3A_850 = arith.constant 4 : i32
      %get3A_851 = arith.index_cast %get3A_850 : i32 to index
      %get3A_852 = arith.constant 48 : index
      %get3A_853 = tpu.vector_load %arg11[%get3A_851, %get3A_852] {strides = array<i32>} : memref<8x128xi32, #tpu.memory_space<vmem>>, vector<1x16xi32>,
      %get3A_854 = vector.shape_cast %get3A_853 : vector<1x16xi32> to vector<16xi32>
      %max3A_855 = arith.constant 0 : i32
      %max3A_856 = vector.broadcast %max3A_855 : i32 to vector<16xi32>
      %max3A_857 = arith.maxsi %get3A_854, %max3A_856 : vector<16xi32>
      %mul3A_858 = arith.constant 8 : i32
      %mul3A_859 = vector.broadcast %mul3A_858 : i32 to vector<16xi32>
      %mul3A_860 = arith.muli %get3A_849, %mul3A_859 : vector<16xi32>
      %add3A_861 = arith.addi %mul3A_860, %max3A_857 : vector<16xi32>
      %swap3A_862 = arith.constant 4 : i32
      %swap3A_863 = arith.index_cast %swap3A_862 : i32 to index
      %swap3A_864 = arith.constant 48 : index
      %swap3A_865 = tpu.vector_load %arg12[%swap3A_863, %swap3A_864] {strides = array<i32>} : memref<8x128xi32, #tpu.memory_space<vmem>>, vector<1x16xi32>,
      %swap3A_866 = vector.shape_cast %swap3A_865 : vector<1x16xi32> to vector<16xi32>
      %swap3A_867 = vector.shape_cast %add3A_861 : vector<16xi32> to vector<1x16xi32>
      tpu.vector_store %arg12[%swap3A_863, %swap3A_864], %swap3A_867 {strides = array<i32>} : memref<8x128xi32, #tpu.memory_space<vmem>>, vector<1x16xi32>,
      %get3A_868 = arith.constant 4 : i32
      %get3A_869 = arith.index_cast %get3A_868 : i32 to index
      %get3A_870 = arith.constant 64 : index
      %get3A_871 = tpu.vector_load %arg10[%get3A_869, %get3A_870] {strides = array<i32>} : memref<8x128xi32, #tpu.memory_space<vmem>>, vector<1x16xi32>,
      %get3A_872 = vector.shape_cast %get3A_871 : vector<1x16xi32> to vector<16xi32>
      %get3A_873 = arith.constant 4 : i32
      %get3A_874 = arith.index_cast %get3A_873 : i32 to index
      %get3A_875 = arith.constant 64 : index
      %get3A_876 = tpu.vector_load %arg11[%get3A_874, %get3A_875] {strides = array<i32>} : memref<8x128xi32, #tpu.memory_space<vmem>>, vector<1x16xi32>,
      %get3A_877 = vector.shape_cast %get3A_876 : vector<1x16xi32> to vector<16xi32>
      %max3A_878 = arith.constant 0 : i32
      %max3A_879 = vector.broadcast %max3A_878 : i32 to vector<16xi32>
      %max3A_880 = arith.maxsi %get3A_877, %max3A_879 : vector<16xi32>
      %mul3A_881 = arith.constant 8 : i32
      %mul3A_882 = vector.broadcast %mul3A_881 : i32 to vector<16xi32>
      %mul3A_883 = arith.muli %get3A_872, %mul3A_882 : vector<16xi32>
      %add3A_884 = arith.addi %mul3A_883, %max3A_880 : vector<16xi32>
      %swap3A_885 = arith.constant 4 : i32
      %swap3A_886 = arith.index_cast %swap3A_885 : i32 to index
      %swap3A_887 = arith.constant 64 : index
      %swap3A_888 = tpu.vector_load %arg12[%swap3A_886, %swap3A_887] {strides = array<i32>} : memref<8x128xi32, #tpu.memory_space<vmem>>, vector<1x16xi32>,
      %swap3A_889 = vector.shape_cast %swap3A_888 : vector<1x16xi32> to vector<16xi32>
      %swap3A_890 = vector.shape_cast %add3A_884 : vector<16xi32> to vector<1x16xi32>
      tpu.vector_store %arg12[%swap3A_886, %swap3A_887], %swap3A_890 {strides = array<i32>} : memref<8x128xi32, #tpu.memory_space<vmem>>, vector<1x16xi32>,
      %get3A_891 = arith.constant 4 : i32
      %get3A_892 = arith.index_cast %get3A_891 : i32 to index
      %get3A_893 = arith.constant 80 : index
      %get3A_894 = tpu.vector_load %arg10[%get3A_892, %get3A_893] {strides = array<i32>} : memref<8x128xi32, #tpu.memory_space<vmem>>, vector<1x16xi32>,
      %get3A_895 = vector.shape_cast %get3A_894 : vector<1x16xi32> to vector<16xi32>
      %get3A_896 = arith.constant 4 : i32
      %get3A_897 = arith.index_cast %get3A_896 : i32 to index
      %get3A_898 = arith.constant 80 : index
      %get3A_899 = tpu.vector_load %arg11[%get3A_897, %get3A_898] {strides = array<i32>} : memref<8x128xi32, #tpu.memory_space<vmem>>, vector<1x16xi32>,
      %get3A_900 = vector.shape_cast %get3A_899 : vector<1x16xi32> to vector<16xi32>
      %max3A_901 = arith.constant 0 : i32
      %max3A_902 = vector.broadcast %max3A_901 : i32 to vector<16xi32>
      %max3A_903 = arith.maxsi %get3A_900, %max3A_902 : vector<16xi32>
      %mul3A_904 = arith.constant 8 : i32
      %mul3A_905 = vector.broadcast %mul3A_904 : i32 to vector<16xi32>
      %mul3A_906 = arith.muli %get3A_895, %mul3A_905 : vector<16xi32>
      %add3A_907 = arith.addi %mul3A_906, %max3A_903 : vector<16xi32>
      %swap3A_908 = arith.constant 4 : i32
      %swap3A_909 = arith.index_cast %swap3A_908 : i32 to index
      %swap3A_910 = arith.constant 80 : index
      %swap3A_911 = tpu.vector_load %arg12[%swap3A_909, %swap3A_910] {strides = array<i32>} : memref<8x128xi32, #tpu.memory_space<vmem>>, vector<1x16xi32>,
      %swap3A_912 = vector.shape_cast %swap3A_911 : vector<1x16xi32> to vector<16xi32>
      %swap3A_913 = vector.shape_cast %add3A_907 : vector<16xi32> to vector<1x16xi32>
      tpu.vector_store %arg12[%swap3A_909, %swap3A_910], %swap3A_913 {strides = array<i32>} : memref<8x128xi32, #tpu.memory_space<vmem>>, vector<1x16xi32>,
      %get3A_914 = arith.constant 4 : i32
      %get3A_915 = arith.index_cast %get3A_914 : i32 to index
      %get3A_916 = arith.constant 96 : index
      %get3A_917 = tpu.vector_load %arg10[%get3A_915, %get3A_916] {strides = array<i32>} : memref<8x128xi32, #tpu.memory_space<vmem>>, vector<1x16xi32>,
      %get3A_918 = vector.shape_cast %get3A_917 : vector<1x16xi32> to vector<16xi32>
      %get3A_919 = arith.constant 4 : i32
      %get3A_920 = arith.index_cast %get3A_919 : i32 to index
      %get3A_921 = arith.constant 96 : index
      %get3A_922 = tpu.vector_load %arg11[%get3A_920, %get3A_921] {strides = array<i32>} : memref<8x128xi32, #tpu.memory_space<vmem>>, vector<1x16xi32>,
      %get3A_923 = vector.shape_cast %get3A_922 : vector<1x16xi32> to vector<16xi32>
      %max3A_924 = arith.constant 0 : i32
      %max3A_925 = vector.broadcast %max3A_924 : i32 to vector<16xi32>
      %max3A_926 = arith.maxsi %get3A_923, %max3A_925 : vector<16xi32>
      %mul3A_927 = arith.constant 8 : i32
      %mul3A_928 = vector.broadcast %mul3A_927 : i32 to vector<16xi32>
      %mul3A_929 = arith.muli %get3A_918, %mul3A_928 : vector<16xi32>
      %add3A_930 = arith.addi %mul3A_929, %max3A_926 : vector<16xi32>
      %swap3A_931 = arith.constant 4 : i32
      %swap3A_932 = arith.index_cast %swap3A_931 : i32 to index
      %swap3A_933 = arith.constant 96 : index
      %swap3A_934 = tpu.vector_load %arg12[%swap3A_932, %swap3A_933] {strides = array<i32>} : memref<8x128xi32, #tpu.memory_space<vmem>>, vector<1x16xi32>,
      %swap3A_935 = vector.shape_cast %swap3A_934 : vector<1x16xi32> to vector<16xi32>
      %swap3A_936 = vector.shape_cast %add3A_930 : vector<16xi32> to vector<1x16xi32>
      tpu.vector_store %arg12[%swap3A_932, %swap3A_933], %swap3A_936 {strides = array<i32>} : memref<8x128xi32, #tpu.memory_space<vmem>>, vector<1x16xi32>,
      %get3A_937 = arith.constant 4 : i32
      %get3A_938 = arith.index_cast %get3A_937 : i32 to index
      %get3A_939 = arith.constant 112 : index
      %get3A_940 = tpu.vector_load %arg10[%get3A_938, %get3A_939] {strides = array<i32>} : memref<8x128xi32, #tpu.memory_space<vmem>>, vector<1x16xi32>,
      %get3A_941 = vector.shape_cast %get3A_940 : vector<1x16xi32> to vector<16xi32>
      %get3A_942 = arith.constant 4 : i32
      %get3A_943 = arith.index_cast %get3A_942 : i32 to index
      %get3A_944 = arith.constant 112 : index
      %get3A_945 = tpu.vector_load %arg11[%get3A_943, %get3A_944] {strides = array<i32>} : memref<8x128xi32, #tpu.memory_space<vmem>>, vector<1x16xi32>,
      %get3A_946 = vector.shape_cast %get3A_945 : vector<1x16xi32> to vector<16xi32>
      %max3A_947 = arith.constant 0 : i32
      %max3A_948 = vector.broadcast %max3A_947 : i32 to vector<16xi32>
      %max3A_949 = arith.maxsi %get3A_946, %max3A_948 : vector<16xi32>
      %mul3A_950 = arith.constant 8 : i32
      %mul3A_951 = vector.broadcast %mul3A_950 : i32 to vector<16xi32>
      %mul3A_952 = arith.muli %get3A_941, %mul3A_951 : vector<16xi32>
      %add3A_953 = arith.addi %mul3A_952, %max3A_949 : vector<16xi32>
      %swap3A_954 = arith.constant 4 : i32
      %swap3A_955 = arith.index_cast %swap3A_954 : i32 to index
      %swap3A_956 = arith.constant 112 : index
      %swap3A_957 = tpu.vector_load %arg12[%swap3A_955, %swap3A_956] {strides = array<i32>} : memref<8x128xi32, #tpu.memory_space<vmem>>, vector<1x16xi32>,
      %swap3A_958 = vector.shape_cast %swap3A_957 : vector<1x16xi32> to vector<16xi32>
      %swap3A_959 = vector.shape_cast %add3A_953 : vector<16xi32> to vector<1x16xi32>
      tpu.vector_store %arg12[%swap3A_955, %swap3A_956], %swap3A_959 {strides = array<i32>} : memref<8x128xi32, #tpu.memory_space<vmem>>, vector<1x16xi32>,
      %get3A_960 = arith.constant 5 : i32
      %get3A_961 = arith.index_cast %get3A_960 : i32 to index
      %get3A_962 = arith.constant 0 : index
      %get3A_963 = tpu.vector_load %arg10[%get3A_961, %get3A_962] {strides = array<i32>} : memref<8x128xi32, #tpu.memory_space<vmem>>, vector<1x16xi32>,
      %get3A_964 = vector.shape_cast %get3A_963 : vector<1x16xi32> to vector<16xi32>
      %get3A_965 = arith.constant 5 : i32
      %get3A_966 = arith.index_cast %get3A_965 : i32 to index
      %get3A_967 = arith.constant 0 : index
      %get3A_968 = tpu.vector_load %arg11[%get3A_966, %get3A_967] {strides = array<i32>} : memref<8x128xi32, #tpu.memory_space<vmem>>, vector<1x16xi32>,
      %get3A_969 = vector.shape_cast %get3A_968 : vector<1x16xi32> to vector<16xi32>
      %max3A_970 = arith.constant 0 : i32
      %max3A_971 = vector.broadcast %max3A_970 : i32 to vector<16xi32>
      %max3A_972 = arith.maxsi %get3A_969, %max3A_971 : vector<16xi32>
      %mul3A_973 = arith.constant 8 : i32
      %mul3A_974 = vector.broadcast %mul3A_973 : i32 to vector<16xi32>
      %mul3A_975 = arith.muli %get3A_964, %mul3A_974 : vector<16xi32>
      %add3A_976 = arith.addi %mul3A_975, %max3A_972 : vector<16xi32>
      %swap3A_977 = arith.constant 5 : i32
      %swap3A_978 = arith.index_cast %swap3A_977 : i32 to index
      %swap3A_979 = arith.constant 0 : index
      %swap3A_980 = tpu.vector_load %arg12[%swap3A_978, %swap3A_979] {strides = array<i32>} : memref<8x128xi32, #tpu.memory_space<vmem>>, vector<1x16xi32>,
      %swap3A_981 = vector.shape_cast %swap3A_980 : vector<1x16xi32> to vector<16xi32>
      %swap3A_982 = vector.shape_cast %add3A_976 : vector<16xi32> to vector<1x16xi32>
      tpu.vector_store %arg12[%swap3A_978, %swap3A_979], %swap3A_982 {strides = array<i32>} : memref<8x128xi32, #tpu.memory_space<vmem>>, vector<1x16xi32>,
      %get3A_983 = arith.constant 5 : i32
      %get3A_984 = arith.index_cast %get3A_983 : i32 to index
      %get3A_985 = arith.constant 16 : index
      %get3A_986 = tpu.vector_load %arg10[%get3A_984, %get3A_985] {strides = array<i32>} : memref<8x128xi32, #tpu.memory_space<vmem>>, vector<1x16xi32>,
      %get3A_987 = vector.shape_cast %get3A_986 : vector<1x16xi32> to vector<16xi32>
      %get3A_988 = arith.constant 5 : i32
      %get3A_989 = arith.index_cast %get3A_988 : i32 to index
      %get3A_990 = arith.constant 16 : index
      %get3A_991 = tpu.vector_load %arg11[%get3A_989, %get3A_990] {strides = array<i32>} : memref<8x128xi32, #tpu.memory_space<vmem>>, vector<1x16xi32>,
      %get3A_992 = vector.shape_cast %get3A_991 : vector<1x16xi32> to vector<16xi32>
      %max3A_993 = arith.constant 0 : i32
      %max3A_994 = vector.broadcast %max3A_993 : i32 to vector<16xi32>
      %max3A_995 = arith.maxsi %get3A_992, %max3A_994 : vector<16xi32>
      %mul3A_996 = arith.constant 8 : i32
      %mul3A_997 = vector.broadcast %mul3A_996 : i32 to vector<16xi32>
      %mul3A_998 = arith.muli %get3A_987, %mul3A_997 : vector<16xi32>
      %add3A_999 = arith.addi %mul3A_998, %max3A_995 : vector<16xi32>
      %swap3A_1000 = arith.constant 5 : i32
      %swap3A_1001 = arith.index_cast %swap3A_1000 : i32 to index
      %swap3A_1002 = arith.constant 16 : index
      %swap3A_1003 = tpu.vector_load %arg12[%swap3A_1001, %swap3A_1002] {strides = array<i32>} : memref<8x128xi32, #tpu.memory_space<vmem>>, vector<1x16xi32>,
      %swap3A_1004 = vector.shape_cast %swap3A_1003 : vector<1x16xi32> to vector<16xi32>
      %swap3A_1005 = vector.shape_cast %add3A_999 : vector<16xi32> to vector<1x16xi32>
      tpu.vector_store %arg12[%swap3A_1001, %swap3A_1002], %swap3A_1005 {strides = array<i32>} : memref<8x128xi32, #tpu.memory_space<vmem>>, vector<1x16xi32>,
      %get3A_1006 = arith.constant 5 : i32
      %get3A_1007 = arith.index_cast %get3A_1006 : i32 to index
      %get3A_1008 = arith.constant 32 : index
      %get3A_1009 = tpu.vector_load %arg10[%get3A_1007, %get3A_1008] {strides = array<i32>} : memref<8x128xi32, #tpu.memory_space<vmem>>, vector<1x16xi32>,
      %get3A_1010 = vector.shape_cast %get3A_1009 : vector<1x16xi32> to vector<16xi32>
      %get3A_1011 = arith.constant 5 : i32
      %get3A_1012 = arith.index_cast %get3A_1011 : i32 to index
      %get3A_1013 = arith.constant 32 : index
      %get3A_1014 = tpu.vector_load %arg11[%get3A_1012, %get3A_1013] {strides = array<i32>} : memref<8x128xi32, #tpu.memory_space<vmem>>, vector<1x16xi32>,
      %get3A_1015 = vector.shape_cast %get3A_1014 : vector<1x16xi32> to vector<16xi32>
      %max3A_1016 = arith.constant 0 : i32
      %max3A_1017 = vector.broadcast %max3A_1016 : i32 to vector<16xi32>
      %max3A_1018 = arith.maxsi %get3A_1015, %max3A_1017 : vector<16xi32>
      %mul3A_1019 = arith.constant 8 : i32
      %mul3A_1020 = vector.broadcast %mul3A_1019 : i32 to vector<16xi32>
      %mul3A_1021 = arith.muli %get3A_1010, %mul3A_1020 : vector<16xi32>
      %add3A_1022 = arith.addi %mul3A_1021, %max3A_1018 : vector<16xi32>
      %swap3A_1023 = arith.constant 5 : i32
      %swap3A_1024 = arith.index_cast %swap3A_1023 : i32 to index
      %swap3A_1025 = arith.constant 32 : index
      %swap3A_1026 = tpu.vector_load %arg12[%swap3A_1024, %swap3A_1025] {strides = array<i32>} : memref<8x128xi32, #tpu.memory_space<vmem>>, vector<1x16xi32>,
      %swap3A_1027 = vector.shape_cast %swap3A_1026 : vector<1x16xi32> to vector<16xi32>
      %swap3A_1028 = vector.shape_cast %add3A_1022 : vector<16xi32> to vector<1x16xi32>
      tpu.vector_store %arg12[%swap3A_1024, %swap3A_1025], %swap3A_1028 {strides = array<i32>} : memref<8x128xi32, #tpu.memory_space<vmem>>, vector<1x16xi32>,
      %get3A_1029 = arith.constant 5 : i32
      %get3A_1030 = arith.index_cast %get3A_1029 : i32 to index
      %get3A_1031 = arith.constant 48 : index
      %get3A_1032 = tpu.vector_load %arg10[%get3A_1030, %get3A_1031] {strides = array<i32>} : memref<8x128xi32, #tpu.memory_space<vmem>>, vector<1x16xi32>,
      %get3A_1033 = vector.shape_cast %get3A_1032 : vector<1x16xi32> to vector<16xi32>
      %get3A_1034 = arith.constant 5 : i32
      %get3A_1035 = arith.index_cast %get3A_1034 : i32 to index
      %get3A_1036 = arith.constant 48 : index
      %get3A_1037 = tpu.vector_load %arg11[%get3A_1035, %get3A_1036] {strides = array<i32>} : memref<8x128xi32, #tpu.memory_space<vmem>>, vector<1x16xi32>,
      %get3A_1038 = vector.shape_cast %get3A_1037 : vector<1x16xi32> to vector<16xi32>
      %max3A_1039 = arith.constant 0 : i32
      %max3A_1040 = vector.broadcast %max3A_1039 : i32 to vector<16xi32>
      %max3A_1041 = arith.maxsi %get3A_1038, %max3A_1040 : vector<16xi32>
      %mul3A_1042 = arith.constant 8 : i32
      %mul3A_1043 = vector.broadcast %mul3A_1042 : i32 to vector<16xi32>
      %mul3A_1044 = arith.muli %get3A_1033, %mul3A_1043 : vector<16xi32>
      %add3A_1045 = arith.addi %mul3A_1044, %max3A_1041 : vector<16xi32>
      %swap3A_1046 = arith.constant 5 : i32
      %swap3A_1047 = arith.index_cast %swap3A_1046 : i32 to index
      %swap3A_1048 = arith.constant 48 : index
      %swap3A_1049 = tpu.vector_load %arg12[%swap3A_1047, %swap3A_1048] {strides = array<i32>} : memref<8x128xi32, #tpu.memory_space<vmem>>, vector<1x16xi32>,
      %swap3A_1050 = vector.shape_cast %swap3A_1049 : vector<1x16xi32> to vector<16xi32>
      %swap3A_1051 = vector.shape_cast %add3A_1045 : vector<16xi32> to vector<1x16xi32>
      tpu.vector_store %arg12[%swap3A_1047, %swap3A_1048], %swap3A_1051 {strides = array<i32>} : memref<8x128xi32, #tpu.memory_space<vmem>>, vector<1x16xi32>,
      %get3A_1052 = arith.constant 5 : i32
      %get3A_1053 = arith.index_cast %get3A_1052 : i32 to index
      %get3A_1054 = arith.constant 64 : index
      %get3A_1055 = tpu.vector_load %arg10[%get3A_1053, %get3A_1054] {strides = array<i32>} : memref<8x128xi32, #tpu.memory_space<vmem>>, vector<1x16xi32>,
      %get3A_1056 = vector.shape_cast %get3A_1055 : vector<1x16xi32> to vector<16xi32>
      %get3A_1057 = arith.constant 5 : i32
      %get3A_1058 = arith.index_cast %get3A_1057 : i32 to index
      %get3A_1059 = arith.constant 64 : index
      %get3A_1060 = tpu.vector_load %arg11[%get3A_1058, %get3A_1059] {strides = array<i32>} : memref<8x128xi32, #tpu.memory_space<vmem>>, vector<1x16xi32>,
      %get3A_1061 = vector.shape_cast %get3A_1060 : vector<1x16xi32> to vector<16xi32>
      %max3A_1062 = arith.constant 0 : i32
      %max3A_1063 = vector.broadcast %max3A_1062 : i32 to vector<16xi32>
      %max3A_1064 = arith.maxsi %get3A_1061, %max3A_1063 : vector<16xi32>
      %mul3A_1065 = arith.constant 8 : i32
      %mul3A_1066 = vector.broadcast %mul3A_1065 : i32 to vector<16xi32>
      %mul3A_1067 = arith.muli %get3A_1056, %mul3A_1066 : vector<16xi32>
      %add3A_1068 = arith.addi %mul3A_1067, %max3A_1064 : vector<16xi32>
      %swap3A_1069 = arith.constant 5 : i32
      %swap3A_1070 = arith.index_cast %swap3A_1069 : i32 to index
      %swap3A_1071 = arith.constant 64 : index
      %swap3A_1072 = tpu.vector_load %arg12[%swap3A_1070, %swap3A_1071] {strides = array<i32>} : memref<8x128xi32, #tpu.memory_space<vmem>>, vector<1x16xi32>,
      %swap3A_1073 = vector.shape_cast %swap3A_1072 : vector<1x16xi32> to vector<16xi32>
      %swap3A_1074 = vector.shape_cast %add3A_1068 : vector<16xi32> to vector<1x16xi32>
      tpu.vector_store %arg12[%swap3A_1070, %swap3A_1071], %swap3A_1074 {strides = array<i32>} : memref<8x128xi32, #tpu.memory_space<vmem>>, vector<1x16xi32>,
      %get3A_1075 = arith.constant 5 : i32
      %get3A_1076 = arith.index_cast %get3A_1075 : i32 to index
      %get3A_1077 = arith.constant 80 : index
      %get3A_1078 = tpu.vector_load %arg10[%get3A_1076, %get3A_1077] {strides = array<i32>} : memref<8x128xi32, #tpu.memory_space<vmem>>, vector<1x16xi32>,
      %get3A_1079 = vector.shape_cast %get3A_1078 : vector<1x16xi32> to vector<16xi32>
      %get3A_1080 = arith.constant 5 : i32
      %get3A_1081 = arith.index_cast %get3A_1080 : i32 to index
      %get3A_1082 = arith.constant 80 : index
      %get3A_1083 = tpu.vector_load %arg11[%get3A_1081, %get3A_1082] {strides = array<i32>} : memref<8x128xi32, #tpu.memory_space<vmem>>, vector<1x16xi32>,
      %get3A_1084 = vector.shape_cast %get3A_1083 : vector<1x16xi32> to vector<16xi32>
      %max3A_1085 = arith.constant 0 : i32
      %max3A_1086 = vector.broadcast %max3A_1085 : i32 to vector<16xi32>
      %max3A_1087 = arith.maxsi %get3A_1084, %max3A_1086 : vector<16xi32>
      %mul3A_1088 = arith.constant 8 : i32
      %mul3A_1089 = vector.broadcast %mul3A_1088 : i32 to vector<16xi32>
      %mul3A_1090 = arith.muli %get3A_1079, %mul3A_1089 : vector<16xi32>
      %add3A_1091 = arith.addi %mul3A_1090, %max3A_1087 : vector<16xi32>
      %swap3A_1092 = arith.constant 5 : i32
      %swap3A_1093 = arith.index_cast %swap3A_1092 : i32 to index
      %swap3A_1094 = arith.constant 80 : index
      %swap3A_1095 = tpu.vector_load %arg12[%swap3A_1093, %swap3A_1094] {strides = array<i32>} : memref<8x128xi32, #tpu.memory_space<vmem>>, vector<1x16xi32>,
      %swap3A_1096 = vector.shape_cast %swap3A_1095 : vector<1x16xi32> to vector<16xi32>
      %swap3A_1097 = vector.shape_cast %add3A_1091 : vector<16xi32> to vector<1x16xi32>
      tpu.vector_store %arg12[%swap3A_1093, %swap3A_1094], %swap3A_1097 {strides = array<i32>} : memref<8x128xi32, #tpu.memory_space<vmem>>, vector<1x16xi32>,
      %get3A_1098 = arith.constant 5 : i32
      %get3A_1099 = arith.index_cast %get3A_1098 : i32 to index
      %get3A_1100 = arith.constant 96 : index
      %get3A_1101 = tpu.vector_load %arg10[%get3A_1099, %get3A_1100] {strides = array<i32>} : memref<8x128xi32, #tpu.memory_space<vmem>>, vector<1x16xi32>,
      %get3A_1102 = vector.shape_cast %get3A_1101 : vector<1x16xi32> to vector<16xi32>
      %get3A_1103 = arith.constant 5 : i32
      %get3A_1104 = arith.index_cast %get3A_1103 : i32 to index
      %get3A_1105 = arith.constant 96 : index
      %get3A_1106 = tpu.vector_load %arg11[%get3A_1104, %get3A_1105] {strides = array<i32>} : memref<8x128xi32, #tpu.memory_space<vmem>>, vector<1x16xi32>,
      %get3A_1107 = vector.shape_cast %get3A_1106 : vector<1x16xi32> to vector<16xi32>
      %max3A_1108 = arith.constant 0 : i32
      %max3A_1109 = vector.broadcast %max3A_1108 : i32 to vector<16xi32>
      %max3A_1110 = arith.maxsi %get3A_1107, %max3A_1109 : vector<16xi32>
      %mul3A_1111 = arith.constant 8 : i32
      %mul3A_1112 = vector.broadcast %mul3A_1111 : i32 to vector<16xi32>
      %mul3A_1113 = arith.muli %get3A_1102, %mul3A_1112 : vector<16xi32>
      %add3A_1114 = arith.addi %mul3A_1113, %max3A_1110 : vector<16xi32>
      %swap3A_1115 = arith.constant 5 : i32
      %swap3A_1116 = arith.index_cast %swap3A_1115 : i32 to index
      %swap3A_1117 = arith.constant 96 : index
      %swap3A_1118 = tpu.vector_load %arg12[%swap3A_1116, %swap3A_1117] {strides = array<i32>} : memref<8x128xi32, #tpu.memory_space<vmem>>, vector<1x16xi32>,
      %swap3A_1119 = vector.shape_cast %swap3A_1118 : vector<1x16xi32> to vector<16xi32>
      %swap3A_1120 = vector.shape_cast %add3A_1114 : vector<16xi32> to vector<1x16xi32>
      tpu.vector_store %arg12[%swap3A_1116, %swap3A_1117], %swap3A_1120 {strides = array<i32>} : memref<8x128xi32, #tpu.memory_space<vmem>>, vector<1x16xi32>,
      %get3A_1121 = arith.constant 5 : i32
      %get3A_1122 = arith.index_cast %get3A_1121 : i32 to index
      %get3A_1123 = arith.constant 112 : index
      %get3A_1124 = tpu.vector_load %arg10[%get3A_1122, %get3A_1123] {strides = array<i32>} : memref<8x128xi32, #tpu.memory_space<vmem>>, vector<1x16xi32>,
      %get3A_1125 = vector.shape_cast %get3A_1124 : vector<1x16xi32> to vector<16xi32>
      %get3A_1126 = arith.constant 5 : i32
      %get3A_1127 = arith.index_cast %get3A_1126 : i32 to index
      %get3A_1128 = arith.constant 112 : index
      %get3A_1129 = tpu.vector_load %arg11[%get3A_1127, %get3A_1128] {strides = array<i32>} : memref<8x128xi32, #tpu.memory_space<vmem>>, vector<1x16xi32>,
      %get3A_1130 = vector.shape_cast %get3A_1129 : vector<1x16xi32> to vector<16xi32>
      %max3A_1131 = arith.constant 0 : i32
      %max3A_1132 = vector.broadcast %max3A_1131 : i32 to vector<16xi32>
      %max3A_1133 = arith.maxsi %get3A_1130, %max3A_1132 : vector<16xi32>
      %mul3A_1134 = arith.constant 8 : i32
      %mul3A_1135 = vector.broadcast %mul3A_1134 : i32 to vector<16xi32>
      %mul3A_1136 = arith.muli %get3A_1125, %mul3A_1135 : vector<16xi32>
      %add3A_1137 = arith.addi %mul3A_1136, %max3A_1133 : vector<16xi32>
      %swap3A_1138 = arith.constant 5 : i32
      %swap3A_1139 = arith.index_cast %swap3A_1138 : i32 to index
      %swap3A_1140 = arith.constant 112 : index
      %swap3A_1141 = tpu.vector_load %arg12[%swap3A_1139, %swap3A_1140] {strides = array<i32>} : memref<8x128xi32, #tpu.memory_space<vmem>>, vector<1x16xi32>,
      %swap3A_1142 = vector.shape_cast %swap3A_1141 : vector<1x16xi32> to vector<16xi32>
      %swap3A_1143 = vector.shape_cast %add3A_1137 : vector<16xi32> to vector<1x16xi32>
      tpu.vector_store %arg12[%swap3A_1139, %swap3A_1140], %swap3A_1143 {strides = array<i32>} : memref<8x128xi32, #tpu.memory_space<vmem>>, vector<1x16xi32>,
      %get3A_1144 = arith.constant 6 : i32
      %get3A_1145 = arith.index_cast %get3A_1144 : i32 to index
      %get3A_1146 = arith.constant 0 : index
      %get3A_1147 = tpu.vector_load %arg10[%get3A_1145, %get3A_1146] {strides = array<i32>} : memref<8x128xi32, #tpu.memory_space<vmem>>, vector<1x16xi32>,
      %get3A_1148 = vector.shape_cast %get3A_1147 : vector<1x16xi32> to vector<16xi32>
      %get3A_1149 = arith.constant 6 : i32
      %get3A_1150 = arith.index_cast %get3A_1149 : i32 to index
      %get3A_1151 = arith.constant 0 : index
      %get3A_1152 = tpu.vector_load %arg11[%get3A_1150, %get3A_1151] {strides = array<i32>} : memref<8x128xi32, #tpu.memory_space<vmem>>, vector<1x16xi32>,
      %get3A_1153 = vector.shape_cast %get3A_1152 : vector<1x16xi32> to vector<16xi32>
      %max3A_1154 = arith.constant 0 : i32
      %max3A_1155 = vector.broadcast %max3A_1154 : i32 to vector<16xi32>
      %max3A_1156 = arith.maxsi %get3A_1153, %max3A_1155 : vector<16xi32>
      %mul3A_1157 = arith.constant 8 : i32
      %mul3A_1158 = vector.broadcast %mul3A_1157 : i32 to vector<16xi32>
      %mul3A_1159 = arith.muli %get3A_1148, %mul3A_1158 : vector<16xi32>
      %add3A_1160 = arith.addi %mul3A_1159, %max3A_1156 : vector<16xi32>
      %swap3A_1161 = arith.constant 6 : i32
      %swap3A_1162 = arith.index_cast %swap3A_1161 : i32 to index
      %swap3A_1163 = arith.constant 0 : index
      %swap3A_1164 = tpu.vector_load %arg12[%swap3A_1162, %swap3A_1163] {strides = array<i32>} : memref<8x128xi32, #tpu.memory_space<vmem>>, vector<1x16xi32>,
      %swap3A_1165 = vector.shape_cast %swap3A_1164 : vector<1x16xi32> to vector<16xi32>
      %swap3A_1166 = vector.shape_cast %add3A_1160 : vector<16xi32> to vector<1x16xi32>
      tpu.vector_store %arg12[%swap3A_1162, %swap3A_1163], %swap3A_1166 {strides = array<i32>} : memref<8x128xi32, #tpu.memory_space<vmem>>, vector<1x16xi32>,
      %get3A_1167 = arith.constant 6 : i32
      %get3A_1168 = arith.index_cast %get3A_1167 : i32 to index
      %get3A_1169 = arith.constant 16 : index
      %get3A_1170 = tpu.vector_load %arg10[%get3A_1168, %get3A_1169] {strides = array<i32>} : memref<8x128xi32, #tpu.memory_space<vmem>>, vector<1x16xi32>,
      %get3A_1171 = vector.shape_cast %get3A_1170 : vector<1x16xi32> to vector<16xi32>
      %get3A_1172 = arith.constant 6 : i32
      %get3A_1173 = arith.index_cast %get3A_1172 : i32 to index
      %get3A_1174 = arith.constant 16 : index
      %get3A_1175 = tpu.vector_load %arg11[%get3A_1173, %get3A_1174] {strides = array<i32>} : memref<8x128xi32, #tpu.memory_space<vmem>>, vector<1x16xi32>,
      %get3A_1176 = vector.shape_cast %get3A_1175 : vector<1x16xi32> to vector<16xi32>
      %max3A_1177 = arith.constant 0 : i32
      %max3A_1178 = vector.broadcast %max3A_1177 : i32 to vector<16xi32>
      %max3A_1179 = arith.maxsi %get3A_1176, %max3A_1178 : vector<16xi32>
      %mul3A_1180 = arith.constant 8 : i32
      %mul3A_1181 = vector.broadcast %mul3A_1180 : i32 to vector<16xi32>
      %mul3A_1182 = arith.muli %get3A_1171, %mul3A_1181 : vector<16xi32>
      %add3A_1183 = arith.addi %mul3A_1182, %max3A_1179 : vector<16xi32>
      %swap3A_1184 = arith.constant 6 : i32
      %swap3A_1185 = arith.index_cast %swap3A_1184 : i32 to index
      %swap3A_1186 = arith.constant 16 : index
      %swap3A_1187 = tpu.vector_load %arg12[%swap3A_1185, %swap3A_1186] {strides = array<i32>} : memref<8x128xi32, #tpu.memory_space<vmem>>, vector<1x16xi32>,
      %swap3A_1188 = vector.shape_cast %swap3A_1187 : vector<1x16xi32> to vector<16xi32>
      %swap3A_1189 = vector.shape_cast %add3A_1183 : vector<16xi32> to vector<1x16xi32>
      tpu.vector_store %arg12[%swap3A_1185, %swap3A_1186], %swap3A_1189 {strides = array<i32>} : memref<8x128xi32, #tpu.memory_space<vmem>>, vector<1x16xi32>,
      %get3A_1190 = arith.constant 6 : i32
      %get3A_1191 = arith.index_cast %get3A_1190 : i32 to index
      %get3A_1192 = arith.constant 32 : index
      %get3A_1193 = tpu.vector_load %arg10[%get3A_1191, %get3A_1192] {strides = array<i32>} : memref<8x128xi32, #tpu.memory_space<vmem>>, vector<1x16xi32>,
      %get3A_1194 = vector.shape_cast %get3A_1193 : vector<1x16xi32> to vector<16xi32>
      %get3A_1195 = arith.constant 6 : i32
      %get3A_1196 = arith.index_cast %get3A_1195 : i32 to index
      %get3A_1197 = arith.constant 32 : index
      %get3A_1198 = tpu.vector_load %arg11[%get3A_1196, %get3A_1197] {strides = array<i32>} : memref<8x128xi32, #tpu.memory_space<vmem>>, vector<1x16xi32>,
      %get3A_1199 = vector.shape_cast %get3A_1198 : vector<1x16xi32> to vector<16xi32>
      %max3A_1200 = arith.constant 0 : i32
      %max3A_1201 = vector.broadcast %max3A_1200 : i32 to vector<16xi32>
      %max3A_1202 = arith.maxsi %get3A_1199, %max3A_1201 : vector<16xi32>
      %mul3A_1203 = arith.constant 8 : i32
      %mul3A_1204 = vector.broadcast %mul3A_1203 : i32 to vector<16xi32>
      %mul3A_1205 = arith.muli %get3A_1194, %mul3A_1204 : vector<16xi32>
      %add3A_1206 = arith.addi %mul3A_1205, %max3A_1202 : vector<16xi32>
      %swap3A_1207 = arith.constant 6 : i32
      %swap3A_1208 = arith.index_cast %swap3A_1207 : i32 to index
      %swap3A_1209 = arith.constant 32 : index
      %swap3A_1210 = tpu.vector_load %arg12[%swap3A_1208, %swap3A_1209] {strides = array<i32>} : memref<8x128xi32, #tpu.memory_space<vmem>>, vector<1x16xi32>,
      %swap3A_1211 = vector.shape_cast %swap3A_1210 : vector<1x16xi32> to vector<16xi32>
      %swap3A_1212 = vector.shape_cast %add3A_1206 : vector<16xi32> to vector<1x16xi32>
      tpu.vector_store %arg12[%swap3A_1208, %swap3A_1209], %swap3A_1212 {strides = array<i32>} : memref<8x128xi32, #tpu.memory_space<vmem>>, vector<1x16xi32>,
      %get3A_1213 = arith.constant 6 : i32
      %get3A_1214 = arith.index_cast %get3A_1213 : i32 to index
      %get3A_1215 = arith.constant 48 : index
      %get3A_1216 = tpu.vector_load %arg10[%get3A_1214, %get3A_1215] {strides = array<i32>} : memref<8x128xi32, #tpu.memory_space<vmem>>, vector<1x16xi32>,
      %get3A_1217 = vector.shape_cast %get3A_1216 : vector<1x16xi32> to vector<16xi32>
      %get3A_1218 = arith.constant 6 : i32
      %get3A_1219 = arith.index_cast %get3A_1218 : i32 to index
      %get3A_1220 = arith.constant 48 : index
      %get3A_1221 = tpu.vector_load %arg11[%get3A_1219, %get3A_1220] {strides = array<i32>} : memref<8x128xi32, #tpu.memory_space<vmem>>, vector<1x16xi32>,
      %get3A_1222 = vector.shape_cast %get3A_1221 : vector<1x16xi32> to vector<16xi32>
      %max3A_1223 = arith.constant 0 : i32
      %max3A_1224 = vector.broadcast %max3A_1223 : i32 to vector<16xi32>
      %max3A_1225 = arith.maxsi %get3A_1222, %max3A_1224 : vector<16xi32>
      %mul3A_1226 = arith.constant 8 : i32
      %mul3A_1227 = vector.broadcast %mul3A_1226 : i32 to vector<16xi32>
      %mul3A_1228 = arith.muli %get3A_1217, %mul3A_1227 : vector<16xi32>
      %add3A_1229 = arith.addi %mul3A_1228, %max3A_1225 : vector<16xi32>
      %swap3A_1230 = arith.constant 6 : i32
      %swap3A_1231 = arith.index_cast %swap3A_1230 : i32 to index
      %swap3A_1232 = arith.constant 48 : index
      %swap3A_1233 = tpu.vector_load %arg12[%swap3A_1231, %swap3A_1232] {strides = array<i32>} : memref<8x128xi32, #tpu.memory_space<vmem>>, vector<1x16xi32>,
      %swap3A_1234 = vector.shape_cast %swap3A_1233 : vector<1x16xi32> to vector<16xi32>
      %swap3A_1235 = vector.shape_cast %add3A_1229 : vector<16xi32> to vector<1x16xi32>
      tpu.vector_store %arg12[%swap3A_1231, %swap3A_1232], %swap3A_1235 {strides = array<i32>} : memref<8x128xi32, #tpu.memory_space<vmem>>, vector<1x16xi32>,
      %get3A_1236 = arith.constant 6 : i32
      %get3A_1237 = arith.index_cast %get3A_1236 : i32 to index
      %get3A_1238 = arith.constant 64 : index
      %get3A_1239 = tpu.vector_load %arg10[%get3A_1237, %get3A_1238] {strides = array<i32>} : memref<8x128xi32, #tpu.memory_space<vmem>>, vector<1x16xi32>,
      %get3A_1240 = vector.shape_cast %get3A_1239 : vector<1x16xi32> to vector<16xi32>
      %get3A_1241 = arith.constant 6 : i32
      %get3A_1242 = arith.index_cast %get3A_1241 : i32 to index
      %get3A_1243 = arith.constant 64 : index
      %get3A_1244 = tpu.vector_load %arg11[%get3A_1242, %get3A_1243] {strides = array<i32>} : memref<8x128xi32, #tpu.memory_space<vmem>>, vector<1x16xi32>,
      %get3A_1245 = vector.shape_cast %get3A_1244 : vector<1x16xi32> to vector<16xi32>
      %max3A_1246 = arith.constant 0 : i32
      %max3A_1247 = vector.broadcast %max3A_1246 : i32 to vector<16xi32>
      %max3A_1248 = arith.maxsi %get3A_1245, %max3A_1247 : vector<16xi32>
      %mul3A_1249 = arith.constant 8 : i32
      %mul3A_1250 = vector.broadcast %mul3A_1249 : i32 to vector<16xi32>
      %mul3A_1251 = arith.muli %get3A_1240, %mul3A_1250 : vector<16xi32>
      %add3A_1252 = arith.addi %mul3A_1251, %max3A_1248 : vector<16xi32>
      %swap3A_1253 = arith.constant 6 : i32
      %swap3A_1254 = arith.index_cast %swap3A_1253 : i32 to index
      %swap3A_1255 = arith.constant 64 : index
      %swap3A_1256 = tpu.vector_load %arg12[%swap3A_1254, %swap3A_1255] {strides = array<i32>} : memref<8x128xi32, #tpu.memory_space<vmem>>, vector<1x16xi32>,
      %swap3A_1257 = vector.shape_cast %swap3A_1256 : vector<1x16xi32> to vector<16xi32>
      %swap3A_1258 = vector.shape_cast %add3A_1252 : vector<16xi32> to vector<1x16xi32>
      tpu.vector_store %arg12[%swap3A_1254, %swap3A_1255], %swap3A_1258 {strides = array<i32>} : memref<8x128xi32, #tpu.memory_space<vmem>>, vector<1x16xi32>,
      %get3A_1259 = arith.constant 6 : i32
      %get3A_1260 = arith.index_cast %get3A_1259 : i32 to index
      %get3A_1261 = arith.constant 80 : index
      %get3A_1262 = tpu.vector_load %arg10[%get3A_1260, %get3A_1261] {strides = array<i32>} : memref<8x128xi32, #tpu.memory_space<vmem>>, vector<1x16xi32>,
      %get3A_1263 = vector.shape_cast %get3A_1262 : vector<1x16xi32> to vector<16xi32>
      %get3A_1264 = arith.constant 6 : i32
      %get3A_1265 = arith.index_cast %get3A_1264 : i32 to index
      %get3A_1266 = arith.constant 80 : index
      %get3A_1267 = tpu.vector_load %arg11[%get3A_1265, %get3A_1266] {strides = array<i32>} : memref<8x128xi32, #tpu.memory_space<vmem>>, vector<1x16xi32>,
      %get3A_1268 = vector.shape_cast %get3A_1267 : vector<1x16xi32> to vector<16xi32>
      %max3A_1269 = arith.constant 0 : i32
      %max3A_1270 = vector.broadcast %max3A_1269 : i32 to vector<16xi32>
      %max3A_1271 = arith.maxsi %get3A_1268, %max3A_1270 : vector<16xi32>
      %mul3A_1272 = arith.constant 8 : i32
      %mul3A_1273 = vector.broadcast %mul3A_1272 : i32 to vector<16xi32>
      %mul3A_1274 = arith.muli %get3A_1263, %mul3A_1273 : vector<16xi32>
      %add3A_1275 = arith.addi %mul3A_1274, %max3A_1271 : vector<16xi32>
      %swap3A_1276 = arith.constant 6 : i32
      %swap3A_1277 = arith.index_cast %swap3A_1276 : i32 to index
      %swap3A_1278 = arith.constant 80 : index
      %swap3A_1279 = tpu.vector_load %arg12[%swap3A_1277, %swap3A_1278] {strides = array<i32>} : memref<8x128xi32, #tpu.memory_space<vmem>>, vector<1x16xi32>,
      %swap3A_1280 = vector.shape_cast %swap3A_1279 : vector<1x16xi32> to vector<16xi32>
      %swap3A_1281 = vector.shape_cast %add3A_1275 : vector<16xi32> to vector<1x16xi32>
      tpu.vector_store %arg12[%swap3A_1277, %swap3A_1278], %swap3A_1281 {strides = array<i32>} : memref<8x128xi32, #tpu.memory_space<vmem>>, vector<1x16xi32>,
      %get3A_1282 = arith.constant 6 : i32
      %get3A_1283 = arith.index_cast %get3A_1282 : i32 to index
      %get3A_1284 = arith.constant 96 : index
      %get3A_1285 = tpu.vector_load %arg10[%get3A_1283, %get3A_1284] {strides = array<i32>} : memref<8x128xi32, #tpu.memory_space<vmem>>, vector<1x16xi32>,
      %get3A_1286 = vector.shape_cast %get3A_1285 : vector<1x16xi32> to vector<16xi32>
      %get3A_1287 = arith.constant 6 : i32
      %get3A_1288 = arith.index_cast %get3A_1287 : i32 to index
      %get3A_1289 = arith.constant 96 : index
      %get3A_1290 = tpu.vector_load %arg11[%get3A_1288, %get3A_1289] {strides = array<i32>} : memref<8x128xi32, #tpu.memory_space<vmem>>, vector<1x16xi32>,
      %get3A_1291 = vector.shape_cast %get3A_1290 : vector<1x16xi32> to vector<16xi32>
      %max3A_1292 = arith.constant 0 : i32
      %max3A_1293 = vector.broadcast %max3A_1292 : i32 to vector<16xi32>
      %max3A_1294 = arith.maxsi %get3A_1291, %max3A_1293 : vector<16xi32>
      %mul3A_1295 = arith.constant 8 : i32
      %mul3A_1296 = vector.broadcast %mul3A_1295 : i32 to vector<16xi32>
      %mul3A_1297 = arith.muli %get3A_1286, %mul3A_1296 : vector<16xi32>
      %add3A_1298 = arith.addi %mul3A_1297, %max3A_1294 : vector<16xi32>
      %swap3A_1299 = arith.constant 6 : i32
      %swap3A_1300 = arith.index_cast %swap3A_1299 : i32 to index
      %swap3A_1301 = arith.constant 96 : index
      %swap3A_1302 = tpu.vector_load %arg12[%swap3A_1300, %swap3A_1301] {strides = array<i32>} : memref<8x128xi32, #tpu.memory_space<vmem>>, vector<1x16xi32>,
      %swap3A_1303 = vector.shape_cast %swap3A_1302 : vector<1x16xi32> to vector<16xi32>
      %swap3A_1304 = vector.shape_cast %add3A_1298 : vector<16xi32> to vector<1x16xi32>
      tpu.vector_store %arg12[%swap3A_1300, %swap3A_1301], %swap3A_1304 {strides = array<i32>} : memref<8x128xi32, #tpu.memory_space<vmem>>, vector<1x16xi32>,
      %get3A_1305 = arith.constant 6 : i32
      %get3A_1306 = arith.index_cast %get3A_1305 : i32 to index
      %get3A_1307 = arith.constant 112 : index
      %get3A_1308 = tpu.vector_load %arg10[%get3A_1306, %get3A_1307] {strides = array<i32>} : memref<8x128xi32, #tpu.memory_space<vmem>>, vector<1x16xi32>,
      %get3A_1309 = vector.shape_cast %get3A_1308 : vector<1x16xi32> to vector<16xi32>
      %get3A_1310 = arith.constant 6 : i32
      %get3A_1311 = arith.index_cast %get3A_1310 : i32 to index
      %get3A_1312 = arith.constant 112 : index
      %get3A_1313 = tpu.vector_load %arg11[%get3A_1311, %get3A_1312] {strides = array<i32>} : memref<8x128xi32, #tpu.memory_space<vmem>>, vector<1x16xi32>,
      %get3A_1314 = vector.shape_cast %get3A_1313 : vector<1x16xi32> to vector<16xi32>
      %max3A_1315 = arith.constant 0 : i32
      %max3A_1316 = vector.broadcast %max3A_1315 : i32 to vector<16xi32>
      %max3A_1317 = arith.maxsi %get3A_1314, %max3A_1316 : vector<16xi32>
      %mul3A_1318 = arith.constant 8 : i32
      %mul3A_1319 = vector.broadcast %mul3A_1318 : i32 to vector<16xi32>
      %mul3A_1320 = arith.muli %get3A_1309, %mul3A_1319 : vector<16xi32>
      %add3A_1321 = arith.addi %mul3A_1320, %max3A_1317 : vector<16xi32>
      %swap3A_1322 = arith.constant 6 : i32
      %swap3A_1323 = arith.index_cast %swap3A_1322 : i32 to index
      %swap3A_1324 = arith.constant 112 : index
      %swap3A_1325 = tpu.vector_load %arg12[%swap3A_1323, %swap3A_1324] {strides = array<i32>} : memref<8x128xi32, #tpu.memory_space<vmem>>, vector<1x16xi32>,
      %swap3A_1326 = vector.shape_cast %swap3A_1325 : vector<1x16xi32> to vector<16xi32>
      %swap3A_1327 = vector.shape_cast %add3A_1321 : vector<16xi32> to vector<1x16xi32>
      tpu.vector_store %arg12[%swap3A_1323, %swap3A_1324], %swap3A_1327 {strides = array<i32>} : memref<8x128xi32, #tpu.memory_space<vmem>>, vector<1x16xi32>,
      %get3A_1328 = arith.constant 7 : i32
      %get3A_1329 = arith.index_cast %get3A_1328 : i32 to index
      %get3A_1330 = arith.constant 0 : index
      %get3A_1331 = tpu.vector_load %arg10[%get3A_1329, %get3A_1330] {strides = array<i32>} : memref<8x128xi32, #tpu.memory_space<vmem>>, vector<1x16xi32>,
      %get3A_1332 = vector.shape_cast %get3A_1331 : vector<1x16xi32> to vector<16xi32>
      %get3A_1333 = arith.constant 7 : i32
      %get3A_1334 = arith.index_cast %get3A_1333 : i32 to index
      %get3A_1335 = arith.constant 0 : index
      %get3A_1336 = tpu.vector_load %arg11[%get3A_1334, %get3A_1335] {strides = array<i32>} : memref<8x128xi32, #tpu.memory_space<vmem>>, vector<1x16xi32>,
      %get3A_1337 = vector.shape_cast %get3A_1336 : vector<1x16xi32> to vector<16xi32>
      %max3A_1338 = arith.constant 0 : i32
      %max3A_1339 = vector.broadcast %max3A_1338 : i32 to vector<16xi32>
      %max3A_1340 = arith.maxsi %get3A_1337, %max3A_1339 : vector<16xi32>
      %mul3A_1341 = arith.constant 8 : i32
      %mul3A_1342 = vector.broadcast %mul3A_1341 : i32 to vector<16xi32>
      %mul3A_1343 = arith.muli %get3A_1332, %mul3A_1342 : vector<16xi32>
      %add3A_1344 = arith.addi %mul3A_1343, %max3A_1340 : vector<16xi32>
      %swap3A_1345 = arith.constant 7 : i32
      %swap3A_1346 = arith.index_cast %swap3A_1345 : i32 to index
      %swap3A_1347 = arith.constant 0 : index
      %swap3A_1348 = tpu.vector_load %arg12[%swap3A_1346, %swap3A_1347] {strides = array<i32>} : memref<8x128xi32, #tpu.memory_space<vmem>>, vector<1x16xi32>,
      %swap3A_1349 = vector.shape_cast %swap3A_1348 : vector<1x16xi32> to vector<16xi32>
      %swap3A_1350 = vector.shape_cast %add3A_1344 : vector<16xi32> to vector<1x16xi32>
      tpu.vector_store %arg12[%swap3A_1346, %swap3A_1347], %swap3A_1350 {strides = array<i32>} : memref<8x128xi32, #tpu.memory_space<vmem>>, vector<1x16xi32>,
      %get3A_1351 = arith.constant 7 : i32
      %get3A_1352 = arith.index_cast %get3A_1351 : i32 to index
      %get3A_1353 = arith.constant 16 : index
      %get3A_1354 = tpu.vector_load %arg10[%get3A_1352, %get3A_1353] {strides = array<i32>} : memref<8x128xi32, #tpu.memory_space<vmem>>, vector<1x16xi32>,
      %get3A_1355 = vector.shape_cast %get3A_1354 : vector<1x16xi32> to vector<16xi32>
      %get3A_1356 = arith.constant 7 : i32
      %get3A_1357 = arith.index_cast %get3A_1356 : i32 to index
      %get3A_1358 = arith.constant 16 : index
      %get3A_1359 = tpu.vector_load %arg11[%get3A_1357, %get3A_1358] {strides = array<i32>} : memref<8x128xi32, #tpu.memory_space<vmem>>, vector<1x16xi32>,
      %get3A_1360 = vector.shape_cast %get3A_1359 : vector<1x16xi32> to vector<16xi32>
      %max3A_1361 = arith.constant 0 : i32
      %max3A_1362 = vector.broadcast %max3A_1361 : i32 to vector<16xi32>
      %max3A_1363 = arith.maxsi %get3A_1360, %max3A_1362 : vector<16xi32>
      %mul3A_1364 = arith.constant 8 : i32
      %mul3A_1365 = vector.broadcast %mul3A_1364 : i32 to vector<16xi32>
      %mul3A_1366 = arith.muli %get3A_1355, %mul3A_1365 : vector<16xi32>
      %add3A_1367 = arith.addi %mul3A_1366, %max3A_1363 : vector<16xi32>
      %swap3A_1368 = arith.constant 7 : i32
      %swap3A_1369 = arith.index_cast %swap3A_1368 : i32 to index
      %swap3A_1370 = arith.constant 16 : index
      %swap3A_1371 = tpu.vector_load %arg12[%swap3A_1369, %swap3A_1370] {strides = array<i32>} : memref<8x128xi32, #tpu.memory_space<vmem>>, vector<1x16xi32>,
      %swap3A_1372 = vector.shape_cast %swap3A_1371 : vector<1x16xi32> to vector<16xi32>
      %swap3A_1373 = vector.shape_cast %add3A_1367 : vector<16xi32> to vector<1x16xi32>
      tpu.vector_store %arg12[%swap3A_1369, %swap3A_1370], %swap3A_1373 {strides = array<i32>} : memref<8x128xi32, #tpu.memory_space<vmem>>, vector<1x16xi32>,
      %get3A_1374 = arith.constant 7 : i32
      %get3A_1375 = arith.index_cast %get3A_1374 : i32 to index
      %get3A_1376 = arith.constant 32 : index
      %get3A_1377 = tpu.vector_load %arg10[%get3A_1375, %get3A_1376] {strides = array<i32>} : memref<8x128xi32, #tpu.memory_space<vmem>>, vector<1x16xi32>,
      %get3A_1378 = vector.shape_cast %get3A_1377 : vector<1x16xi32> to vector<16xi32>
      %get3A_1379 = arith.constant 7 : i32
      %get3A_1380 = arith.index_cast %get3A_1379 : i32 to index
      %get3A_1381 = arith.constant 32 : index
      %get3A_1382 = tpu.vector_load %arg11[%get3A_1380, %get3A_1381] {strides = array<i32>} : memref<8x128xi32, #tpu.memory_space<vmem>>, vector<1x16xi32>,
      %get3A_1383 = vector.shape_cast %get3A_1382 : vector<1x16xi32> to vector<16xi32>
      %max3A_1384 = arith.constant 0 : i32
      %max3A_1385 = vector.broadcast %max3A_1384 : i32 to vector<16xi32>
      %max3A_1386 = arith.maxsi %get3A_1383, %max3A_1385 : vector<16xi32>
      %mul3A_1387 = arith.constant 8 : i32
      %mul3A_1388 = vector.broadcast %mul3A_1387 : i32 to vector<16xi32>
      %mul3A_1389 = arith.muli %get3A_1378, %mul3A_1388 : vector<16xi32>
      %add3A_1390 = arith.addi %mul3A_1389, %max3A_1386 : vector<16xi32>
      %swap3A_1391 = arith.constant 7 : i32
      %swap3A_1392 = arith.index_cast %swap3A_1391 : i32 to index
      %swap3A_1393 = arith.constant 32 : index
      %swap3A_1394 = tpu.vector_load %arg12[%swap3A_1392, %swap3A_1393] {strides = array<i32>} : memref<8x128xi32, #tpu.memory_space<vmem>>, vector<1x16xi32>,
      %swap3A_1395 = vector.shape_cast %swap3A_1394 : vector<1x16xi32> to vector<16xi32>
      %swap3A_1396 = vector.shape_cast %add3A_1390 : vector<16xi32> to vector<1x16xi32>
      tpu.vector_store %arg12[%swap3A_1392, %swap3A_1393], %swap3A_1396 {strides = array<i32>} : memref<8x128xi32, #tpu.memory_space<vmem>>, vector<1x16xi32>,
      %get3A_1397 = arith.constant 7 : i32
      %get3A_1398 = arith.index_cast %get3A_1397 : i32 to index
      %get3A_1399 = arith.constant 48 : index
      %get3A_1400 = tpu.vector_load %arg10[%get3A_1398, %get3A_1399] {strides = array<i32>} : memref<8x128xi32, #tpu.memory_space<vmem>>, vector<1x16xi32>,
      %get3A_1401 = vector.shape_cast %get3A_1400 : vector<1x16xi32> to vector<16xi32>
      %get3A_1402 = arith.constant 7 : i32
      %get3A_1403 = arith.index_cast %get3A_1402 : i32 to index
      %get3A_1404 = arith.constant 48 : index
      %get3A_1405 = tpu.vector_load %arg11[%get3A_1403, %get3A_1404] {strides = array<i32>} : memref<8x128xi32, #tpu.memory_space<vmem>>, vector<1x16xi32>,
      %get3A_1406 = vector.shape_cast %get3A_1405 : vector<1x16xi32> to vector<16xi32>
      %max3A_1407 = arith.constant 0 : i32
      %max3A_1408 = vector.broadcast %max3A_1407 : i32 to vector<16xi32>
      %max3A_1409 = arith.maxsi %get3A_1406, %max3A_1408 : vector<16xi32>
      %mul3A_1410 = arith.constant 8 : i32
      %mul3A_1411 = vector.broadcast %mul3A_1410 : i32 to vector<16xi32>
      %mul3A_1412 = arith.muli %get3A_1401, %mul3A_1411 : vector<16xi32>
      %add3A_1413 = arith.addi %mul3A_1412, %max3A_1409 : vector<16xi32>
      %swap3A_1414 = arith.constant 7 : i32
      %swap3A_1415 = arith.index_cast %swap3A_1414 : i32 to index
      %swap3A_1416 = arith.constant 48 : index
      %swap3A_1417 = tpu.vector_load %arg12[%swap3A_1415, %swap3A_1416] {strides = array<i32>} : memref<8x128xi32, #tpu.memory_space<vmem>>, vector<1x16xi32>,
      %swap3A_1418 = vector.shape_cast %swap3A_1417 : vector<1x16xi32> to vector<16xi32>
      %swap3A_1419 = vector.shape_cast %add3A_1413 : vector<16xi32> to vector<1x16xi32>
      tpu.vector_store %arg12[%swap3A_1415, %swap3A_1416], %swap3A_1419 {strides = array<i32>} : memref<8x128xi32, #tpu.memory_space<vmem>>, vector<1x16xi32>,
      %get3A_1420 = arith.constant 7 : i32
      %get3A_1421 = arith.index_cast %get3A_1420 : i32 to index
      %get3A_1422 = arith.constant 64 : index
      %get3A_1423 = tpu.vector_load %arg10[%get3A_1421, %get3A_1422] {strides = array<i32>} : memref<8x128xi32, #tpu.memory_space<vmem>>, vector<1x16xi32>,
      %get3A_1424 = vector.shape_cast %get3A_1423 : vector<1x16xi32> to vector<16xi32>
      %get3A_1425 = arith.constant 7 : i32
      %get3A_1426 = arith.index_cast %get3A_1425 : i32 to index
      %get3A_1427 = arith.constant 64 : index
      %get3A_1428 = tpu.vector_load %arg11[%get3A_1426, %get3A_1427] {strides = array<i32>} : memref<8x128xi32, #tpu.memory_space<vmem>>, vector<1x16xi32>,
      %get3A_1429 = vector.shape_cast %get3A_1428 : vector<1x16xi32> to vector<16xi32>
      %max3A_1430 = arith.constant 0 : i32
      %max3A_1431 = vector.broadcast %max3A_1430 : i32 to vector<16xi32>
      %max3A_1432 = arith.maxsi %get3A_1429, %max3A_1431 : vector<16xi32>
      %mul3A_1433 = arith.constant 8 : i32
      %mul3A_1434 = vector.broadcast %mul3A_1433 : i32 to vector<16xi32>
      %mul3A_1435 = arith.muli %get3A_1424, %mul3A_1434 : vector<16xi32>
      %add3A_1436 = arith.addi %mul3A_1435, %max3A_1432 : vector<16xi32>
      %swap3A_1437 = arith.constant 7 : i32
      %swap3A_1438 = arith.index_cast %swap3A_1437 : i32 to index
      %swap3A_1439 = arith.constant 64 : index
      %swap3A_1440 = tpu.vector_load %arg12[%swap3A_1438, %swap3A_1439] {strides = array<i32>} : memref<8x128xi32, #tpu.memory_space<vmem>>, vector<1x16xi32>,
      %swap3A_1441 = vector.shape_cast %swap3A_1440 : vector<1x16xi32> to vector<16xi32>
      %swap3A_1442 = vector.shape_cast %add3A_1436 : vector<16xi32> to vector<1x16xi32>
      tpu.vector_store %arg12[%swap3A_1438, %swap3A_1439], %swap3A_1442 {strides = array<i32>} : memref<8x128xi32, #tpu.memory_space<vmem>>, vector<1x16xi32>,
      %get3A_1443 = arith.constant 7 : i32
      %get3A_1444 = arith.index_cast %get3A_1443 : i32 to index
      %get3A_1445 = arith.constant 80 : index
      %get3A_1446 = tpu.vector_load %arg10[%get3A_1444, %get3A_1445] {strides = array<i32>} : memref<8x128xi32, #tpu.memory_space<vmem>>, vector<1x16xi32>,
      %get3A_1447 = vector.shape_cast %get3A_1446 : vector<1x16xi32> to vector<16xi32>
      %get3A_1448 = arith.constant 7 : i32
      %get3A_1449 = arith.index_cast %get3A_1448 : i32 to index
      %get3A_1450 = arith.constant 80 : index
      %get3A_1451 = tpu.vector_load %arg11[%get3A_1449, %get3A_1450] {strides = array<i32>} : memref<8x128xi32, #tpu.memory_space<vmem>>, vector<1x16xi32>,
      %get3A_1452 = vector.shape_cast %get3A_1451 : vector<1x16xi32> to vector<16xi32>
      %max3A_1453 = arith.constant 0 : i32
      %max3A_1454 = vector.broadcast %max3A_1453 : i32 to vector<16xi32>
      %max3A_1455 = arith.maxsi %get3A_1452, %max3A_1454 : vector<16xi32>
      %mul3A_1456 = arith.constant 8 : i32
      %mul3A_1457 = vector.broadcast %mul3A_1456 : i32 to vector<16xi32>
      %mul3A_1458 = arith.muli %get3A_1447, %mul3A_1457 : vector<16xi32>
      %add3A_1459 = arith.addi %mul3A_1458, %max3A_1455 : vector<16xi32>
      %swap3A_1460 = arith.constant 7 : i32
      %swap3A_1461 = arith.index_cast %swap3A_1460 : i32 to index
      %swap3A_1462 = arith.constant 80 : index
      %swap3A_1463 = tpu.vector_load %arg12[%swap3A_1461, %swap3A_1462] {strides = array<i32>} : memref<8x128xi32, #tpu.memory_space<vmem>>, vector<1x16xi32>,
      %swap3A_1464 = vector.shape_cast %swap3A_1463 : vector<1x16xi32> to vector<16xi32>
      %swap3A_1465 = vector.shape_cast %add3A_1459 : vector<16xi32> to vector<1x16xi32>
      tpu.vector_store %arg12[%swap3A_1461, %swap3A_1462], %swap3A_1465 {strides = array<i32>} : memref<8x128xi32, #tpu.memory_space<vmem>>, vector<1x16xi32>,
      %get3A_1466 = arith.constant 7 : i32
      %get3A_1467 = arith.index_cast %get3A_1466 : i32 to index
      %get3A_1468 = arith.constant 96 : index
      %get3A_1469 = tpu.vector_load %arg10[%get3A_1467, %get3A_1468] {strides = array<i32>} : memref<8x128xi32, #tpu.memory_space<vmem>>, vector<1x16xi32>,
      %get3A_1470 = vector.shape_cast %get3A_1469 : vector<1x16xi32> to vector<16xi32>
      %get3A_1471 = arith.constant 7 : i32
      %get3A_1472 = arith.index_cast %get3A_1471 : i32 to index
      %get3A_1473 = arith.constant 96 : index
      %get3A_1474 = tpu.vector_load %arg11[%get3A_1472, %get3A_1473] {strides = array<i32>} : memref<8x128xi32, #tpu.memory_space<vmem>>, vector<1x16xi32>,
      %get3A_1475 = vector.shape_cast %get3A_1474 : vector<1x16xi32> to vector<16xi32>
      %max3A_1476 = arith.constant 0 : i32
      %max3A_1477 = vector.broadcast %max3A_1476 : i32 to vector<16xi32>
      %max3A_1478 = arith.maxsi %get3A_1475, %max3A_1477 : vector<16xi32>
      %mul3A_1479 = arith.constant 8 : i32
      %mul3A_1480 = vector.broadcast %mul3A_1479 : i32 to vector<16xi32>
      %mul3A_1481 = arith.muli %get3A_1470, %mul3A_1480 : vector<16xi32>
      %add3A_1482 = arith.addi %mul3A_1481, %max3A_1478 : vector<16xi32>
      %swap3A_1483 = arith.constant 7 : i32
      %swap3A_1484 = arith.index_cast %swap3A_1483 : i32 to index
      %swap3A_1485 = arith.constant 96 : index
      %swap3A_1486 = tpu.vector_load %arg12[%swap3A_1484, %swap3A_1485] {strides = array<i32>} : memref<8x128xi32, #tpu.memory_space<vmem>>, vector<1x16xi32>,
      %swap3A_1487 = vector.shape_cast %swap3A_1486 : vector<1x16xi32> to vector<16xi32>
      %swap3A_1488 = vector.shape_cast %add3A_1482 : vector<16xi32> to vector<1x16xi32>
      tpu.vector_store %arg12[%swap3A_1484, %swap3A_1485], %swap3A_1488 {strides = array<i32>} : memref<8x128xi32, #tpu.memory_space<vmem>>, vector<1x16xi32>,
      %get3A_1489 = arith.constant 7 : i32
      %get3A_1490 = arith.index_cast %get3A_1489 : i32 to index
      %get3A_1491 = arith.constant 112 : index
      %get3A_1492 = tpu.vector_load %arg10[%get3A_1490, %get3A_1491] {strides = array<i32>} : memref<8x128xi32, #tpu.memory_space<vmem>>, vector<1x16xi32>,
      %get3A_1493 = vector.shape_cast %get3A_1492 : vector<1x16xi32> to vector<16xi32>
      %get3A_1494 = arith.constant 7 : i32
      %get3A_1495 = arith.index_cast %get3A_1494 : i32 to index
      %get3A_1496 = arith.constant 112 : index
      %get3A_1497 = tpu.vector_load %arg11[%get3A_1495, %get3A_1496] {strides = array<i32>} : memref<8x128xi32, #tpu.memory_space<vmem>>, vector<1x16xi32>,
      %get3A_1498 = vector.shape_cast %get3A_1497 : vector<1x16xi32> to vector<16xi32>
      %max3A_1499 = arith.constant 0 : i32
      %max3A_1500 = vector.broadcast %max3A_1499 : i32 to vector<16xi32>
      %max3A_1501 = arith.maxsi %get3A_1498, %max3A_1500 : vector<16xi32>
      %mul3A_1502 = arith.constant 8 : i32
      %mul3A_1503 = vector.broadcast %mul3A_1502 : i32 to vector<16xi32>
      %mul3A_1504 = arith.muli %get3A_1493, %mul3A_1503 : vector<16xi32>
      %add3A_1505 = arith.addi %mul3A_1504, %max3A_1501 : vector<16xi32>
      %swap3A_1506 = arith.constant 7 : i32
      %swap3A_1507 = arith.index_cast %swap3A_1506 : i32 to index
      %swap3A_1508 = arith.constant 112 : index
      %swap3A_1509 = tpu.vector_load %arg12[%swap3A_1507, %swap3A_1508] {strides = array<i32>} : memref<8x128xi32, #tpu.memory_space<vmem>>, vector<1x16xi32>,
      %swap3A_1510 = vector.shape_cast %swap3A_1509 : vector<1x16xi32> to vector<16xi32>
      %swap3A_1511 = vector.shape_cast %add3A_1505 : vector<16xi32> to vector<1x16xi32>
      tpu.vector_store %arg12[%swap3A_1507, %swap3A_1508], %swap3A_1511 {strides = array<i32>} : memref<8x128xi32, #tpu.memory_space<vmem>>, vector<1x16xi32>,
      %dma_start3A = arith.constant 0 : i32
      %dma_start3A_1512 = arith.constant 0 : i32
      %dma_start3A_1513 = arith.constant 0 : i32
      %dma_start3A_1514 = tpu.memref_slice %arg13[%dma_start3A_1512, %dma_start3A_1513] : memref<1024x16xi32, #tpu.memory_space<vmem>> -> memref<128x16xi32, #tpu.memory_space<vmem>>
      %dma_start3A_1515 = arith.constant 0 : i32
      %dma_start3A_1516 = tpu.memref_slice %arg9[%dma_start3A, %dma_start3A_1515] : memref<8x128xi32, #tpu.memory_space<vmem>> -> memref<1x128xi32, #tpu.memory_space<vmem>>
      %dma_start3A_1517 = tpu.memref_squeeze %dma_start3A_1516 : memref<1x128xi32, #tpu.memory_space<vmem>> -> memref<128xi32, #tpu.memory_space<vmem>>
      %dma_start3A_1518 = arith.constant 0 : i32
      %dma_start3A_1519 = arith.constant 0 : i32
      %dma_start3A_1520 = tpu.memref_slice %arg5[%dma_start3A_1518, %dma_start3A_1519] : memref<102400x16xi32, #tpu.memory_space<hbm>> -> memref<102400x16xi32, #tpu.memory_space<hbm>>
      tpu.enqueue_indirect_dma source(%dma_start3A_1520 : memref<102400x16xi32, #tpu.memory_space<hbm>>) target(%dma_start3A_1514 : memref<128x16xi32, #tpu.memory_space<vmem>>) offsets(%dma_start3A_1517 : memref<128xi32, #tpu.memory_space<vmem>>) semaphore(%arg15 : memref<!tpu.dma_semaphore, #tpu.memory_space<semaphore_mem>>)
      %dma_start3A_1521 = arith.constant 0 : i32
      %dma_start3A_1522 = arith.constant 0 : i32
      %dma_start3A_1523 = arith.constant 0 : i32
      %dma_start3A_1524 = tpu.memref_slice %arg14[%dma_start3A_1522, %dma_start3A_1523] : memref<1024x16xi32, #tpu.memory_space<vmem>> -> memref<128x16xi32, #tpu.memory_space<vmem>>
      %dma_start3A_1525 = arith.constant 0 : i32
      %dma_start3A_1526 = tpu.memref_slice %arg12[%dma_start3A_1521, %dma_start3A_1525] : memref<8x128xi32, #tpu.memory_space<vmem>> -> memref<1x128xi32, #tpu.memory_space<vmem>>
      %dma_start3A_1527 = tpu.memref_squeeze %dma_start3A_1526 : memref<1x128xi32, #tpu.memory_space<vmem>> -> memref<128xi32, #tpu.memory_space<vmem>>
      %dma_start3A_1528 = arith.constant 0 : i32
      %dma_start3A_1529 = arith.constant 0 : i32
      %dma_start3A_1530 = tpu.memref_slice %arg6[%dma_start3A_1528, %dma_start3A_1529] : memref<8192x16xi32, #tpu.memory_space<hbm>> -> memref<8192x16xi32, #tpu.memory_space<hbm>>
      tpu.enqueue_indirect_dma source(%dma_start3A_1530 : memref<8192x16xi32, #tpu.memory_space<hbm>>) target(%dma_start3A_1524 : memref<128x16xi32, #tpu.memory_space<vmem>>) offsets(%dma_start3A_1527 : memref<128xi32, #tpu.memory_space<vmem>>) semaphore(%arg15 : memref<!tpu.dma_semaphore, #tpu.memory_space<semaphore_mem>>)
      %dma_start3A_1531 = arith.constant 1 : i32
      %dma_start3A_1532 = arith.constant 128 : i32
      %dma_start3A_1533 = arith.constant 0 : i32
      %dma_start3A_1534 = tpu.memref_slice %arg13[%dma_start3A_1532, %dma_start3A_1533] : memref<1024x16xi32, #tpu.memory_space<vmem>> -> memref<128x16xi32, #tpu.memory_space<vmem>>
      %dma_start3A_1535 = arith.constant 0 : i32
      %dma_start3A_1536 = tpu.memref_slice %arg9[%dma_start3A_1531, %dma_start3A_1535] : memref<8x128xi32, #tpu.memory_space<vmem>> -> memref<1x128xi32, #tpu.memory_space<vmem>>
      %dma_start3A_1537 = tpu.memref_squeeze %dma_start3A_1536 : memref<1x128xi32, #tpu.memory_space<vmem>> -> memref<128xi32, #tpu.memory_space<vmem>>
      %dma_start3A_1538 = arith.constant 0 : i32
      %dma_start3A_1539 = arith.constant 0 : i32
      %dma_start3A_1540 = tpu.memref_slice %arg5[%dma_start3A_1538, %dma_start3A_1539] : memref<102400x16xi32, #tpu.memory_space<hbm>> -> memref<102400x16xi32, #tpu.memory_space<hbm>>
      tpu.enqueue_indirect_dma source(%dma_start3A_1540 : memref<102400x16xi32, #tpu.memory_space<hbm>>) target(%dma_start3A_1534 : memref<128x16xi32, #tpu.memory_space<vmem>>) offsets(%dma_start3A_1537 : memref<128xi32, #tpu.memory_space<vmem>>) semaphore(%arg15 : memref<!tpu.dma_semaphore, #tpu.memory_space<semaphore_mem>>)
      %dma_start3A_1541 = arith.constant 1 : i32
      %dma_start3A_1542 = arith.constant 128 : i32
      %dma_start3A_1543 = arith.constant 0 : i32
      %dma_start3A_1544 = tpu.memref_slice %arg14[%dma_start3A_1542, %dma_start3A_1543] : memref<1024x16xi32, #tpu.memory_space<vmem>> -> memref<128x16xi32, #tpu.memory_space<vmem>>
      %dma_start3A_1545 = arith.constant 0 : i32
      %dma_start3A_1546 = tpu.memref_slice %arg12[%dma_start3A_1541, %dma_start3A_1545] : memref<8x128xi32, #tpu.memory_space<vmem>> -> memref<1x128xi32, #tpu.memory_space<vmem>>
      %dma_start3A_1547 = tpu.memref_squeeze %dma_start3A_1546 : memref<1x128xi32, #tpu.memory_space<vmem>> -> memref<128xi32, #tpu.memory_space<vmem>>
      %dma_start3A_1548 = arith.constant 0 : i32
      %dma_start3A_1549 = arith.constant 0 : i32
      %dma_start3A_1550 = tpu.memref_slice %arg6[%dma_start3A_1548, %dma_start3A_1549] : memref<8192x16xi32, #tpu.memory_space<hbm>> -> memref<8192x16xi32, #tpu.memory_space<hbm>>
      tpu.enqueue_indirect_dma source(%dma_start3A_1550 : memref<8192x16xi32, #tpu.memory_space<hbm>>) target(%dma_start3A_1544 : memref<128x16xi32, #tpu.memory_space<vmem>>) offsets(%dma_start3A_1547 : memref<128xi32, #tpu.memory_space<vmem>>) semaphore(%arg15 : memref<!tpu.dma_semaphore, #tpu.memory_space<semaphore_mem>>)
      %dma_start3A_1551 = arith.constant 2 : i32
      %dma_start3A_1552 = arith.constant 256 : i32
      %dma_start3A_1553 = arith.constant 0 : i32
      %dma_start3A_1554 = tpu.memref_slice %arg13[%dma_start3A_1552, %dma_start3A_1553] : memref<1024x16xi32, #tpu.memory_space<vmem>> -> memref<128x16xi32, #tpu.memory_space<vmem>>
      %dma_start3A_1555 = arith.constant 0 : i32
      %dma_start3A_1556 = tpu.memref_slice %arg9[%dma_start3A_1551, %dma_start3A_1555] : memref<8x128xi32, #tpu.memory_space<vmem>> -> memref<1x128xi32, #tpu.memory_space<vmem>>
      %dma_start3A_1557 = tpu.memref_squeeze %dma_start3A_1556 : memref<1x128xi32, #tpu.memory_space<vmem>> -> memref<128xi32, #tpu.memory_space<vmem>>
      %dma_start3A_1558 = arith.constant 0 : i32
      %dma_start3A_1559 = arith.constant 0 : i32
      %dma_start3A_1560 = tpu.memref_slice %arg5[%dma_start3A_1558, %dma_start3A_1559] : memref<102400x16xi32, #tpu.memory_space<hbm>> -> memref<102400x16xi32, #tpu.memory_space<hbm>>
      tpu.enqueue_indirect_dma source(%dma_start3A_1560 : memref<102400x16xi32, #tpu.memory_space<hbm>>) target(%dma_start3A_1554 : memref<128x16xi32, #tpu.memory_space<vmem>>) offsets(%dma_start3A_1557 : memref<128xi32, #tpu.memory_space<vmem>>) semaphore(%arg15 : memref<!tpu.dma_semaphore, #tpu.memory_space<semaphore_mem>>)
      %dma_start3A_1561 = arith.constant 2 : i32
      %dma_start3A_1562 = arith.constant 256 : i32
      %dma_start3A_1563 = arith.constant 0 : i32
      %dma_start3A_1564 = tpu.memref_slice %arg14[%dma_start3A_1562, %dma_start3A_1563] : memref<1024x16xi32, #tpu.memory_space<vmem>> -> memref<128x16xi32, #tpu.memory_space<vmem>>
      %dma_start3A_1565 = arith.constant 0 : i32
      %dma_start3A_1566 = tpu.memref_slice %arg12[%dma_start3A_1561, %dma_start3A_1565] : memref<8x128xi32, #tpu.memory_space<vmem>> -> memref<1x128xi32, #tpu.memory_space<vmem>>
      %dma_start3A_1567 = tpu.memref_squeeze %dma_start3A_1566 : memref<1x128xi32, #tpu.memory_space<vmem>> -> memref<128xi32, #tpu.memory_space<vmem>>
      %dma_start3A_1568 = arith.constant 0 : i32
      %dma_start3A_1569 = arith.constant 0 : i32
      %dma_start3A_1570 = tpu.memref_slice %arg6[%dma_start3A_1568, %dma_start3A_1569] : memref<8192x16xi32, #tpu.memory_space<hbm>> -> memref<8192x16xi32, #tpu.memory_space<hbm>>
      tpu.enqueue_indirect_dma source(%dma_start3A_1570 : memref<8192x16xi32, #tpu.memory_space<hbm>>) target(%dma_start3A_1564 : memref<128x16xi32, #tpu.memory_space<vmem>>) offsets(%dma_start3A_1567 : memref<128xi32, #tpu.memory_space<vmem>>) semaphore(%arg15 : memref<!tpu.dma_semaphore, #tpu.memory_space<semaphore_mem>>)
      %dma_start3A_1571 = arith.constant 3 : i32
      %dma_start3A_1572 = arith.constant 384 : i32
      %dma_start3A_1573 = arith.constant 0 : i32
      %dma_start3A_1574 = tpu.memref_slice %arg13[%dma_start3A_1572, %dma_start3A_1573] : memref<1024x16xi32, #tpu.memory_space<vmem>> -> memref<128x16xi32, #tpu.memory_space<vmem>>
      %dma_start3A_1575 = arith.constant 0 : i32
      %dma_start3A_1576 = tpu.memref_slice %arg9[%dma_start3A_1571, %dma_start3A_1575] : memref<8x128xi32, #tpu.memory_space<vmem>> -> memref<1x128xi32, #tpu.memory_space<vmem>>
      %dma_start3A_1577 = tpu.memref_squeeze %dma_start3A_1576 : memref<1x128xi32, #tpu.memory_space<vmem>> -> memref<128xi32, #tpu.memory_space<vmem>>
      %dma_start3A_1578 = arith.constant 0 : i32
      %dma_start3A_1579 = arith.constant 0 : i32
      %dma_start3A_1580 = tpu.memref_slice %arg5[%dma_start3A_1578, %dma_start3A_1579] : memref<102400x16xi32, #tpu.memory_space<hbm>> -> memref<102400x16xi32, #tpu.memory_space<hbm>>
      tpu.enqueue_indirect_dma source(%dma_start3A_1580 : memref<102400x16xi32, #tpu.memory_space<hbm>>) target(%dma_start3A_1574 : memref<128x16xi32, #tpu.memory_space<vmem>>) offsets(%dma_start3A_1577 : memref<128xi32, #tpu.memory_space<vmem>>) semaphore(%arg15 : memref<!tpu.dma_semaphore, #tpu.memory_space<semaphore_mem>>)
      %dma_start3A_1581 = arith.constant 3 : i32
      %dma_start3A_1582 = arith.constant 384 : i32
      %dma_start3A_1583 = arith.constant 0 : i32
      %dma_start3A_1584 = tpu.memref_slice %arg14[%dma_start3A_1582, %dma_start3A_1583] : memref<1024x16xi32, #tpu.memory_space<vmem>> -> memref<128x16xi32, #tpu.memory_space<vmem>>
      %dma_start3A_1585 = arith.constant 0 : i32
      %dma_start3A_1586 = tpu.memref_slice %arg12[%dma_start3A_1581, %dma_start3A_1585] : memref<8x128xi32, #tpu.memory_space<vmem>> -> memref<1x128xi32, #tpu.memory_space<vmem>>
      %dma_start3A_1587 = tpu.memref_squeeze %dma_start3A_1586 : memref<1x128xi32, #tpu.memory_space<vmem>> -> memref<128xi32, #tpu.memory_space<vmem>>
      %dma_start3A_1588 = arith.constant 0 : i32
      %dma_start3A_1589 = arith.constant 0 : i32
      %dma_start3A_1590 = tpu.memref_slice %arg6[%dma_start3A_1588, %dma_start3A_1589] : memref<8192x16xi32, #tpu.memory_space<hbm>> -> memref<8192x16xi32, #tpu.memory_space<hbm>>
      tpu.enqueue_indirect_dma source(%dma_start3A_1590 : memref<8192x16xi32, #tpu.memory_space<hbm>>) target(%dma_start3A_1584 : memref<128x16xi32, #tpu.memory_space<vmem>>) offsets(%dma_start3A_1587 : memref<128xi32, #tpu.memory_space<vmem>>) semaphore(%arg15 : memref<!tpu.dma_semaphore, #tpu.memory_space<semaphore_mem>>)
      %dma_start3A_1591 = arith.constant 4 : i32
      %dma_start3A_1592 = arith.constant 512 : i32
      %dma_start3A_1593 = arith.constant 0 : i32
      %dma_start3A_1594 = tpu.memref_slice %arg13[%dma_start3A_1592, %dma_start3A_1593] : memref<1024x16xi32, #tpu.memory_space<vmem>> -> memref<128x16xi32, #tpu.memory_space<vmem>>
      %dma_start3A_1595 = arith.constant 0 : i32
      %dma_start3A_1596 = tpu.memref_slice %arg9[%dma_start3A_1591, %dma_start3A_1595] : memref<8x128xi32, #tpu.memory_space<vmem>> -> memref<1x128xi32, #tpu.memory_space<vmem>>
      %dma_start3A_1597 = tpu.memref_squeeze %dma_start3A_1596 : memref<1x128xi32, #tpu.memory_space<vmem>> -> memref<128xi32, #tpu.memory_space<vmem>>
      %dma_start3A_1598 = arith.constant 0 : i32
      %dma_start3A_1599 = arith.constant 0 : i32
      %dma_start3A_1600 = tpu.memref_slice %arg5[%dma_start3A_1598, %dma_start3A_1599] : memref<102400x16xi32, #tpu.memory_space<hbm>> -> memref<102400x16xi32, #tpu.memory_space<hbm>>
      tpu.enqueue_indirect_dma source(%dma_start3A_1600 : memref<102400x16xi32, #tpu.memory_space<hbm>>) target(%dma_start3A_1594 : memref<128x16xi32, #tpu.memory_space<vmem>>) offsets(%dma_start3A_1597 : memref<128xi32, #tpu.memory_space<vmem>>) semaphore(%arg15 : memref<!tpu.dma_semaphore, #tpu.memory_space<semaphore_mem>>)
      %dma_start3A_1601 = arith.constant 4 : i32
      %dma_start3A_1602 = arith.constant 512 : i32
      %dma_start3A_1603 = arith.constant 0 : i32
      %dma_start3A_1604 = tpu.memref_slice %arg14[%dma_start3A_1602, %dma_start3A_1603] : memref<1024x16xi32, #tpu.memory_space<vmem>> -> memref<128x16xi32, #tpu.memory_space<vmem>>
      %dma_start3A_1605 = arith.constant 0 : i32
      %dma_start3A_1606 = tpu.memref_slice %arg12[%dma_start3A_1601, %dma_start3A_1605] : memref<8x128xi32, #tpu.memory_space<vmem>> -> memref<1x128xi32, #tpu.memory_space<vmem>>
      %dma_start3A_1607 = tpu.memref_squeeze %dma_start3A_1606 : memref<1x128xi32, #tpu.memory_space<vmem>> -> memref<128xi32, #tpu.memory_space<vmem>>
      %dma_start3A_1608 = arith.constant 0 : i32
      %dma_start3A_1609 = arith.constant 0 : i32
      %dma_start3A_1610 = tpu.memref_slice %arg6[%dma_start3A_1608, %dma_start3A_1609] : memref<8192x16xi32, #tpu.memory_space<hbm>> -> memref<8192x16xi32, #tpu.memory_space<hbm>>
      tpu.enqueue_indirect_dma source(%dma_start3A_1610 : memref<8192x16xi32, #tpu.memory_space<hbm>>) target(%dma_start3A_1604 : memref<128x16xi32, #tpu.memory_space<vmem>>) offsets(%dma_start3A_1607 : memref<128xi32, #tpu.memory_space<vmem>>) semaphore(%arg15 : memref<!tpu.dma_semaphore, #tpu.memory_space<semaphore_mem>>)
      %dma_start3A_1611 = arith.constant 5 : i32
      %dma_start3A_1612 = arith.constant 640 : i32
      %dma_start3A_1613 = arith.constant 0 : i32
      %dma_start3A_1614 = tpu.memref_slice %arg13[%dma_start3A_1612, %dma_start3A_1613] : memref<1024x16xi32, #tpu.memory_space<vmem>> -> memref<128x16xi32, #tpu.memory_space<vmem>>
      %dma_start3A_1615 = arith.constant 0 : i32
      %dma_start3A_1616 = tpu.memref_slice %arg9[%dma_start3A_1611, %dma_start3A_1615] : memref<8x128xi32, #tpu.memory_space<vmem>> -> memref<1x128xi32, #tpu.memory_space<vmem>>
      %dma_start3A_1617 = tpu.memref_squeeze %dma_start3A_1616 : memref<1x128xi32, #tpu.memory_space<vmem>> -> memref<128xi32, #tpu.memory_space<vmem>>
      %dma_start3A_1618 = arith.constant 0 : i32
      %dma_start3A_1619 = arith.constant 0 : i32
      %dma_start3A_1620 = tpu.memref_slice %arg5[%dma_start3A_1618, %dma_start3A_1619] : memref<102400x16xi32, #tpu.memory_space<hbm>> -> memref<102400x16xi32, #tpu.memory_space<hbm>>
      tpu.enqueue_indirect_dma source(%dma_start3A_1620 : memref<102400x16xi32, #tpu.memory_space<hbm>>) target(%dma_start3A_1614 : memref<128x16xi32, #tpu.memory_space<vmem>>) offsets(%dma_start3A_1617 : memref<128xi32, #tpu.memory_space<vmem>>) semaphore(%arg15 : memref<!tpu.dma_semaphore, #tpu.memory_space<semaphore_mem>>)
      %dma_start3A_1621 = arith.constant 5 : i32
      %dma_start3A_1622 = arith.constant 640 : i32
      %dma_start3A_1623 = arith.constant 0 : i32
      %dma_start3A_1624 = tpu.memref_slice %arg14[%dma_start3A_1622, %dma_start3A_1623] : memref<1024x16xi32, #tpu.memory_space<vmem>> -> memref<128x16xi32, #tpu.memory_space<vmem>>
      %dma_start3A_1625 = arith.constant 0 : i32
      %dma_start3A_1626 = tpu.memref_slice %arg12[%dma_start3A_1621, %dma_start3A_1625] : memref<8x128xi32, #tpu.memory_space<vmem>> -> memref<1x128xi32, #tpu.memory_space<vmem>>
      %dma_start3A_1627 = tpu.memref_squeeze %dma_start3A_1626 : memref<1x128xi32, #tpu.memory_space<vmem>> -> memref<128xi32, #tpu.memory_space<vmem>>
      %dma_start3A_1628 = arith.constant 0 : i32
      %dma_start3A_1629 = arith.constant 0 : i32
      %dma_start3A_1630 = tpu.memref_slice %arg6[%dma_start3A_1628, %dma_start3A_1629] : memref<8192x16xi32, #tpu.memory_space<hbm>> -> memref<8192x16xi32, #tpu.memory_space<hbm>>
      tpu.enqueue_indirect_dma source(%dma_start3A_1630 : memref<8192x16xi32, #tpu.memory_space<hbm>>) target(%dma_start3A_1624 : memref<128x16xi32, #tpu.memory_space<vmem>>) offsets(%dma_start3A_1627 : memref<128xi32, #tpu.memory_space<vmem>>) semaphore(%arg15 : memref<!tpu.dma_semaphore, #tpu.memory_space<semaphore_mem>>)
      %dma_start3A_1631 = arith.constant 6 : i32
      %dma_start3A_1632 = arith.constant 768 : i32
      %dma_start3A_1633 = arith.constant 0 : i32
      %dma_start3A_1634 = tpu.memref_slice %arg13[%dma_start3A_1632, %dma_start3A_1633] : memref<1024x16xi32, #tpu.memory_space<vmem>> -> memref<128x16xi32, #tpu.memory_space<vmem>>
      %dma_start3A_1635 = arith.constant 0 : i32
      %dma_start3A_1636 = tpu.memref_slice %arg9[%dma_start3A_1631, %dma_start3A_1635] : memref<8x128xi32, #tpu.memory_space<vmem>> -> memref<1x128xi32, #tpu.memory_space<vmem>>
      %dma_start3A_1637 = tpu.memref_squeeze %dma_start3A_1636 : memref<1x128xi32, #tpu.memory_space<vmem>> -> memref<128xi32, #tpu.memory_space<vmem>>
      %dma_start3A_1638 = arith.constant 0 : i32
      %dma_start3A_1639 = arith.constant 0 : i32
      %dma_start3A_1640 = tpu.memref_slice %arg5[%dma_start3A_1638, %dma_start3A_1639] : memref<102400x16xi32, #tpu.memory_space<hbm>> -> memref<102400x16xi32, #tpu.memory_space<hbm>>
      tpu.enqueue_indirect_dma source(%dma_start3A_1640 : memref<102400x16xi32, #tpu.memory_space<hbm>>) target(%dma_start3A_1634 : memref<128x16xi32, #tpu.memory_space<vmem>>) offsets(%dma_start3A_1637 : memref<128xi32, #tpu.memory_space<vmem>>) semaphore(%arg15 : memref<!tpu.dma_semaphore, #tpu.memory_space<semaphore_mem>>)
      %dma_start3A_1641 = arith.constant 6 : i32
      %dma_start3A_1642 = arith.constant 768 : i32
      %dma_start3A_1643 = arith.constant 0 : i32
      %dma_start3A_1644 = tpu.memref_slice %arg14[%dma_start3A_1642, %dma_start3A_1643] : memref<1024x16xi32, #tpu.memory_space<vmem>> -> memref<128x16xi32, #tpu.memory_space<vmem>>
      %dma_start3A_1645 = arith.constant 0 : i32
      %dma_start3A_1646 = tpu.memref_slice %arg12[%dma_start3A_1641, %dma_start3A_1645] : memref<8x128xi32, #tpu.memory_space<vmem>> -> memref<1x128xi32, #tpu.memory_space<vmem>>
      %dma_start3A_1647 = tpu.memref_squeeze %dma_start3A_1646 : memref<1x128xi32, #tpu.memory_space<vmem>> -> memref<128xi32, #tpu.memory_space<vmem>>
      %dma_start3A_1648 = arith.constant 0 : i32
      %dma_start3A_1649 = arith.constant 0 : i32
      %dma_start3A_1650 = tpu.memref_slice %arg6[%dma_start3A_1648, %dma_start3A_1649] : memref<8192x16xi32, #tpu.memory_space<hbm>> -> memref<8192x16xi32, #tpu.memory_space<hbm>>
      tpu.enqueue_indirect_dma source(%dma_start3A_1650 : memref<8192x16xi32, #tpu.memory_space<hbm>>) target(%dma_start3A_1644 : memref<128x16xi32, #tpu.memory_space<vmem>>) offsets(%dma_start3A_1647 : memref<128xi32, #tpu.memory_space<vmem>>) semaphore(%arg15 : memref<!tpu.dma_semaphore, #tpu.memory_space<semaphore_mem>>)
      %dma_start3A_1651 = arith.constant 7 : i32
      %dma_start3A_1652 = arith.constant 896 : i32
      %dma_start3A_1653 = arith.constant 0 : i32
      %dma_start3A_1654 = tpu.memref_slice %arg13[%dma_start3A_1652, %dma_start3A_1653] : memref<1024x16xi32, #tpu.memory_space<vmem>> -> memref<128x16xi32, #tpu.memory_space<vmem>>
      %dma_start3A_1655 = arith.constant 0 : i32
      %dma_start3A_1656 = tpu.memref_slice %arg9[%dma_start3A_1651, %dma_start3A_1655] : memref<8x128xi32, #tpu.memory_space<vmem>> -> memref<1x128xi32, #tpu.memory_space<vmem>>
      %dma_start3A_1657 = tpu.memref_squeeze %dma_start3A_1656 : memref<1x128xi32, #tpu.memory_space<vmem>> -> memref<128xi32, #tpu.memory_space<vmem>>
      %dma_start3A_1658 = arith.constant 0 : i32
      %dma_start3A_1659 = arith.constant 0 : i32
      %dma_start3A_1660 = tpu.memref_slice %arg5[%dma_start3A_1658, %dma_start3A_1659] : memref<102400x16xi32, #tpu.memory_space<hbm>> -> memref<102400x16xi32, #tpu.memory_space<hbm>>
      tpu.enqueue_indirect_dma source(%dma_start3A_1660 : memref<102400x16xi32, #tpu.memory_space<hbm>>) target(%dma_start3A_1654 : memref<128x16xi32, #tpu.memory_space<vmem>>) offsets(%dma_start3A_1657 : memref<128xi32, #tpu.memory_space<vmem>>) semaphore(%arg15 : memref<!tpu.dma_semaphore, #tpu.memory_space<semaphore_mem>>)
      %dma_start3A_1661 = arith.constant 7 : i32
      %dma_start3A_1662 = arith.constant 896 : i32
      %dma_start3A_1663 = arith.constant 0 : i32
      %dma_start3A_1664 = tpu.memref_slice %arg14[%dma_start3A_1662, %dma_start3A_1663] : memref<1024x16xi32, #tpu.memory_space<vmem>> -> memref<128x16xi32, #tpu.memory_space<vmem>>
      %dma_start3A_1665 = arith.constant 0 : i32
      %dma_start3A_1666 = tpu.memref_slice %arg12[%dma_start3A_1661, %dma_start3A_1665] : memref<8x128xi32, #tpu.memory_space<vmem>> -> memref<1x128xi32, #tpu.memory_space<vmem>>
      %dma_start3A_1667 = tpu.memref_squeeze %dma_start3A_1666 : memref<1x128xi32, #tpu.memory_space<vmem>> -> memref<128xi32, #tpu.memory_space<vmem>>
      %dma_start3A_1668 = arith.constant 0 : i32
      %dma_start3A_1669 = arith.constant 0 : i32
      %dma_start3A_1670 = tpu.memref_slice %arg6[%dma_start3A_1668, %dma_start3A_1669] : memref<8192x16xi32, #tpu.memory_space<hbm>> -> memref<8192x16xi32, #tpu.memory_space<hbm>>
      tpu.enqueue_indirect_dma source(%dma_start3A_1670 : memref<8192x16xi32, #tpu.memory_space<hbm>>) target(%dma_start3A_1664 : memref<128x16xi32, #tpu.memory_space<vmem>>) offsets(%dma_start3A_1667 : memref<128xi32, #tpu.memory_space<vmem>>) semaphore(%arg15 : memref<!tpu.dma_semaphore, #tpu.memory_space<semaphore_mem>>)
      %dma_wait3A = arith.constant 0 : i32
      %dma_wait3A_1671 = arith.constant 0 : i32
      %dma_wait3A_1672 = arith.constant 0 : i32
      %dma_wait3A_1673 = tpu.memref_slice %arg13[%dma_wait3A_1671, %dma_wait3A_1672] : memref<1024x16xi32, #tpu.memory_space<vmem>> -> memref<128x16xi32, #tpu.memory_space<vmem>>
      %dma_wait3A_1674 = arith.constant 0 : i32
      %dma_wait3A_1675 = tpu.memref_slice %arg9[%dma_wait3A, %dma_wait3A_1674] : memref<8x128xi32, #tpu.memory_space<vmem>> -> memref<1x128xi32, #tpu.memory_space<vmem>>
      %dma_wait3A_1676 = tpu.memref_squeeze %dma_wait3A_1675 : memref<1x128xi32, #tpu.memory_space<vmem>> -> memref<128xi32, #tpu.memory_space<vmem>>
      %dma_wait3A_1677 = arith.constant 0 : i32
      %dma_wait3A_1678 = arith.constant 0 : i32
      %dma_wait3A_1679 = tpu.memref_slice %arg5[%dma_wait3A_1677, %dma_wait3A_1678] : memref<102400x16xi32, #tpu.memory_space<hbm>> -> memref<102400x16xi32, #tpu.memory_space<hbm>>
      tpu.wait_indirect_dma semaphore(%arg15 : memref<!tpu.dma_semaphore, #tpu.memory_space<semaphore_mem>>) src(%dma_wait3A_1679 : memref<102400x16xi32, #tpu.memory_space<hbm>>) dst(%dma_wait3A_1673 : memref<128x16xi32, #tpu.memory_space<vmem>>)
      %dma_wait3A_1680 = arith.constant 0 : i32
      %dma_wait3A_1681 = arith.constant 0 : i32
      %dma_wait3A_1682 = arith.constant 0 : i32
      %dma_wait3A_1683 = tpu.memref_slice %arg14[%dma_wait3A_1681, %dma_wait3A_1682] : memref<1024x16xi32, #tpu.memory_space<vmem>> -> memref<128x16xi32, #tpu.memory_space<vmem>>
      %dma_wait3A_1684 = arith.constant 0 : i32
      %dma_wait3A_1685 = tpu.memref_slice %arg12[%dma_wait3A_1680, %dma_wait3A_1684] : memref<8x128xi32, #tpu.memory_space<vmem>> -> memref<1x128xi32, #tpu.memory_space<vmem>>
      %dma_wait3A_1686 = tpu.memref_squeeze %dma_wait3A_1685 : memref<1x128xi32, #tpu.memory_space<vmem>> -> memref<128xi32, #tpu.memory_space<vmem>>
      %dma_wait3A_1687 = arith.constant 0 : i32
      %dma_wait3A_1688 = arith.constant 0 : i32
      %dma_wait3A_1689 = tpu.memref_slice %arg6[%dma_wait3A_1687, %dma_wait3A_1688] : memref<8192x16xi32, #tpu.memory_space<hbm>> -> memref<8192x16xi32, #tpu.memory_space<hbm>>
      tpu.wait_indirect_dma semaphore(%arg15 : memref<!tpu.dma_semaphore, #tpu.memory_space<semaphore_mem>>) src(%dma_wait3A_1689 : memref<8192x16xi32, #tpu.memory_space<hbm>>) dst(%dma_wait3A_1683 : memref<128x16xi32, #tpu.memory_space<vmem>>)
      %dma_wait3A_1690 = arith.constant 1 : i32
      %dma_wait3A_1691 = arith.constant 128 : i32
      %dma_wait3A_1692 = arith.constant 0 : i32
      %dma_wait3A_1693 = tpu.memref_slice %arg13[%dma_wait3A_1691, %dma_wait3A_1692] : memref<1024x16xi32, #tpu.memory_space<vmem>> -> memref<128x16xi32, #tpu.memory_space<vmem>>
      %dma_wait3A_1694 = arith.constant 0 : i32
      %dma_wait3A_1695 = tpu.memref_slice %arg9[%dma_wait3A_1690, %dma_wait3A_1694] : memref<8x128xi32, #tpu.memory_space<vmem>> -> memref<1x128xi32, #tpu.memory_space<vmem>>
      %dma_wait3A_1696 = tpu.memref_squeeze %dma_wait3A_1695 : memref<1x128xi32, #tpu.memory_space<vmem>> -> memref<128xi32, #tpu.memory_space<vmem>>
      %dma_wait3A_1697 = arith.constant 0 : i32
      %dma_wait3A_1698 = arith.constant 0 : i32
      %dma_wait3A_1699 = tpu.memref_slice %arg5[%dma_wait3A_1697, %dma_wait3A_1698] : memref<102400x16xi32, #tpu.memory_space<hbm>> -> memref<102400x16xi32, #tpu.memory_space<hbm>>
      tpu.wait_indirect_dma semaphore(%arg15 : memref<!tpu.dma_semaphore, #tpu.memory_space<semaphore_mem>>) src(%dma_wait3A_1699 : memref<102400x16xi32, #tpu.memory_space<hbm>>) dst(%dma_wait3A_1693 : memref<128x16xi32, #tpu.memory_space<vmem>>)
      %dma_wait3A_1700 = arith.constant 1 : i32
      %dma_wait3A_1701 = arith.constant 128 : i32
      %dma_wait3A_1702 = arith.constant 0 : i32
      %dma_wait3A_1703 = tpu.memref_slice %arg14[%dma_wait3A_1701, %dma_wait3A_1702] : memref<1024x16xi32, #tpu.memory_space<vmem>> -> memref<128x16xi32, #tpu.memory_space<vmem>>
      %dma_wait3A_1704 = arith.constant 0 : i32
      %dma_wait3A_1705 = tpu.memref_slice %arg12[%dma_wait3A_1700, %dma_wait3A_1704] : memref<8x128xi32, #tpu.memory_space<vmem>> -> memref<1x128xi32, #tpu.memory_space<vmem>>
      %dma_wait3A_1706 = tpu.memref_squeeze %dma_wait3A_1705 : memref<1x128xi32, #tpu.memory_space<vmem>> -> memref<128xi32, #tpu.memory_space<vmem>>
      %dma_wait3A_1707 = arith.constant 0 : i32
      %dma_wait3A_1708 = arith.constant 0 : i32
      %dma_wait3A_1709 = tpu.memref_slice %arg6[%dma_wait3A_1707, %dma_wait3A_1708] : memref<8192x16xi32, #tpu.memory_space<hbm>> -> memref<8192x16xi32, #tpu.memory_space<hbm>>
      tpu.wait_indirect_dma semaphore(%arg15 : memref<!tpu.dma_semaphore, #tpu.memory_space<semaphore_mem>>) src(%dma_wait3A_1709 : memref<8192x16xi32, #tpu.memory_space<hbm>>) dst(%dma_wait3A_1703 : memref<128x16xi32, #tpu.memory_space<vmem>>)
      %dma_wait3A_1710 = arith.constant 2 : i32
      %dma_wait3A_1711 = arith.constant 256 : i32
      %dma_wait3A_1712 = arith.constant 0 : i32
      %dma_wait3A_1713 = tpu.memref_slice %arg13[%dma_wait3A_1711, %dma_wait3A_1712] : memref<1024x16xi32, #tpu.memory_space<vmem>> -> memref<128x16xi32, #tpu.memory_space<vmem>>
      %dma_wait3A_1714 = arith.constant 0 : i32
      %dma_wait3A_1715 = tpu.memref_slice %arg9[%dma_wait3A_1710, %dma_wait3A_1714] : memref<8x128xi32, #tpu.memory_space<vmem>> -> memref<1x128xi32, #tpu.memory_space<vmem>>
      %dma_wait3A_1716 = tpu.memref_squeeze %dma_wait3A_1715 : memref<1x128xi32, #tpu.memory_space<vmem>> -> memref<128xi32, #tpu.memory_space<vmem>>
      %dma_wait3A_1717 = arith.constant 0 : i32
      %dma_wait3A_1718 = arith.constant 0 : i32
      %dma_wait3A_1719 = tpu.memref_slice %arg5[%dma_wait3A_1717, %dma_wait3A_1718] : memref<102400x16xi32, #tpu.memory_space<hbm>> -> memref<102400x16xi32, #tpu.memory_space<hbm>>
      tpu.wait_indirect_dma semaphore(%arg15 : memref<!tpu.dma_semaphore, #tpu.memory_space<semaphore_mem>>) src(%dma_wait3A_1719 : memref<102400x16xi32, #tpu.memory_space<hbm>>) dst(%dma_wait3A_1713 : memref<128x16xi32, #tpu.memory_space<vmem>>)
      %dma_wait3A_1720 = arith.constant 2 : i32
      %dma_wait3A_1721 = arith.constant 256 : i32
      %dma_wait3A_1722 = arith.constant 0 : i32
      %dma_wait3A_1723 = tpu.memref_slice %arg14[%dma_wait3A_1721, %dma_wait3A_1722] : memref<1024x16xi32, #tpu.memory_space<vmem>> -> memref<128x16xi32, #tpu.memory_space<vmem>>
      %dma_wait3A_1724 = arith.constant 0 : i32
      %dma_wait3A_1725 = tpu.memref_slice %arg12[%dma_wait3A_1720, %dma_wait3A_1724] : memref<8x128xi32, #tpu.memory_space<vmem>> -> memref<1x128xi32, #tpu.memory_space<vmem>>
      %dma_wait3A_1726 = tpu.memref_squeeze %dma_wait3A_1725 : memref<1x128xi32, #tpu.memory_space<vmem>> -> memref<128xi32, #tpu.memory_space<vmem>>
      %dma_wait3A_1727 = arith.constant 0 : i32
      %dma_wait3A_1728 = arith.constant 0 : i32
      %dma_wait3A_1729 = tpu.memref_slice %arg6[%dma_wait3A_1727, %dma_wait3A_1728] : memref<8192x16xi32, #tpu.memory_space<hbm>> -> memref<8192x16xi32, #tpu.memory_space<hbm>>
      tpu.wait_indirect_dma semaphore(%arg15 : memref<!tpu.dma_semaphore, #tpu.memory_space<semaphore_mem>>) src(%dma_wait3A_1729 : memref<8192x16xi32, #tpu.memory_space<hbm>>) dst(%dma_wait3A_1723 : memref<128x16xi32, #tpu.memory_space<vmem>>)
      %dma_wait3A_1730 = arith.constant 3 : i32
      %dma_wait3A_1731 = arith.constant 384 : i32
      %dma_wait3A_1732 = arith.constant 0 : i32
      %dma_wait3A_1733 = tpu.memref_slice %arg13[%dma_wait3A_1731, %dma_wait3A_1732] : memref<1024x16xi32, #tpu.memory_space<vmem>> -> memref<128x16xi32, #tpu.memory_space<vmem>>
      %dma_wait3A_1734 = arith.constant 0 : i32
      %dma_wait3A_1735 = tpu.memref_slice %arg9[%dma_wait3A_1730, %dma_wait3A_1734] : memref<8x128xi32, #tpu.memory_space<vmem>> -> memref<1x128xi32, #tpu.memory_space<vmem>>
      %dma_wait3A_1736 = tpu.memref_squeeze %dma_wait3A_1735 : memref<1x128xi32, #tpu.memory_space<vmem>> -> memref<128xi32, #tpu.memory_space<vmem>>
      %dma_wait3A_1737 = arith.constant 0 : i32
      %dma_wait3A_1738 = arith.constant 0 : i32
      %dma_wait3A_1739 = tpu.memref_slice %arg5[%dma_wait3A_1737, %dma_wait3A_1738] : memref<102400x16xi32, #tpu.memory_space<hbm>> -> memref<102400x16xi32, #tpu.memory_space<hbm>>
      tpu.wait_indirect_dma semaphore(%arg15 : memref<!tpu.dma_semaphore, #tpu.memory_space<semaphore_mem>>) src(%dma_wait3A_1739 : memref<102400x16xi32, #tpu.memory_space<hbm>>) dst(%dma_wait3A_1733 : memref<128x16xi32, #tpu.memory_space<vmem>>)
      %dma_wait3A_1740 = arith.constant 3 : i32
      %dma_wait3A_1741 = arith.constant 384 : i32
      %dma_wait3A_1742 = arith.constant 0 : i32
      %dma_wait3A_1743 = tpu.memref_slice %arg14[%dma_wait3A_1741, %dma_wait3A_1742] : memref<1024x16xi32, #tpu.memory_space<vmem>> -> memref<128x16xi32, #tpu.memory_space<vmem>>
      %dma_wait3A_1744 = arith.constant 0 : i32
      %dma_wait3A_1745 = tpu.memref_slice %arg12[%dma_wait3A_1740, %dma_wait3A_1744] : memref<8x128xi32, #tpu.memory_space<vmem>> -> memref<1x128xi32, #tpu.memory_space<vmem>>
      %dma_wait3A_1746 = tpu.memref_squeeze %dma_wait3A_1745 : memref<1x128xi32, #tpu.memory_space<vmem>> -> memref<128xi32, #tpu.memory_space<vmem>>
      %dma_wait3A_1747 = arith.constant 0 : i32
      %dma_wait3A_1748 = arith.constant 0 : i32
      %dma_wait3A_1749 = tpu.memref_slice %arg6[%dma_wait3A_1747, %dma_wait3A_1748] : memref<8192x16xi32, #tpu.memory_space<hbm>> -> memref<8192x16xi32, #tpu.memory_space<hbm>>
      tpu.wait_indirect_dma semaphore(%arg15 : memref<!tpu.dma_semaphore, #tpu.memory_space<semaphore_mem>>) src(%dma_wait3A_1749 : memref<8192x16xi32, #tpu.memory_space<hbm>>) dst(%dma_wait3A_1743 : memref<128x16xi32, #tpu.memory_space<vmem>>)
      %dma_wait3A_1750 = arith.constant 4 : i32
      %dma_wait3A_1751 = arith.constant 512 : i32
      %dma_wait3A_1752 = arith.constant 0 : i32
      %dma_wait3A_1753 = tpu.memref_slice %arg13[%dma_wait3A_1751, %dma_wait3A_1752] : memref<1024x16xi32, #tpu.memory_space<vmem>> -> memref<128x16xi32, #tpu.memory_space<vmem>>
      %dma_wait3A_1754 = arith.constant 0 : i32
      %dma_wait3A_1755 = tpu.memref_slice %arg9[%dma_wait3A_1750, %dma_wait3A_1754] : memref<8x128xi32, #tpu.memory_space<vmem>> -> memref<1x128xi32, #tpu.memory_space<vmem>>
      %dma_wait3A_1756 = tpu.memref_squeeze %dma_wait3A_1755 : memref<1x128xi32, #tpu.memory_space<vmem>> -> memref<128xi32, #tpu.memory_space<vmem>>
      %dma_wait3A_1757 = arith.constant 0 : i32
      %dma_wait3A_1758 = arith.constant 0 : i32
      %dma_wait3A_1759 = tpu.memref_slice %arg5[%dma_wait3A_1757, %dma_wait3A_1758] : memref<102400x16xi32, #tpu.memory_space<hbm>> -> memref<102400x16xi32, #tpu.memory_space<hbm>>
      tpu.wait_indirect_dma semaphore(%arg15 : memref<!tpu.dma_semaphore, #tpu.memory_space<semaphore_mem>>) src(%dma_wait3A_1759 : memref<102400x16xi32, #tpu.memory_space<hbm>>) dst(%dma_wait3A_1753 : memref<128x16xi32, #tpu.memory_space<vmem>>)
      %dma_wait3A_1760 = arith.constant 4 : i32
      %dma_wait3A_1761 = arith.constant 512 : i32
      %dma_wait3A_1762 = arith.constant 0 : i32
      %dma_wait3A_1763 = tpu.memref_slice %arg14[%dma_wait3A_1761, %dma_wait3A_1762] : memref<1024x16xi32, #tpu.memory_space<vmem>> -> memref<128x16xi32, #tpu.memory_space<vmem>>
      %dma_wait3A_1764 = arith.constant 0 : i32
      %dma_wait3A_1765 = tpu.memref_slice %arg12[%dma_wait3A_1760, %dma_wait3A_1764] : memref<8x128xi32, #tpu.memory_space<vmem>> -> memref<1x128xi32, #tpu.memory_space<vmem>>
      %dma_wait3A_1766 = tpu.memref_squeeze %dma_wait3A_1765 : memref<1x128xi32, #tpu.memory_space<vmem>> -> memref<128xi32, #tpu.memory_space<vmem>>
      %dma_wait3A_1767 = arith.constant 0 : i32
      %dma_wait3A_1768 = arith.constant 0 : i32
      %dma_wait3A_1769 = tpu.memref_slice %arg6[%dma_wait3A_1767, %dma_wait3A_1768] : memref<8192x16xi32, #tpu.memory_space<hbm>> -> memref<8192x16xi32, #tpu.memory_space<hbm>>
      tpu.wait_indirect_dma semaphore(%arg15 : memref<!tpu.dma_semaphore, #tpu.memory_space<semaphore_mem>>) src(%dma_wait3A_1769 : memref<8192x16xi32, #tpu.memory_space<hbm>>) dst(%dma_wait3A_1763 : memref<128x16xi32, #tpu.memory_space<vmem>>)
      %dma_wait3A_1770 = arith.constant 5 : i32
      %dma_wait3A_1771 = arith.constant 640 : i32
      %dma_wait3A_1772 = arith.constant 0 : i32
      %dma_wait3A_1773 = tpu.memref_slice %arg13[%dma_wait3A_1771, %dma_wait3A_1772] : memref<1024x16xi32, #tpu.memory_space<vmem>> -> memref<128x16xi32, #tpu.memory_space<vmem>>
      %dma_wait3A_1774 = arith.constant 0 : i32
      %dma_wait3A_1775 = tpu.memref_slice %arg9[%dma_wait3A_1770, %dma_wait3A_1774] : memref<8x128xi32, #tpu.memory_space<vmem>> -> memref<1x128xi32, #tpu.memory_space<vmem>>
      %dma_wait3A_1776 = tpu.memref_squeeze %dma_wait3A_1775 : memref<1x128xi32, #tpu.memory_space<vmem>> -> memref<128xi32, #tpu.memory_space<vmem>>
      %dma_wait3A_1777 = arith.constant 0 : i32
      %dma_wait3A_1778 = arith.constant 0 : i32
      %dma_wait3A_1779 = tpu.memref_slice %arg5[%dma_wait3A_1777, %dma_wait3A_1778] : memref<102400x16xi32, #tpu.memory_space<hbm>> -> memref<102400x16xi32, #tpu.memory_space<hbm>>
      tpu.wait_indirect_dma semaphore(%arg15 : memref<!tpu.dma_semaphore, #tpu.memory_space<semaphore_mem>>) src(%dma_wait3A_1779 : memref<102400x16xi32, #tpu.memory_space<hbm>>) dst(%dma_wait3A_1773 : memref<128x16xi32, #tpu.memory_space<vmem>>)
      %dma_wait3A_1780 = arith.constant 5 : i32
      %dma_wait3A_1781 = arith.constant 640 : i32
      %dma_wait3A_1782 = arith.constant 0 : i32
      %dma_wait3A_1783 = tpu.memref_slice %arg14[%dma_wait3A_1781, %dma_wait3A_1782] : memref<1024x16xi32, #tpu.memory_space<vmem>> -> memref<128x16xi32, #tpu.memory_space<vmem>>
      %dma_wait3A_1784 = arith.constant 0 : i32
      %dma_wait3A_1785 = tpu.memref_slice %arg12[%dma_wait3A_1780, %dma_wait3A_1784] : memref<8x128xi32, #tpu.memory_space<vmem>> -> memref<1x128xi32, #tpu.memory_space<vmem>>
      %dma_wait3A_1786 = tpu.memref_squeeze %dma_wait3A_1785 : memref<1x128xi32, #tpu.memory_space<vmem>> -> memref<128xi32, #tpu.memory_space<vmem>>
      %dma_wait3A_1787 = arith.constant 0 : i32
      %dma_wait3A_1788 = arith.constant 0 : i32
      %dma_wait3A_1789 = tpu.memref_slice %arg6[%dma_wait3A_1787, %dma_wait3A_1788] : memref<8192x16xi32, #tpu.memory_space<hbm>> -> memref<8192x16xi32, #tpu.memory_space<hbm>>
      tpu.wait_indirect_dma semaphore(%arg15 : memref<!tpu.dma_semaphore, #tpu.memory_space<semaphore_mem>>) src(%dma_wait3A_1789 : memref<8192x16xi32, #tpu.memory_space<hbm>>) dst(%dma_wait3A_1783 : memref<128x16xi32, #tpu.memory_space<vmem>>)
      %dma_wait3A_1790 = arith.constant 6 : i32
      %dma_wait3A_1791 = arith.constant 768 : i32
      %dma_wait3A_1792 = arith.constant 0 : i32
      %dma_wait3A_1793 = tpu.memref_slice %arg13[%dma_wait3A_1791, %dma_wait3A_1792] : memref<1024x16xi32, #tpu.memory_space<vmem>> -> memref<128x16xi32, #tpu.memory_space<vmem>>
      %dma_wait3A_1794 = arith.constant 0 : i32
      %dma_wait3A_1795 = tpu.memref_slice %arg9[%dma_wait3A_1790, %dma_wait3A_1794] : memref<8x128xi32, #tpu.memory_space<vmem>> -> memref<1x128xi32, #tpu.memory_space<vmem>>
      %dma_wait3A_1796 = tpu.memref_squeeze %dma_wait3A_1795 : memref<1x128xi32, #tpu.memory_space<vmem>> -> memref<128xi32, #tpu.memory_space<vmem>>
      %dma_wait3A_1797 = arith.constant 0 : i32
      %dma_wait3A_1798 = arith.constant 0 : i32
      %dma_wait3A_1799 = tpu.memref_slice %arg5[%dma_wait3A_1797, %dma_wait3A_1798] : memref<102400x16xi32, #tpu.memory_space<hbm>> -> memref<102400x16xi32, #tpu.memory_space<hbm>>
      tpu.wait_indirect_dma semaphore(%arg15 : memref<!tpu.dma_semaphore, #tpu.memory_space<semaphore_mem>>) src(%dma_wait3A_1799 : memref<102400x16xi32, #tpu.memory_space<hbm>>) dst(%dma_wait3A_1793 : memref<128x16xi32, #tpu.memory_space<vmem>>)
      %dma_wait3A_1800 = arith.constant 6 : i32
      %dma_wait3A_1801 = arith.constant 768 : i32
      %dma_wait3A_1802 = arith.constant 0 : i32
      %dma_wait3A_1803 = tpu.memref_slice %arg14[%dma_wait3A_1801, %dma_wait3A_1802] : memref<1024x16xi32, #tpu.memory_space<vmem>> -> memref<128x16xi32, #tpu.memory_space<vmem>>
      %dma_wait3A_1804 = arith.constant 0 : i32
      %dma_wait3A_1805 = tpu.memref_slice %arg12[%dma_wait3A_1800, %dma_wait3A_1804] : memref<8x128xi32, #tpu.memory_space<vmem>> -> memref<1x128xi32, #tpu.memory_space<vmem>>
      %dma_wait3A_1806 = tpu.memref_squeeze %dma_wait3A_1805 : memref<1x128xi32, #tpu.memory_space<vmem>> -> memref<128xi32, #tpu.memory_space<vmem>>
      %dma_wait3A_1807 = arith.constant 0 : i32
      %dma_wait3A_1808 = arith.constant 0 : i32
      %dma_wait3A_1809 = tpu.memref_slice %arg6[%dma_wait3A_1807, %dma_wait3A_1808] : memref<8192x16xi32, #tpu.memory_space<hbm>> -> memref<8192x16xi32, #tpu.memory_space<hbm>>
      tpu.wait_indirect_dma semaphore(%arg15 : memref<!tpu.dma_semaphore, #tpu.memory_space<semaphore_mem>>) src(%dma_wait3A_1809 : memref<8192x16xi32, #tpu.memory_space<hbm>>) dst(%dma_wait3A_1803 : memref<128x16xi32, #tpu.memory_space<vmem>>)
      %dma_wait3A_1810 = arith.constant 7 : i32
      %dma_wait3A_1811 = arith.constant 896 : i32
      %dma_wait3A_1812 = arith.constant 0 : i32
      %dma_wait3A_1813 = tpu.memref_slice %arg13[%dma_wait3A_1811, %dma_wait3A_1812] : memref<1024x16xi32, #tpu.memory_space<vmem>> -> memref<128x16xi32, #tpu.memory_space<vmem>>
      %dma_wait3A_1814 = arith.constant 0 : i32
      %dma_wait3A_1815 = tpu.memref_slice %arg9[%dma_wait3A_1810, %dma_wait3A_1814] : memref<8x128xi32, #tpu.memory_space<vmem>> -> memref<1x128xi32, #tpu.memory_space<vmem>>
      %dma_wait3A_1816 = tpu.memref_squeeze %dma_wait3A_1815 : memref<1x128xi32, #tpu.memory_space<vmem>> -> memref<128xi32, #tpu.memory_space<vmem>>
      %dma_wait3A_1817 = arith.constant 0 : i32
      %dma_wait3A_1818 = arith.constant 0 : i32
      %dma_wait3A_1819 = tpu.memref_slice %arg5[%dma_wait3A_1817, %dma_wait3A_1818] : memref<102400x16xi32, #tpu.memory_space<hbm>> -> memref<102400x16xi32, #tpu.memory_space<hbm>>
      tpu.wait_indirect_dma semaphore(%arg15 : memref<!tpu.dma_semaphore, #tpu.memory_space<semaphore_mem>>) src(%dma_wait3A_1819 : memref<102400x16xi32, #tpu.memory_space<hbm>>) dst(%dma_wait3A_1813 : memref<128x16xi32, #tpu.memory_space<vmem>>)
      %dma_wait3A_1820 = arith.constant 7 : i32
      %dma_wait3A_1821 = arith.constant 896 : i32
      %dma_wait3A_1822 = arith.constant 0 : i32
      %dma_wait3A_1823 = tpu.memref_slice %arg14[%dma_wait3A_1821, %dma_wait3A_1822] : memref<1024x16xi32, #tpu.memory_space<vmem>> -> memref<128x16xi32, #tpu.memory_space<vmem>>
      %dma_wait3A_1824 = arith.constant 0 : i32
      %dma_wait3A_1825 = tpu.memref_slice %arg12[%dma_wait3A_1820, %dma_wait3A_1824] : memref<8x128xi32, #tpu.memory_space<vmem>> -> memref<1x128xi32, #tpu.memory_space<vmem>>
      %dma_wait3A_1826 = tpu.memref_squeeze %dma_wait3A_1825 : memref<1x128xi32, #tpu.memory_space<vmem>> -> memref<128xi32, #tpu.memory_space<vmem>>
      %dma_wait3A_1827 = arith.constant 0 : i32
      %dma_wait3A_1828 = arith.constant 0 : i32
      %dma_wait3A_1829 = tpu.memref_slice %arg6[%dma_wait3A_1827, %dma_wait3A_1828] : memref<8192x16xi32, #tpu.memory_space<hbm>> -> memref<8192x16xi32, #tpu.memory_space<hbm>>
      tpu.wait_indirect_dma semaphore(%arg15 : memref<!tpu.dma_semaphore, #tpu.memory_space<semaphore_mem>>) src(%dma_wait3A_1829 : memref<8192x16xi32, #tpu.memory_space<hbm>>) dst(%dma_wait3A_1823 : memref<128x16xi32, #tpu.memory_space<vmem>>)
      "tpu.region"() ({
        %run_scoped3A = tpu.sem_alloc : memref<!tpu.dma_semaphore, #tpu.memory_space<semaphore_mem>>
        %dma_start3A_1830 = arith.constant 0 : i32
        %dma_start3A_1831 = tpu.memref_slice %arg7[%select_n3A, %select_n3A_42, %dma_start3A_1830] : memref<200x4096x16xi32, #tpu.memory_space<hbm>> -> memref<1x1024x16xi32, #tpu.memory_space<hbm>>
        %dma_start3A_1832 = tpu.memref_squeeze %dma_start3A_1831 : memref<1x1024x16xi32, #tpu.memory_space<hbm>> -> memref<1024x16xi32, #tpu.memory_space<hbm>>
        %dma_start3A_1833 = arith.constant 0 : i32
        %dma_start3A_1834 = tpu.memref_slice %arg7[%select_n3A, %select_n3A_42, %dma_start3A_1833] : memref<200x4096x16xi32, #tpu.memory_space<hbm>> -> memref<1x1024x16xi32, #tpu.memory_space<hbm>>
        %dma_start3A_1835 = tpu.memref_squeeze %dma_start3A_1834 : memref<1x1024x16xi32, #tpu.memory_space<hbm>> -> memref<1024x16xi32, #tpu.memory_space<hbm>>
        tpu.enqueue_dma source(%arg13 : memref<1024x16xi32, #tpu.memory_space<vmem>>) target(%dma_start3A_1835 : memref<1024x16xi32, #tpu.memory_space<hbm>>) target_semaphore(%run_scoped3A : memref<!tpu.dma_semaphore, #tpu.memory_space<semaphore_mem>>)
        %dma_wait3A_1836 = arith.constant 0 : i32
        %dma_wait3A_1837 = tpu.memref_slice %arg7[%select_n3A, %select_n3A_42, %dma_wait3A_1836] : memref<200x4096x16xi32, #tpu.memory_space<hbm>> -> memref<1x1024x16xi32, #tpu.memory_space<hbm>>
        %dma_wait3A_1838 = tpu.memref_squeeze %dma_wait3A_1837 : memref<1x1024x16xi32, #tpu.memory_space<hbm>> -> memref<1024x16xi32, #tpu.memory_space<hbm>>
        %dma_wait3A_1839 = arith.constant 0 : i32
        %dma_wait3A_1840 = tpu.memref_slice %arg7[%select_n3A, %select_n3A_42, %dma_wait3A_1839] : memref<200x4096x16xi32, #tpu.memory_space<hbm>> -> memref<1x1024x16xi32, #tpu.memory_space<hbm>>
        %dma_wait3A_1841 = tpu.memref_squeeze %dma_wait3A_1840 : memref<1x1024x16xi32, #tpu.memory_space<hbm>> -> memref<1024x16xi32, #tpu.memory_space<hbm>>
        tpu.wait_dma2 semaphore(%run_scoped3A : memref<!tpu.dma_semaphore, #tpu.memory_space<semaphore_mem>>) src(%arg13 : memref<1024x16xi32, #tpu.memory_space<vmem>>) dst(%dma_wait3A_1841 : memref<1024x16xi32, #tpu.memory_space<hbm>>)
        tpu.yield
      }) : () -> ()
      "tpu.region"() ({
        %run_scoped3A = tpu.sem_alloc : memref<!tpu.dma_semaphore, #tpu.memory_space<semaphore_mem>>
        %dma_start3A_1830 = arith.constant 0 : i32
        %dma_start3A_1831 = tpu.memref_slice %arg8[%select_n3A, %select_n3A_42, %dma_start3A_1830] : memref<200x4096x16xi32, #tpu.memory_space<hbm>> -> memref<1x1024x16xi32, #tpu.memory_space<hbm>>
        %dma_start3A_1832 = tpu.memref_squeeze %dma_start3A_1831 : memref<1x1024x16xi32, #tpu.memory_space<hbm>> -> memref<1024x16xi32, #tpu.memory_space<hbm>>
        %dma_start3A_1833 = arith.constant 0 : i32
        %dma_start3A_1834 = tpu.memref_slice %arg8[%select_n3A, %select_n3A_42, %dma_start3A_1833] : memref<200x4096x16xi32, #tpu.memory_space<hbm>> -> memref<1x1024x16xi32, #tpu.memory_space<hbm>>
        %dma_start3A_1835 = tpu.memref_squeeze %dma_start3A_1834 : memref<1x1024x16xi32, #tpu.memory_space<hbm>> -> memref<1024x16xi32, #tpu.memory_space<hbm>>
        tpu.enqueue_dma source(%arg14 : memref<1024x16xi32, #tpu.memory_space<vmem>>) target(%dma_start3A_1835 : memref<1024x16xi32, #tpu.memory_space<hbm>>) target_semaphore(%run_scoped3A : memref<!tpu.dma_semaphore, #tpu.memory_space<semaphore_mem>>)
        %dma_wait3A_1836 = arith.constant 0 : i32
        %dma_wait3A_1837 = tpu.memref_slice %arg8[%select_n3A, %select_n3A_42, %dma_wait3A_1836] : memref<200x4096x16xi32, #tpu.memory_space<hbm>> -> memref<1x1024x16xi32, #tpu.memory_space<hbm>>
        %dma_wait3A_1838 = tpu.memref_squeeze %dma_wait3A_1837 : memref<1x1024x16xi32, #tpu.memory_space<hbm>> -> memref<1024x16xi32, #tpu.memory_space<hbm>>
        %dma_wait3A_1839 = arith.constant 0 : i32
        %dma_wait3A_1840 = tpu.memref_slice %arg8[%select_n3A, %select_n3A_42, %dma_wait3A_1839] : memref<200x4096x16xi32, #tpu.memory_space<hbm>> -> memref<1x1024x16xi32, #tpu.memory_space<hbm>>
        %dma_wait3A_1841 = tpu.memref_squeeze %dma_wait3A_1840 : memref<1x1024x16xi32, #tpu.memory_space<hbm>> -> memref<1024x16xi32, #tpu.memory_space<hbm>>
        tpu.wait_dma2 semaphore(%run_scoped3A : memref<!tpu.dma_semaphore, #tpu.memory_space<semaphore_mem>>) src(%arg14 : memref<1024x16xi32, #tpu.memory_space<vmem>>) dst(%dma_wait3A_1841 : memref<1024x16xi32, #tpu.memory_space<hbm>>)
        tpu.yield
      }) : () -> ()
    }
    %scan3A_6 = arith.constant 25 : i32
    return
  }
}

module attributes {stable_mosaic.version = 14 : i64} {
  func.func @_prep_body(%arg0: i32, %arg1: memref<16x12800xf32, #tpu.memory_space<vmem>>, %arg2: memref<32x16xf32, #tpu.memory_space<vmem>>, %arg3: memref<8x1024xf32, #tpu.memory_space<vmem>>, %arg4: memref<1x1024xf32, #tpu.memory_space<vmem>>, %arg5: memref<32x8xf32, #tpu.memory_space<vmem>>, %arg6: memref<32x1xf32, #tpu.memory_space<vmem>>, %arg7: memref<16x12800xi32, #tpu.memory_space<vmem>>, %arg8: memref<16x1024xi32, #tpu.memory_space<vmem>>) attributes {dimension_semantics = [#tpu.dimension_semantics<arbitrary>], iteration_bounds = array<i64: 8>, scalar_prefetch = 0 : i64, scratch_operands = 0 : i64, tpu.core_type = #tpu.core_type<tc>, window_params = [{transform_indices = @transform_0, window_bounds = array<i64: 16, 12800>}, {pipeline_mode = #tpu.pipeline_mode<synchronous>, transform_indices = @transform_1, window_bounds = array<i64: 32, 16>}, {transform_indices = @transform_2, window_bounds = array<i64: 8, 1024>}, {transform_indices = @transform_3, window_bounds = array<i64: 1, 1024>}, {pipeline_mode = #tpu.pipeline_mode<synchronous>, transform_indices = @transform_4, window_bounds = array<i64: 32, 8>}, {pipeline_mode = #tpu.pipeline_mode<synchronous>, transform_indices = @transform_5, window_bounds = array<i64: 32, 1>}, {transform_indices = @transform_6, window_bounds = array<i64: 16, 12800>}, {transform_indices = @transform_7, window_bounds = array<i64: 16, 1024>}]} {
    %get3A = arith.constant 0 : index
    %get3A_0 = arith.constant 0 : index
    %get3A_1 = vector.load %arg2[%get3A, %get3A_0] : memref<32x16xf32, #tpu.memory_space<vmem>>, vector<32x16xf32>
    %get3A_2 = arith.constant 0 : index
    %get3A_3 = arith.constant 0 : index
    %get3A_4 = vector.load %arg1[%get3A_2, %get3A_3] : memref<16x12800xf32, #tpu.memory_space<vmem>>, vector<16x12800xf32>
    %dot_general3A = arith.constant dense<0.000000e+00> : vector<32x12800xf32>
    %dot_general3A_5 = tpu.matmul %get3A_1, %get3A_4, %dot_general3A {dimension_numbers = #tpu.dot_dimension_numbers<[1], [0], [0], [1], [0, 0, 1, 1], [], []>, transpose_lhs_hint = false} : vector<32x16xf32>, vector<16x12800xf32>, vector<32x12800xf32> -> vector<32x12800xf32>
    %convert_element_type3A = arith.truncf %dot_general3A_5 : vector<32x12800xf32> to vector<32x12800xbf16>
    %bitcast_convert_type3A = tpu.bitcast %convert_element_type3A : vector<32x12800xbf16> -> vector<32x12800xi16>
    %convert_element_type3A_6 = arith.extui %bitcast_convert_type3A : vector<32x12800xi16> to vector<32x12800xi32>
    %slice3A = vector.extract_strided_slice %convert_element_type3A_6 {offsets = [0, 0], sizes = [16, 12800], strides = [1, 1]} : vector<32x12800xi32> to vector<16x12800xi32>
    %slice3A_7 = vector.extract_strided_slice %convert_element_type3A_6 {offsets = [16, 0], sizes = [16, 12800], strides = [1, 1]} : vector<32x12800xi32> to vector<16x12800xi32>
    %shift_left3A = arith.constant 16 : i32
    %shift_left3A_8 = vector.broadcast %shift_left3A : i32 to vector<16x12800xi32>
    %shift_left3A_9 = arith.shli %slice3A_7, %shift_left3A_8 : vector<16x12800xi32>
    %or3A = arith.ori %slice3A, %shift_left3A_9 : vector<16x12800xi32>
    %bitcast_convert_type3A_10 = tpu.bitcast %or3A : vector<16x12800xi32> -> vector<16x12800xi32>
    %swap3A = arith.constant 0 : index
    %swap3A_11 = arith.constant 0 : index
    %swap3A_12 = vector.load %arg7[%swap3A, %swap3A_11] : memref<16x12800xi32, #tpu.memory_space<vmem>>, vector<16x12800xi32>
    tpu.vector_store %arg7[%swap3A, %swap3A_11], %bitcast_convert_type3A_10 {strides = array<i32>} : memref<16x12800xi32, #tpu.memory_space<vmem>>, vector<16x12800xi32>,
    %get3A_13 = arith.constant 0 : index
    %get3A_14 = arith.constant 0 : index
    %get3A_15 = vector.load %arg5[%get3A_13, %get3A_14] : memref<32x8xf32, #tpu.memory_space<vmem>>, vector<32x8xf32>
    %get3A_16 = arith.constant 0 : index
    %get3A_17 = arith.constant 0 : index
    %get3A_18 = vector.load %arg3[%get3A_16, %get3A_17] : memref<8x1024xf32, #tpu.memory_space<vmem>>, vector<8x1024xf32>
    %dot_general3A_19 = arith.constant dense<0.000000e+00> : vector<32x1024xf32>
    %dot_general3A_20 = tpu.matmul %get3A_15, %get3A_18, %dot_general3A_19 {dimension_numbers = #tpu.dot_dimension_numbers<[1], [0], [0], [1], [0, 0, 1, 1], [], []>, transpose_lhs_hint = false} : vector<32x8xf32>, vector<8x1024xf32>, vector<32x1024xf32> -> vector<32x1024xf32>
    %get3A_21 = arith.constant 0 : index
    %get3A_22 = arith.constant 0 : index
    %get3A_23 = vector.load %arg6[%get3A_21, %get3A_22] : memref<32x1xf32, #tpu.memory_space<vmem>>, vector<32x1xf32>
    %get3A_24 = arith.constant 0 : index
    %get3A_25 = arith.constant 0 : index
    %get3A_26 = vector.load %arg4[%get3A_24, %get3A_25] : memref<1x1024xf32, #tpu.memory_space<vmem>>, vector<1x1024xf32>
    %mul3A = vector.broadcast %get3A_23 : vector<32x1xf32> to vector<32x1024xf32>
    %mul3A_27 = vector.broadcast %get3A_26 : vector<1x1024xf32> to vector<32x1024xf32>
    %mul3A_28 = arith.mulf %mul3A, %mul3A_27 : vector<32x1024xf32>
    %add3A = arith.addf %dot_general3A_20, %mul3A_28 : vector<32x1024xf32>
    %convert_element_type3A_29 = arith.truncf %add3A : vector<32x1024xf32> to vector<32x1024xbf16>
    %bitcast_convert_type3A_30 = tpu.bitcast %convert_element_type3A_29 : vector<32x1024xbf16> -> vector<32x1024xi16>
    %convert_element_type3A_31 = arith.extui %bitcast_convert_type3A_30 : vector<32x1024xi16> to vector<32x1024xi32>
    %slice3A_32 = vector.extract_strided_slice %convert_element_type3A_31 {offsets = [0, 0], sizes = [16, 1024], strides = [1, 1]} : vector<32x1024xi32> to vector<16x1024xi32>
    %slice3A_33 = vector.extract_strided_slice %convert_element_type3A_31 {offsets = [16, 0], sizes = [16, 1024], strides = [1, 1]} : vector<32x1024xi32> to vector<16x1024xi32>
    %shift_left3A_34 = arith.constant 16 : i32
    %shift_left3A_35 = vector.broadcast %shift_left3A_34 : i32 to vector<16x1024xi32>
    %shift_left3A_36 = arith.shli %slice3A_33, %shift_left3A_35 : vector<16x1024xi32>
    %or3A_37 = arith.ori %slice3A_32, %shift_left3A_36 : vector<16x1024xi32>
    %bitcast_convert_type3A_38 = tpu.bitcast %or3A_37 : vector<16x1024xi32> -> vector<16x1024xi32>
    %swap3A_39 = arith.constant 0 : index
    %swap3A_40 = arith.constant 0 : index
    %swap3A_41 = vector.load %arg8[%swap3A_39, %swap3A_40] : memref<16x1024xi32, #tpu.memory_space<vmem>>, vector<16x1024xi32>
    tpu.vector_store %arg8[%swap3A_39, %swap3A_40], %bitcast_convert_type3A_38 {strides = array<i32>} : memref<16x1024xi32, #tpu.memory_space<vmem>>, vector<16x1024xi32>,
    return
  }
  func.func @transform_0(%arg0: i32) -> (i32, i32) {
    %c0_i32 = arith.constant 0 : i32
    %c0_i32_0 = arith.constant 0 : i32
    return %c0_i32, %arg0 : i32, i32
  }
  func.func @transform_1(%arg0: i32) -> (i32, i32) {
    %c0_i32 = arith.constant 0 : i32
    %c0_i32_0 = arith.constant 0 : i32
    %c0_i32_1 = arith.constant 0 : i32
    return %c0_i32, %c0_i32_0 : i32, i32
  }
  func.func @transform_2(%arg0: i32) -> (i32, i32) {
    %c0_i32 = arith.constant 0 : i32
    %c0_i32_0 = arith.constant 0 : i32
    return %c0_i32, %arg0 : i32, i32
  }
  func.func @transform_3(%arg0: i32) -> (i32, i32) {
    %c0_i32 = arith.constant 0 : i32
    %c0_i32_0 = arith.constant 0 : i32
    return %c0_i32, %arg0 : i32, i32
  }
  func.func @transform_4(%arg0: i32) -> (i32, i32) {
    %c0_i32 = arith.constant 0 : i32
    %c0_i32_0 = arith.constant 0 : i32
    %c0_i32_1 = arith.constant 0 : i32
    return %c0_i32, %c0_i32_0 : i32, i32
  }
  func.func @transform_5(%arg0: i32) -> (i32, i32) {
    %c0_i32 = arith.constant 0 : i32
    %c0_i32_0 = arith.constant 0 : i32
    %c0_i32_1 = arith.constant 0 : i32
    return %c0_i32, %c0_i32_0 : i32, i32
  }
  func.func @transform_6(%arg0: i32) -> (i32, i32) {
    %c0_i32 = arith.constant 0 : i32
    %c0_i32_0 = arith.constant 0 : i32
    return %c0_i32, %arg0 : i32, i32
  }
  func.func @transform_7(%arg0: i32) -> (i32, i32) {
    %c0_i32 = arith.constant 0 : i32
    %c0_i32_0 = arith.constant 0 : i32
    return %c0_i32, %arg0 : i32, i32
  }
}

module attributes {stable_mosaic.version = 14 : i64} {
  func.func @_mlp_body(%arg0: i32, %arg1: memref<1x16x4096xi32, #tpu.memory_space<vmem>>, %arg2: memref<1x16x4096xi32, #tpu.memory_space<vmem>>, %arg3: memref<1x16x4096xf32, #tpu.memory_space<vmem>>, %arg4: memref<32x16xf32, #tpu.memory_space<vmem>>, %arg5: memref<32x1xf32, #tpu.memory_space<vmem>>, %arg6: memref<32x32xf32, #tpu.memory_space<vmem>>, %arg7: memref<32x1xf32, #tpu.memory_space<vmem>>, %arg8: memref<1x32x4096xf32, #tpu.memory_space<vmem>>) attributes {dimension_semantics = [#tpu.dimension_semantics<arbitrary>], iteration_bounds = array<i64: 200>, scalar_prefetch = 0 : i64, scratch_operands = 0 : i64, tpu.core_type = #tpu.core_type<tc>, window_params = [{transform_indices = @transform_0, window_bounds = array<i64: 1, 16, 4096>}, {transform_indices = @transform_1, window_bounds = array<i64: 1, 16, 4096>}, {transform_indices = @transform_2, window_bounds = array<i64: 1, 16, 4096>}, {pipeline_mode = #tpu.pipeline_mode<synchronous>, transform_indices = @transform_3, window_bounds = array<i64: 32, 16>}, {pipeline_mode = #tpu.pipeline_mode<synchronous>, transform_indices = @transform_4, window_bounds = array<i64: 32, 1>}, {pipeline_mode = #tpu.pipeline_mode<synchronous>, transform_indices = @transform_5, window_bounds = array<i64: 32, 32>}, {pipeline_mode = #tpu.pipeline_mode<synchronous>, transform_indices = @transform_6, window_bounds = array<i64: 32, 1>}, {transform_indices = @transform_7, window_bounds = array<i64: 1, 32, 4096>}]} {
    %get3A = arith.constant 0 : index
    %get3A_0 = arith.constant 0 : index
    %get3A_1 = arith.constant 0 : index
    %get3A_2 = vector.load %arg1[%get3A, %get3A_0, %get3A_1] : memref<1x16x4096xi32, #tpu.memory_space<vmem>>, vector<1x16x4096xi32>
    %get3A_3 = vector.shape_cast %get3A_2 : vector<1x16x4096xi32> to vector<16x4096xi32>
    %shift_left3A = arith.constant 16 : i32
    %shift_left3A_4 = vector.broadcast %shift_left3A : i32 to vector<16x4096xi32>
    %shift_left3A_5 = arith.shli %get3A_3, %shift_left3A_4 : vector<16x4096xi32>
    %bitcast_convert_type3A = tpu.bitcast %shift_left3A_5 : vector<16x4096xi32> -> vector<16x4096xf32>
    %and3A = arith.constant -65536 : i32
    %and3A_6 = vector.broadcast %and3A : i32 to vector<16x4096xi32>
    %and3A_7 = arith.andi %get3A_3, %and3A_6 : vector<16x4096xi32>
    %bitcast_convert_type3A_8 = tpu.bitcast %and3A_7 : vector<16x4096xi32> -> vector<16x4096xf32>
    %get3A_9 = arith.constant 0 : index
    %get3A_10 = arith.constant 0 : index
    %get3A_11 = arith.constant 0 : index
    %get3A_12 = vector.load %arg2[%get3A_9, %get3A_10, %get3A_11] : memref<1x16x4096xi32, #tpu.memory_space<vmem>>, vector<1x16x4096xi32>
    %get3A_13 = vector.shape_cast %get3A_12 : vector<1x16x4096xi32> to vector<16x4096xi32>
    %shift_left3A_14 = arith.constant 16 : i32
    %shift_left3A_15 = vector.broadcast %shift_left3A_14 : i32 to vector<16x4096xi32>
    %shift_left3A_16 = arith.shli %get3A_13, %shift_left3A_15 : vector<16x4096xi32>
    %bitcast_convert_type3A_17 = tpu.bitcast %shift_left3A_16 : vector<16x4096xi32> -> vector<16x4096xf32>
    %and3A_18 = arith.constant -65536 : i32
    %and3A_19 = vector.broadcast %and3A_18 : i32 to vector<16x4096xi32>
    %and3A_20 = arith.andi %get3A_13, %and3A_19 : vector<16x4096xi32>
    %bitcast_convert_type3A_21 = tpu.bitcast %and3A_20 : vector<16x4096xi32> -> vector<16x4096xf32>
    %add3A = arith.addf %bitcast_convert_type3A, %bitcast_convert_type3A_17 : vector<16x4096xf32>
    %add3A_22 = arith.addf %bitcast_convert_type3A_8, %bitcast_convert_type3A_21 : vector<16x4096xf32>
    %concatenate3A = tpu.concatenate %add3A, %add3A_22 in 0 : vector<16x4096xf32>, vector<16x4096xf32> -> vector<32x4096xf32>
    %get3A_23 = arith.constant 0 : index
    %get3A_24 = arith.constant 0 : index
    %get3A_25 = vector.load %arg4[%get3A_23, %get3A_24] : memref<32x16xf32, #tpu.memory_space<vmem>>, vector<32x16xf32>
    %get3A_26 = arith.constant 0 : index
    %get3A_27 = arith.constant 0 : index
    %get3A_28 = arith.constant 0 : index
    %get3A_29 = vector.load %arg3[%get3A_26, %get3A_27, %get3A_28] : memref<1x16x4096xf32, #tpu.memory_space<vmem>>, vector<1x16x4096xf32>
    %get3A_30 = vector.shape_cast %get3A_29 : vector<1x16x4096xf32> to vector<16x4096xf32>
    %dot_general3A = arith.constant dense<0.000000e+00> : vector<32x4096xf32>
    %dot_general3A_31 = tpu.matmul %get3A_25, %get3A_30, %dot_general3A {dimension_numbers = #tpu.dot_dimension_numbers<[1], [0], [0], [1], [0, 0, 1, 1], [], []>, transpose_lhs_hint = false} : vector<32x16xf32>, vector<16x4096xf32>, vector<32x4096xf32> -> vector<32x4096xf32>
    %add3A_32 = arith.addf %dot_general3A_31, %concatenate3A : vector<32x4096xf32>
    %get3A_33 = arith.constant 0 : index
    %get3A_34 = arith.constant 0 : index
    %get3A_35 = vector.load %arg5[%get3A_33, %get3A_34] : memref<32x1xf32, #tpu.memory_space<vmem>>, vector<32x1xf32>
    %add3A_36 = vector.broadcast %get3A_35 : vector<32x1xf32> to vector<32x4096xf32>
    %add3A_37 = arith.addf %add3A_32, %add3A_36 : vector<32x4096xf32>
    %max3A = arith.constant 0.000000e+00 : f32
    %max3A_38 = vector.broadcast %max3A : f32 to vector<32x4096xf32>
    %max3A_39 = arith.maximumf %add3A_37, %max3A_38 : vector<32x4096xf32>
    %get3A_40 = arith.constant 0 : index
    %get3A_41 = arith.constant 0 : index
    %get3A_42 = vector.load %arg6[%get3A_40, %get3A_41] : memref<32x32xf32, #tpu.memory_space<vmem>>, vector<32x32xf32>
    %dot_general3A_43 = arith.constant dense<0.000000e+00> : vector<32x4096xf32>
    %dot_general3A_44 = tpu.matmul %get3A_42, %max3A_39, %dot_general3A_43 {dimension_numbers = #tpu.dot_dimension_numbers<[1], [0], [0], [1], [0, 0, 1, 1], [], []>, transpose_lhs_hint = false} : vector<32x32xf32>, vector<32x4096xf32>, vector<32x4096xf32> -> vector<32x4096xf32>
    %get3A_45 = arith.constant 0 : index
    %get3A_46 = arith.constant 0 : index
    %get3A_47 = vector.load %arg7[%get3A_45, %get3A_46] : memref<32x1xf32, #tpu.memory_space<vmem>>, vector<32x1xf32>
    %add3A_48 = vector.broadcast %get3A_47 : vector<32x1xf32> to vector<32x4096xf32>
    %add3A_49 = arith.addf %dot_general3A_44, %add3A_48 : vector<32x4096xf32>
    %swap3A = arith.constant 0 : index
    %swap3A_50 = arith.constant 0 : index
    %swap3A_51 = arith.constant 0 : index
    %swap3A_52 = vector.load %arg8[%swap3A, %swap3A_50, %swap3A_51] : memref<1x32x4096xf32, #tpu.memory_space<vmem>>, vector<1x32x4096xf32>
    %swap3A_53 = vector.shape_cast %swap3A_52 : vector<1x32x4096xf32> to vector<32x4096xf32>
    %swap3A_54 = vector.shape_cast %add3A_49 : vector<32x4096xf32> to vector<1x32x4096xf32>
    tpu.vector_store %arg8[%swap3A, %swap3A_50, %swap3A_51], %swap3A_54 {strides = array<i32>} : memref<1x32x4096xf32, #tpu.memory_space<vmem>>, vector<1x32x4096xf32>,
    return
  }
  func.func @transform_0(%arg0: i32) -> (i32, i32, i32) {
    %c0_i32 = arith.constant 0 : i32
    %c0_i32_0 = arith.constant 0 : i32
    %c0_i32_1 = arith.constant 0 : i32
    return %arg0, %c0_i32, %c0_i32_0 : i32, i32, i32
  }
  func.func @transform_1(%arg0: i32) -> (i32, i32, i32) {
    %c0_i32 = arith.constant 0 : i32
    %c0_i32_0 = arith.constant 0 : i32
    %c0_i32_1 = arith.constant 0 : i32
    return %arg0, %c0_i32, %c0_i32_0 : i32, i32, i32
  }
  func.func @transform_2(%arg0: i32) -> (i32, i32, i32) {
    %c0_i32 = arith.constant 0 : i32
    %c0_i32_0 = arith.constant 0 : i32
    %c0_i32_1 = arith.constant 0 : i32
    return %arg0, %c0_i32, %c0_i32_0 : i32, i32, i32
  }
  func.func @transform_3(%arg0: i32) -> (i32, i32) {
    %c0_i32 = arith.constant 0 : i32
    %c0_i32_0 = arith.constant 0 : i32
    %c0_i32_1 = arith.constant 0 : i32
    return %c0_i32, %c0_i32_0 : i32, i32
  }
  func.func @transform_4(%arg0: i32) -> (i32, i32) {
    %c0_i32 = arith.constant 0 : i32
    %c0_i32_0 = arith.constant 0 : i32
    %c0_i32_1 = arith.constant 0 : i32
    return %c0_i32, %c0_i32_0 : i32, i32
  }
  func.func @transform_5(%arg0: i32) -> (i32, i32) {
    %c0_i32 = arith.constant 0 : i32
    %c0_i32_0 = arith.constant 0 : i32
    %c0_i32_1 = arith.constant 0 : i32
    return %c0_i32, %c0_i32_0 : i32, i32
  }
  func.func @transform_6(%arg0: i32) -> (i32, i32) {
    %c0_i32 = arith.constant 0 : i32
    %c0_i32_0 = arith.constant 0 : i32
    %c0_i32_1 = arith.constant 0 : i32
    return %c0_i32, %c0_i32_0 : i32, i32
  }
  func.func @transform_7(%arg0: i32) -> (i32, i32, i32) {
    %c0_i32 = arith.constant 0 : i32
    %c0_i32_0 = arith.constant 0 : i32
    %c0_i32_1 = arith.constant 0 : i32
    return %arg0, %c0_i32, %c0_i32_0 : i32, i32, i32
  }
}

</mosaic_0001>

<sc_bundles>
// kernel: kernel.5.cloned.1.call-start
scs
__scs_entry_jumppad:
0x0: {  	(pc) =	sbr.rel $0x88, $3  }
0x1: {  	(tag) =	ssettag $0x0;
	lr =	simm.s32 $0x1  }
0x2: {  	[smem:$0x3F96] =	sst lr;
	_ =	strace $0xD0000000  }
0x3: {  	_ = 	snop  }
0x4: {  	_ = 	snop  }
0x5: {  	_ = 	snop  }
0x6: {  	_ = 	snop  }
0x7: {  	_ = 	snop  }
__scs_overlays_trampoline_lowered:
0x8: {  	[smem:$0x3FA5] =	sst s0  }
0x9: {  	[smem:$0x3FA6] =	sst s1  }
0xa: {  	[smem:$0x3FA7] =	sst s2  }
0xb: {  	[smem:$0x3FA8] =	sst s3  }
0xc: {  	[smem:$0x3FA9] =	sst s4  }
0xd: {  	[smem:$0x3FAA] =	sst s5  }
0xe: {  	[smem:$0x3FAB] =	sst s6  }
0xf: {  	[smem:$0x3FAC] =	sst s7  }
0x10: {  	[smem:$0x3FAD] =	sst s8  }
0x11: {  	[smem:$0x3FAE] =	sst s9;
	s0 =	simm.s32 @!p0 $0x0  }
0x12: {  	s1 =	sld [smem:$0x3F94];
	s0 =	simm.s32 @p0 $0x1  }
0x13: {  	[smem:$0x3FAF] =	sst s0;
	s0 =	simm.s32 @!p1 $0x0  }
0x14: {  	s2 =	sld [smem:$0x3F93];
	s0 =	simm.s32 @p1 $0x1  }
0x15: {  	[smem:$0x3FB0] =	sst s0;
	s0 =	simm.s32 @!p2 $0x0  }
0x16: {  	s3 =	sld [smem:$0x3FDB];
	s0 =	simm.s32 @p2 $0x1  }
0x17: {  	s4 =	simm.s32 $0x1BF5;
	[smem:$0x3FB2] =	sst s0  }
0x18: {  	s0 =	sld [smem:$0x3F95];
	_ =	swait.ge [sflag:s4], $0x0  }
0x19: {  	s7 =	sld [smem:$0x3F96]  }
0x1a: {  	s8 =	sadd.s32 $0xFFFFE003, lr  }
0x1b: {  	s9 =	sadd.s32 $0xFFFFFEF7, lr;
	s5 =	simm.s32 $0xFFFFFFFF;
	p2 =	slt.u32 s8, $0xFFFFF086  }
0x1c: {  	p1 =	slt.u32 s9, $0xF7A;
	s5 =	simm.s32 @!p2 $0x0  }
0x1d: {  	s5 =	simm.s32 @p1 $0x1;
	p0 =	seq.s32 s7, s2  }
0x1e: {  	s7 =	smul.u32 @!p0 $0xF7A, s2;
	p2 =	seq.s32 @!p0 s5, $0x0  }
0x1f: {  	s9 =	smul.u32 $0xF7A, s1;
	s8 =	simm.s32 @!p0 $0x1BF5;
	p2 =	por !p2, p0  }
0x20: {  	[sflag:s8] =	ssyncset.s32 @!p0 $0xFFFFF086;
	s6 =	sadd.s32 @!p0 s3, s7;
	s7 =	simm.s32 @!p0 $0x108  }
0x21: {  	s3 =	sadd.s32 s3, s9;
	s6 =	sadd.s32 @!p0 $0x88, s6;
	s7 =	simm.s32 @p2 $0x1082  }
0x22: {  	[simem:s7], [sflag:s8] =	dma.local @!p0 [hbm:s6], $0xF7A  }
0x23: {  	s9 =	sor.u32 $0xD0000000, s2;
	s6 =	simm.s32 $0x108;
	_ =	swait.ge @!p0 [sflag:s8], $0x0  }
0x24: {  	s3 =	sadd.s32 $0x88, s3;
	s6 =	simm.s32 @!p1 $0x1082;
	[sflag:s4] =	ssyncset.s32 $0xFFFFF086  }
0x25: {  	[simem:s6], [sflag:s4] =	dma.local [hbm:s3], $0xF7A  }
0x26: {  	[smem:$0x3F96] =	sst s1;
	(tag) =	ssettag s2;
	_ =	strace s9  }
0x27: {  	s1 =	sld [smem:$0x3FA6]  }
0x28: {  	s2 =	sld [smem:$0x3FA7]  }
0x29: {  	s4 =	sld [smem:$0x3FA9]  }
0x2a: {  	p0 =	seq.s32 s5, $0x0;
	s5 =	sld [smem:$0x3FAA]  }
0x2b: {  	s6 =	sld [smem:$0x3FAB]  }
0x2c: {  	s7 =	sld [smem:$0x3FAC]  }
0x2d: {  	s3 =	simm.s32 $0x108;
	s8 =	sld [smem:$0x3FAD]  }
0x2e: {  	s3 =	simm.s32 @!p0 $0x1082;
	s9 =	sld [smem:$0x3FAE]  }
0x2f: {  	lr =	sadd.s32 s0, s3;
	s0 =	sld [smem:$0x3FA5]  }
0x30: {  	s3 =	sld [smem:$0x3FA8]  }
0x31: {  	[smem:$0x3FB1] =	sst s10  }
0x32: {  	s10 =	sld [smem:$0x3FAF];
	_ =	sdelay $0x3  }
0x33: {  	p0 =	seq.s32 s10, $0x1;
	s10 =	sld [smem:$0x3FB1];
	_ =	sdelay $0x3  }
0x34: {  	[smem:$0x3FB1] =	sst s10  }
0x35: {  	s10 =	sld [smem:$0x3FB0];
	_ =	sdelay $0x3  }
0x36: {  	p1 =	seq.s32 s10, $0x1;
	s10 =	sld [smem:$0x3FB1];
	_ =	sdelay $0x3  }
0x37: {  	[smem:$0x3FB1] =	sst s10  }
0x38: {  	s10 =	sld [smem:$0x3FB2]  }
0x39: {  	_ = 	snop;
	(pc) =	sbr.ind lr, $3  }
0x3a: {  	_ = 	snop  }
0x3b: {  	_ = 	snop  }
0x3c: {  	p2 =	seq.s32 s10, $0x1;
	s10 =	sld [smem:$0x3FB1]  }
0x3d: {  	_ =	shalt  }
0x3e: {  	_ =	shalt  }
0x3f: {  	_ =	shalt  }
0x40: {  	_ =	shalt  }
0x41: {  	_ =	shalt  }
0x42: {  	_ =	shalt  }
0x43: {  	_ =	shalt  }
0x44: {  	_ =	shalt  }
0x45: {  	_ =	shalt  }
0x46: {  	_ =	shalt  }
0x47: {  	_ =	shalt  }
0x48: {  	_ =	shalt  }
0x49: {  	_ =	shalt  }
0x4a: {  	_ =	shalt  }
0x4b: {  	_ =	shalt  }
0x4c: {  	_ =	shalt  }
0x4d: {  	_ =	shalt  }
0x4e: {  	_ =	shalt  }
0x4f: {  	_ =	shalt  }
0x50: {  	_ =	shalt  }
0x51: {  	_ =	shalt  }
0x52: {  	_ =	shalt  }
0x53: {  	_ =	shalt  }
0x54: {  	_ =	shalt  }
0x55: {  	_ =	shalt  }
0x56: {  	_ =	shalt  }
0x57: {  	_ =	shalt  }
0x58: {  	_ =	shalt  }
0x59: {  	_ =	shalt  }
0x5a: {  	_ =	shalt  }
0x5b: {  	_ =	shalt  }
0x5c: {  	_ =	shalt  }
0x5d: {  	_ =	shalt  }
0x5e: {  	_ =	shalt  }
0x5f: {  	_ =	shalt  }
0x60: {  	_ =	shalt  }
0x61: {  	_ =	shalt  }
0x62: {  	_ =	shalt  }
0x63: {  	_ =	shalt  }
0x64: {  	_ =	shalt  }
0x65: {  	_ =	shalt  }
0x66: {  	_ =	shalt  }
0x67: {  	_ =	shalt  }
0x68: {  	_ =	shalt  }
0x69: {  	_ =	shalt  }
0x6a: {  	_ =	shalt  }
0x6b: {  	_ =	shalt  }
0x6c: {  	_ =	shalt  }
0x6d: {  	_ =	shalt  }
0x6e: {  	_ =	shalt  }
0x6f: {  	_ =	shalt  }
0x70: {  	_ =	shalt  }
0x71: {  	_ =	shalt  }
0x72: {  	_ =	shalt  }
0x73: {  	_ =	shalt  }
0x74: {  	_ =	shalt  }
0x75: {  	_ =	shalt  }
0x76: {  	_ =	shalt  }
0x77: {  	_ =	shalt  }
0x78: {  	_ =	shalt  }
0x79: {  	_ =	shalt  }
0x7a: {  	_ =	shalt  }
0x7b: {  	_ =	shalt  }
0x7c: {  	_ =	shalt  }
0x7d: {  	_ =	shalt  }
0x7e: {  	_ =	shalt  }
0x7f: {  	_ =	shalt  }
0x80: {  	_ =	shalt  }
0x81: {  	_ =	shalt  }
0x82: {  	_ =	shalt  }
0x83: {  	_ =	shalt  }
0x84: {  	_ =	shalt  }
0x85: {  	_ =	shalt  }
0x86: {  	_ =	shalt  }
0x87: {  	_ =	shalt  }
.Lfunc_end0:
.L_simem_size_0:
called_computation.2_lowered:
.L_overlay_start_0:
0x88: {  	s2 =	sld [smem:$0x3FD9]  }
0x89: {  	s3 =	sld [smem:$0x3FFE];
	_ =	sdelay $0x1  }
0x8a: {  	s1 =	srdreg.scid  }
0x8b: {  	s0 =	sand.u32 $0x1, s1  }
0x8c: {  	s17 =	sshll.u32 s0, $0xA;
	s2 =	sadd.s32 s3, s2  }
0x8d: {  	s2 =	sadd.s32 s2, s17  }
0x8e: {  	[smem:$0x3FBD] =	sst s2  }
0x8f: {  	_ = 	snop  }
0x90: {  	s2 =	sld [smem:$0x3FD0];
	(tm) =	ssettm $0x1  }
0x91: {  	s18 =	sld [smem:$0x3FFB];
	_ =	sdelay $0x3  }
0x92: {  	_ =	strace s18  }
0x93: {  	s3 =	sld [smem:$0x3FFC];
	_ =	sdelay $0x3  }
0x94: {  	_ =	strace s3  }
0x95: {  	s3 =	sld [smem:$0x3FFD];
	_ =	sdelay $0x3  }
0x96: {  	_ =	strace s3  }
0x97: {  	_ =	strace $0x8FFFFFFF  }
0x98: {  	s19 =	sld [smem:$0x3FDB];
	_ =	sdelay $0x1  }
0x99: {  	s4 =	simm.s32 $_scs_section_size  }
0x9a: {  	s5 =	simm.s32 $_size__tile_overlayer_lowered;
	s6 =	simm.s32 $_tile_overlayer_lowered  }
0x9b: {  	s22 =	simm.s32 $0x1BFF;
	s21 =	sshll.u32 s6, $0x1;
	s3 =	sadd.s32 s4, s19  }
0x9c: {  	s7 =	simm.s32 $0x0;
	s20 =	sshll.u32 s5, $0x1;
	s5 =	sadd.s32 s21, s3  }
0x9d: {  	[timem:s7], [sflag:s22] =	dma.local [hbm:s5], s20  }
0x9e: {  	_ =	swait.ge [sflag:s22], s20  }
0x9f: {  	s4 =	ssub.s32 $0x0, s20;
	[sflag:s22] =	ssyncset.done $0x0  }
0xa0: {  	[sflag:s22] =	ssyncadd.s32 s4;
	_ =	sdelay $0x1  }
0xa1: {  	s23 =	simm.s32 $0x1B8B  }
0xa2: {  	_ =	swait.ge [sflag:s23], $0x1  }
0xa3: {  	[sflag:s23] =	ssyncset.done $0x0  }
0xa4: {  	s25 =	simm.s32 $0x1B8E;
	s24 =	sld [smem:$0x3FFE];
	[sflag:s23] =	ssyncadd.s32 $0xFFFFFFFF  }
0xa5: {  	s26 =	simm.s32 $execute0_lowered;
	[smem:$0x3FD2] =	sst s25  }
0xa6: {  	s5 =	sshll.u32 s26, $0x1;
	_ =	strace $0x80000046;
	[dreg:$0x1] =	wrdreg $0xFFFFFFFF  }
0xa7: {  	s28 =	simm.s32 $_size_execute0_lowered;
	s3 =	sadd.s32 s3, s5;
	[dreg:$0x0] =	wrdreg $0x0  }
0xa8: {  	s5 =	sshll.u32 s28, $0x1;
	[dreg:$0x2] =	wrdreg s3  }
0xa9: {  	[dreg:$0x3] =	wrdreg s5  }
0xaa: {  	[dreg:$0x4] =	wrdreg $0xC0  }
0xab: {  	_ =	task [dreg:s7], $0x5FFFF  }
0xac: {  	[dreg:$0x1] =	wrdreg $0xFFFFFFFF  }
0xad: {  	[dreg:$0x0] =	wrdreg $0x60  }
0xae: {  	[dreg:$0x2] =	wrdreg s24  }
0xaf: {  	[dreg:$0x3] =	wrdreg s2  }
0xb0: {  	[dreg:$0x4] =	wrdreg $0x9  }
0xb1: {  	_ =	task.clear_ibuf [dreg:s7], $0x5FFFF;
	_ =	strace $0x90000046  }
0xb2: {  	s29 =	simm.s32 $0x9;
	_ =	strace $0x80000048  }
0xb3: {  	_ =	swait.ge [sflag:s29], $0x1  }
0xb4: {  	[sflag:s29] =	ssyncadd.s32 $0xFFFFFFFF  }
0xb5: {  	_ =	strace $0x90000048  }
0xb6: {  	_ =	sfence  }
0xb7: {  	s30 =	sld [smem:$0x0];
	_ =	sdelay $0x2  }
0xb8: {  	s31 =	sshll.u32 s1, $0xD;
	s1 =	sshrl.u32 s1, $0x2  }
0xb9: {  	s3 =	sand.u32 $0x4000, s31;
	s1 =	sadd.s32 s1, s30  }
0xba: {  	s0 =	sor.u32 s3, s0;
	s1 =	sshll.u32 s1, $0x11  }
0xbb: {  	s0 =	sor.u32 s1, s0  }
0xbc: {  	s0 =	sadd.s32 $0x8F2B, s0  }
0xbd: {  	[sflag:s0] =	ssyncadd.remote.s32 $0x1  }
0xbe: {  	_ =	sfence.sel $0xFFFF  }
0xbf: {  	[dreg:$0x0] =	wrdreg $0xFFFFFFFF;
	(pc) =	sbr.abs _section_cstart, $3  }
0xc0: {  	[dreg:$0x1] =	wrdreg $0xFFFFFFFF  }
0xc1: {  	_ =	task.clear_ibuf [dreg:s7], $0x2FFFF;
	_ =	strace $0x9FFFFFFF  }
0xc2: {  	(tm) =	ssettm $0x7FFFFFFF  }
0xc3: {  	_ =	shalt  }
tec
execute0_lowered:
.L_overlay_start_1:
0x0: {  	(tag) =	ssettag $0x1  }
0x1: {  	s1 =	srdreg.scid;
	s0 =	stileid.u32  }
0x2: {  	s1 =	sand.u32 $0x1, s1;
	s2 =	smul.u32 $0xC800, s0  }
0x3: {  	s3 =	smul.u32 $0x6400, s1  }
0x4: {  	s5 =	rddreg [dreg:$0x0]  }
0x5: {  	s6 =	rddreg [dreg:$0x1];
	s3 =	sadd.s32 s3, s2;
	s2 =	simm.s32 $0x0  }
0x6: {  	s10 =	simm.s32 $0x400;
	[smem:$0x7FF] =	sst s2  }
0x7: {  	s11 =	simm.s32 $0x800;
	_ =	strace $0x80000047;
	[dreg:$0x6] =	wrdreg s10  }
0x8: {  	s13 =	simm.s32 $0xC00;
	[dreg:$0x7] =	wrdreg s11  }
0x9: {  	s14 =	simm.s32 $0x1800;
	s15 =	simm.s32 $0xC80;
	[dreg:$0x8] =	wrdreg s13  }
0xa: {  	s17 =	simm.s32 $0x5800;
	s8 =	smul.u32 $0x19000, s0;
	[dreg:$0x9] =	wrdreg s14  }
0xb: {  	s12 =	ssub.s32 $0x2, s1;
	s1 =	smul.u32 $0xC800, s1;
	[dreg:$0xa] =	wrdreg s15  }
0xc: {  	s18 =	simm.s32 $0x100;
	s6 =	sadd.s32 s8, s6;
	[dreg:$0xb] =	wrdreg s17  }
0xd: {  	s20 =	sadd.s32 s1, s6;
	[dreg:$0xc] =	wrdreg s18  }
0xe: {  	s19 =	simm.s32 $0x2000;
	[dreg:$0x16] =	wrdreg s20  }
0xf: {  	s21 =	simm.s32 $0xD00;
	s22 =	simm.s32 $0x6000;
	[dreg:$0xd] =	wrdreg s19  }
0x10: {  	s24 =	simm.s32 $0x180;
	s25 =	simm.s32 $0x2800;
	[dreg:$0xe] =	wrdreg s21  }
0x11: {  	s26 =	simm.s32 $0xD80;
	s30 =	simm.s32 $0x6800;
	[dreg:$0xf] =	wrdreg s22  }
0x12: {  	s28 =	simm.s32 $0x1;
	s3 =	sshrl.u32 s3, $0x3;
	[dreg:$0x10] =	wrdreg s24  }
0x13: {  	s29 =	simm.s32 $0x0;
	s4 =	sadd.s32 s3, s5;
	[dreg:$0x11] =	wrdreg s25  }
0x14: {  	s3 =	sadd.s32 $0x2800, s5;
	s10 =	sshrl.u32 s12, $0x1;
	[dreg:$0x12] =	wrdreg s26  }
0x15: {  	s11 =	simm.s32 $0x5000;
	[dreg:$0x13] =	wrdreg s30;
	s13 =	simm.s32 $0xE00  }
0x16: {  	s14 =	simm.s32 $0x7000;
	s15 =	simm.s32 $0x280;
	s17 =	simm.s32 $0xE80  }
0x17: {  	s18 =	simm.s32 $0x7800;
	s19 =	simm.s32 $0x300;
	s20 =	simm.s32 $0x4000  }
0x18: {  	s21 =	simm.s32 $0xF00;
	s22 =	simm.s32 $0x8000;
	s7 =	sadd.s32 $0x38800, s4  }
0x19: {  	s24 =	simm.s32 $0x4800;
	s31 =	sadd.s32 $0x51800, s4;
	[dreg:$0x3] =	wrdreg s7  }
0x1a: {  	s25 =	simm.s32 $0xF80;
	s9 =	sadd.s32 $0x6A800, s4;
	[dreg:$0x4] =	wrdreg s31  }
0x1b: {  	s26 =	simm.s32 $0x8800;
	s4 =	sadd.s32 $0x34800, s5;
	[dreg:$0x5] =	wrdreg s9  }
0x1c: {  	s9 =	sadd.s32 s8, s5;
	s7 =	ssub.s32 s12, s10;
	s8 =	simm.s32 $0x2  }
0x1d: {  	s10 =	simm.s32 $0x1000;
	s31 =	simm.s32 $0x200;
	s12 =	simm.s32 $0x3000  }
0x1e: {  	s16 =	smax.u32 s7, $0x1;
	s1 =	sadd.s32 s1, s9;
	[dreg:$0x14] =	wrdreg s31  }
0x1f: {  	s9 =	simm.s32 $0x80;
	[dreg:$0x15] =	wrdreg s16;
	s23 =	sadd.s32 $0x83800, s1  }
0x20: {  	s16 =	simm.s32 $0x3800;
	[dreg:$0x17] =	wrdreg s23;
	s23 =	simm.s32 $0x380  }
.LBB2_1:
0x21: {  	s30 =	rddreg [dreg:$0x17]  }
0x22: {  	s31 =	rddreg [dreg:$0x16];
	s1 =	simm.s32 $0x0  }
.LBB2_2:
0x23: {  	s0 =	rddreg [dreg:$0x5]  }
0x24: {  	s0 =	sadd.s32 s1, s0  }
0x25: {  	[tilespmem:s2], [sflag:$0x2] =	stream.linear.gather [hbm4b:s0+s2], $0x400, $0x38;
	[tilespmem:$0x9000] =	vst v63  }
0x26: {  	_ =	swait.ge [sflag:s8], $0x400  }
0x27: {  	s7 =	rddreg [dreg:$0x4];
	[sflag:s8] =	ssyncset.done $0x0  }
0x28: {  	s5 =	rddreg [dreg:$0x6];
	[sflag:s8] =	ssyncadd.s32 $0xFFFFFC00;
	s0 =	sadd.s32 s1, s7  }
0x29: {  	[tilespmem:s5], [sflag:$0x2] =	stream.linear.gather [hbm4b:s0+s2], $0x400, $0x38;
	[tilespmem:$0x9000] =	vst v63  }
0x2a: {  	_ =	swait.ge [sflag:s8], $0x400  }
0x2b: {  	s5 =	rddreg [dreg:$0x3];
	[sflag:s8] =	ssyncset.done $0x0  }
0x2c: {  	s6 =	rddreg [dreg:$0x7];
	[sflag:s8] =	ssyncadd.s32 $0xFFFFFC00;
	s0 =	sadd.s32 s1, s5  }
0x2d: {  	[tilespmem:s6], [sflag:$0x2] =	stream.linear.gather [hbm4b:s0+s2], $0x400, $0x38;
	[tilespmem:$0x9000] =	vst v63  }
0x2e: {  	_ =	swait.ge [sflag:s8], $0x400  }
0x2f: {  	[sflag:s8] =	ssyncset.done $0x0  }
0x30: {  	[sflag:s8] =	ssyncadd.s32 $0xFFFFFC00  }
0x31: {  	v2 =	vld [tilespmem:$0x400]  }
0x32: {  	v0 =	vld [tilespmem:$0x800]  }
0x33: {  	v3 =	vld [tilespmem:$0x410]  }
0x34: {  	v4 =	vld [tilespmem:$0x810]  }
0x35: {  	v7 =	vld [tilespmem:$0x420]  }
0x36: {  	v8 =	vld [tilespmem:$0x820]  }
0x37: {  	v9 =	vld [tilespmem:$0x430]  }
0x38: {  	v10 =	vld [tilespmem:$0x830]  }
0x39: {  	v14 =	vld [tilespmem:$0x440]  }
0x3a: {  	v15 =	vld [tilespmem:$0x840]  }
0x3b: {  	v16 =	vld [tilespmem:$0x450]  }
0x3c: {  	v17 =	vld [tilespmem:$0x850]  }
0x3d: {  	v18 =	vld [tilespmem:$0x460]  }
0x3e: {  	v19 =	vld [tilespmem:$0x860]  }
0x3f: {  	v20 =	vld [tilespmem:$0x470]  }
0x40: {  	v21 =	vld [tilespmem:$0x870]  }
0x41: {  	v22 =	vld [tilespmem:$0x480]  }
0x42: {  	v23 =	vld [tilespmem:$0x880]  }
0x43: {  	v24 =	vld [tilespmem:$0x490]  }
0x44: {  	v25 =	vld [tilespmem:$0x890]  }
0x45: {  	v26 =	vld [tilespmem:$0x4A0]  }
0x46: {  	v27 =	vld [tilespmem:$0x8A0]  }
0x47: {  	v28 =	vld [tilespmem:$0x4B0]  }
0x48: {  	v29 =	vld [tilespmem:$0x8B0]  }
0x49: {  	v30 =	vld [tilespmem:$0x4C0]  }
0x4a: {  	v31 =	vld [tilespmem:$0x8C0]  }
0x4b: {  	v32 =	vld [tilespmem:$0x4D0]  }
0x4c: {  	v33 =	vld [tilespmem:$0x8D0]  }
0x4d: {  	v34 =	vld [tilespmem:$0x4E0]  }
0x4e: {  	v35 =	vld [tilespmem:$0x8E0]  }
0x4f: {  	v36 =	vld [tilespmem:$0x4F0]  }
0x50: {  	v37 =	vld [tilespmem:$0x8F0]  }
0x51: {  	v38 =	vld [tilespmem:$0x500]  }
0x52: {  	v39 =	vld [tilespmem:$0x900]  }
0x53: {  	v40 =	vld [tilespmem:$0x510]  }
0x54: {  	v41 =	vld [tilespmem:$0x910]  }
0x55: {  	v42 =	vld [tilespmem:$0x520]  }
0x56: {  	v43 =	vld [tilespmem:$0x920]  }
0x57: {  	v44 =	vld [tilespmem:$0x530]  }
0x58: {  	v45 =	vld [tilespmem:$0x930]  }
0x59: {  	v46 =	vld [tilespmem:$0x540]  }
0x5a: {  	v47 =	vld [tilespmem:$0x940]  }
0x5b: {  	v11 =	vld [tilespmem:$0x550]  }
0x5c: {  	v48 =	vld [tilespmem:$0x950]  }
0x5d: {  	v12 =	vld [tilespmem:$0x560]  }
0x5e: {  	v49 =	vld [tilespmem:$0x960]  }
0x5f: {  	v1 =	vld [tilespmem:$0x570]  }
0x60: {  	v5 =	vld [tilespmem:$0x970]  }
0x61: {  	v6 =	vld [tilespmem:$0x980];
	vm0 =	vgt.s32 v0, $0x0;
	vm13 =	vgt.s32 v4, $0x0;
	v2 =	vshll.u32 v2, $0x3  }
0x62: {  	v3 =	vshll.u32 v3, $0x3;
	vm14 =	vgt.s32 v8, $0x0;
	v56 =	vshll.u32 v9, $0x3;
	v9 =	vld [tilespmem:$0x9A0]  }
0x63: {  	v54 =	vshll.u32 v7, $0x3;
	vm15 =	vgt.s32 v10, $0x0;
	v60 =	vshll.u32 v16, $0x3;
	v16 =	vld [tilespmem:$0x9B0]  }
0x64: {  	vm4 =	vgt.s32 v15, $0x0;
	v58 =	vshll.u32 v14, $0x3;
	vm5 =	vgt.s32 v17, $0x0;
	v7 =	vld [tilespmem:$0x5E0]  }
0x65: {  	vm6 =	vgt.s32 v19, $0x0;
	vm7 =	vgt.s32 v21, $0x0;
	v13 =	vnsel vm0, $0x0, v0;
	v0 =	vld [tilespmem:$0x580]  }
0x66: {  	v62 =	vshll.u32 v18, $0x3;
	vm8 =	vgt.s32 v23, $0x0;
	v55 =	vnsel vm15, $0x0, v10;
	v10 =	vld [tilespmem:$0x5C0]  }
0x67: {  	vm9 =	vgt.s32 v25, $0x0;
	v4 =	vnsel vm13, $0x0, v4;
	v53 =	vnsel vm14, $0x0, v8;
	v8 =	vld [tilespmem:$0x5D0]  }
0x68: {  	vm10 =	vgt.s32 v27, $0x0;
	v24 =	vshll.u32 v24, $0x3;
	v51 =	vadd.s32 v3, v4;
	v4 =	vld [tilespmem:$0x590]  }
0x69: {  	v26 =	vshll.u32 v26, $0x3;
	vm11 =	vgt.s32 v29, $0x0;
	v50 =	vadd.s32 v2, v13;
	v13 =	vld [tilespmem:$0x990]  }
0x6a: {  	v28 =	vshll.u32 v28, $0x3;
	vm12 =	vgt.s32 v31, $0x0;
	v30 =	vshll.u32 v30, $0x3;
	v3 =	vld [tilespmem:$0x5A0]  }
0x6b: {  	v32 =	vshll.u32 v32, $0x3;
	v34 =	vshll.u32 v34, $0x3;
	v36 =	vshll.u32 v36, $0x3;
	v2 =	vld [tilespmem:$0x5B0]  }
0x6c: {  	v38 =	vshll.u32 v38, $0x3;
	v52 =	vadd.s32 v54, v53;
	v53 =	vshll.u32 v20, $0x3;
	v20 =	vld [tilespmem:$0x9C0]  }
0x6d: {  	v57 =	vnsel vm4, $0x0, v15;
	v14 =	vadd.s32 v56, v55;
	v55 =	vshll.u32 v22, $0x3;
	v22 =	vld [tilespmem:$0x9D0]  }
0x6e: {  	v40 =	vshll.u32 v40, $0x3;
	v15 =	vadd.s32 v58, v57;
	v57 =	vnsel vm10, $0x0, v27;
	v27 =	vld [tilespmem:$0x9E0]  }
0x6f: {  	v59 =	vnsel vm5, $0x0, v17;
	v61 =	vnsel vm6, $0x0, v19;
	v56 =	vnsel vm9, $0x0, v25;
	v25 =	vld [tilespmem:$0x5F0]  }
0x70: {  	v63 =	vnsel vm7, $0x0, v21;
	vm13 =	vgt.s32 v33, $0x0;
	v58 =	vnsel vm11, $0x0, v29;
	v29 =	vld [tilespmem:$0x9F0]  }
0x71: {  	vm14 =	vgt.s32 v35, $0x0;
	v17 =	vadd.s32 v60, v59;
	v59 =	vnsel vm12, $0x0, v31;
	v31 =	vld [tilespmem:$0x600]  }
0x72: {  	vm15 =	vgt.s32 v37, $0x0;
	vm4 =	vgt.s32 v39, $0x0;
	v60 =	vnsel vm14, $0x0, v35;
	v35 =	vld [tilespmem:$0xA10]  }
0x73: {  	vm5 =	vgt.s32 v41, $0x0;
	v21 =	vadd.s32 v62, v61;
	v61 =	vnsel vm15, $0x0, v37;
	v37 =	vld [tilespmem:$0x620]  }
0x74: {  	v54 =	vnsel vm8, $0x0, v23;
	v33 =	vnsel vm13, $0x0, v33;
	v62 =	vnsel vm5, $0x0, v41;
	v41 =	vld [tilespmem:$0xA30]  }
0x75: {  	v18 =	vadd.s32 v53, v63;
	v23 =	vadd.s32 v24, v56;
	v24 =	vadd.s32 v26, v57;
	v53 =	vld [tilespmem:$0xA00]  }
0x76: {  	v26 =	vadd.s32 v28, v58;
	v28 =	vadd.s32 v30, v59;
	v30 =	vadd.s32 v32, v33;
	v32 =	vld [tilespmem:$0x610]  }
0x77: {  	vm6 =	vgt.s32 v43, $0x0;
	v39 =	vnsel vm4, $0x0, v39;
	v19 =	vadd.s32 v55, v54;
	v54 =	vld [tilespmem:$0xA20]  }
0x78: {  	v33 =	vadd.s32 v34, v60;
	v34 =	vadd.s32 v36, v61;
	v36 =	vadd.s32 v38, v39;
	v38 =	vld [tilespmem:$0x630];
	[tilespmem:$0xC00] =	vst v50  }
0x79: {  	v42 =	vshll.u32 v42, $0x3;
	v44 =	vshll.u32 v44, $0x3;
	[tilespmem:$0xC10] =	vst v51;
	v63 =	vnsel vm6, $0x0, v43;
	v43 =	vld [tilespmem:$0x640]  }
0x7a: {  	v11 =	vshll.u32 v11, $0x3;
	v12 =	vshll.u32 v12, $0x3;
	vm7 =	vgt.s32 v45, $0x0;
	[tilespmem:$0xC20] =	vst v52;
	v50 =	vld [tilespmem:$0xA40]  }
0x7b: {  	v1 =	vshll.u32 v1, $0x3;
	v45 =	vnsel vm7, $0x0, v45;
	vm8 =	vgt.s32 v47, $0x0;
	[tilespmem:$0xC30] =	vst v14;
	v55 =	vld [tilespmem:$0xA50]  }
0x7c: {  	vm9 =	vgt.s32 v48, $0x0;
	v39 =	vadd.s32 v40, v62;
	v40 =	vadd.s32 v44, v45;
	[tilespmem:$0xC40] =	vst v15;
	v44 =	vld [tilespmem:$0x660]  }
0x7d: {  	vm10 =	vgt.s32 v49, $0x0;
	vm11 =	vgt.s32 v5, $0x0;
	vm12 =	vgt.s32 v6, $0x0;
	[tilespmem:$0xC50] =	vst v17;
	v58 =	vld [tilespmem:$0xA60]  }
0x7e: {  	v51 =	vnsel vm8, $0x0, v47;
	v52 =	vshll.u32 v46, $0x3;
	v56 =	vnsel vm9, $0x0, v48;
	[tilespmem:$0xC60] =	vst v21;
	v17 =	vld [tilespmem:$0x670]  }
0x7f: {  	v57 =	vnsel vm10, $0x0, v49;
	v5 =	vnsel vm11, $0x0, v5;
	v59 =	vnsel vm12, $0x0, v6;
	v6 =	vld [tilespmem:$0x680];
	[tilespmem:$0xC70] =	vst v18  }
0x80: {  	v21 =	vld [tilespmem:$0xAA0];
	v14 =	vadd.s32 v42, v63;
	v15 =	vadd.s32 v52, v51;
	v11 =	vadd.s32 v11, v56;
	[tilespmem:$0xC80] =	vst v19  }
0x81: {  	v45 =	vld [tilespmem:$0x760];
	v12 =	vadd.s32 v12, v57;
	[tilespmem:$0xC90] =	vst v23;
	v1 =	vadd.s32 v1, v5;
	vm14 =	vgt.s32 v9, $0x0  }
0x82: {  	v42 =	vld [tilespmem:$0x650];
	[tilespmem:$0xCA0] =	vst v24;
	vm15 =	vgt.s32 v16, $0x0;
	v7 =	vshll.u32 v7, $0x3;
	v0 =	vshll.u32 v0, $0x3  }
0x83: {  	v18 =	vld [tilespmem:$0xA70];
	[tilespmem:$0xCB0] =	vst v26;
	v9 =	vnsel vm14, $0x0, v9;
	v60 =	vnsel vm15, $0x0, v16;
	v10 =	vshll.u32 v10, $0x3  }
0x84: {  	v19 =	vld [tilespmem:$0xA80];
	[tilespmem:$0xCC0] =	vst v28;
	v8 =	vshll.u32 v8, $0x3;
	vm13 =	vgt.s32 v13, $0x0;
	v4 =	vshll.u32 v4, $0x3  }
0x85: {  	v5 =	vld [tilespmem:$0x690];
	[tilespmem:$0xCD0] =	vst v30;
	v0 =	vadd.s32 v0, v59;
	v3 =	vshll.u32 v3, $0x3;
	vm4 =	vgt.s32 v20, $0x0  }
0x86: {  	[tilespmem:$0xCE0] =	vst v33;
	v23 =	vld [tilespmem:$0x6C0];
	v2 =	vshll.u32 v2, $0x3;
	vm5 =	vgt.s32 v22, $0x0;
	vm6 =	vgt.s32 v27, $0x0  }
0x87: {  	[tilespmem:$0xCF0] =	vst v34;
	v26 =	vld [tilespmem:$0xAD0];
	vm7 =	vgt.s32 v29, $0x0;
	v33 =	vshll.u32 v31, $0x3;
	vm9 =	vgt.s32 v35, $0x0  }
0x88: {  	[tilespmem:$0xD10] =	vst v39;
	v24 =	vld [tilespmem:$0x6E0];
	v39 =	vshll.u32 v37, $0x3;
	vm11 =	vgt.s32 v41, $0x0;
	v13 =	vnsel vm13, $0x0, v13  }
0x89: {  	[tilespmem:$0xD40] =	vst v15;
	v15 =	vld [tilespmem:$0x6F0];
	v3 =	vadd.s32 v3, v9;
	v20 =	vnsel vm4, $0x0, v20;
	v2 =	vadd.s32 v2, v60  }
0x8a: {  	[tilespmem:$0xD00] =	vst v36;
	v16 =	vld [tilespmem:$0x6A0];
	v62 =	vnsel vm5, $0x0, v22;
	v63 =	vnsel vm6, $0x0, v27;
	v28 =	vnsel vm7, $0x0, v29  }
0x8b: {  	[tilespmem:$0xD30] =	vst v40;
	v37 =	vld [tilespmem:$0xB40];
	v29 =	vshll.u32 v25, $0x3;
	vm8 =	vgt.s32 v53, $0x0;
	v34 =	vnsel vm9, $0x0, v35  }
0x8c: {  	[tilespmem:$0xD20] =	vst v14;
	v31 =	vld [tilespmem:$0xBB0];
	vm10 =	vgt.s32 v54, $0x0;
	v35 =	vshll.u32 v32, $0x3;
	v48 =	vnsel vm11, $0x0, v41  }
0x8d: {  	[tilespmem:$0xD50] =	vst v11;
	v22 =	vld [tilespmem:$0xAB0];
	v49 =	vshll.u32 v38, $0x3;
	vm12 =	vgt.s32 v50, $0x0;
	vm13 =	vgt.s32 v55, $0x0  }
0x8e: {  	[tilespmem:$0xD60] =	vst v12;
	v25 =	vld [tilespmem:$0xAC0];
	v51 =	vshll.u32 v43, $0x3;
	vm14 =	vgt.s32 v58, $0x0;
	v57 =	vshll.u32 v44, $0x3  }
0x8f: {  	[tilespmem:$0xD70] =	vst v1;
	v27 =	vld [tilespmem:$0x700];
	v6 =	vshll.u32 v6, $0x3;
	vm6 =	vgt.s32 v21, $0x0;
	v4 =	vadd.s32 v4, v13  }
0x90: {  	[tilespmem:$0xD80] =	vst v0;
	v32 =	vld [tilespmem:$0xB00];
	v61 =	vadd.s32 v10, v20;
	v8 =	vadd.s32 v8, v62;
	v7 =	vadd.s32 v7, v63  }
0x91: {  	v9 =	vld [tilespmem:$0x730];
	v14 =	vadd.s32 v29, v28;
	v30 =	vnsel vm8, $0x0, v53;
	v36 =	vnsel vm10, $0x0, v54;
	[tilespmem:$0xDA0] =	vst v3  }
0x92: {  	v43 =	vld [tilespmem:$0xB50];
	v40 =	vadd.s32 v35, v34;
	v0 =	vadd.s32 v49, v48;
	v50 =	vnsel vm12, $0x0, v50;
	[tilespmem:$0xDB0] =	vst v2  }
0x93: {  	v13 =	vld [tilespmem:$0xA90];
	v52 =	vnsel vm13, $0x0, v55;
	v53 =	vshll.u32 v42, $0x3;
	v56 =	vnsel vm14, $0x0, v58;
	[tilespmem:$0xD90] =	vst v4  }
0x94: {  	v10 =	vld [tilespmem:$0x6B0];
	vm15 =	vgt.s32 v18, $0x0;
	vm4 =	vgt.s32 v19, $0x0;
	v5 =	vshll.u32 v5, $0x3;
	[tilespmem:$0xDC0] =	vst v61  }
0x95: {  	v20 =	vld [tilespmem:$0x6D0];
	v42 =	vshll.u32 v23, $0x3;
	vm9 =	vgt.s32 v26, $0x0;
	v48 =	vshll.u32 v24, $0x3;
	[tilespmem:$0xDD0] =	vst v8  }
0x96: {  	v29 =	vld [tilespmem:$0xAE0];
	v11 =	vadd.s32 v33, v30;
	v47 =	vadd.s32 v39, v36;
	v54 =	vadd.s32 v51, v50;
	[tilespmem:$0xDE0] =	vst v7  }
0x97: {  	v28 =	vld [tilespmem:$0xAF0];
	v55 =	vadd.s32 v53, v52;
	v59 =	vadd.s32 v57, v56;
	v60 =	vnsel vm15, $0x0, v18;
	[tilespmem:$0xDF0] =	vst v14  }
0x98: {  	v58 =	vld [tilespmem:$0xB10];
	v61 =	vshll.u32 v17, $0x3;
	v62 =	vnsel vm4, $0x0, v19;
	[tilespmem:$0xE10] =	vst v40;
	v33 =	vnsel vm6, $0x0, v21  }
0x99: {  	v63 =	vld [tilespmem:$0xB20];
	[tilespmem:$0xE30] =	vst v0;
	v44 =	vnsel vm9, $0x0, v26;
	v15 =	vshll.u32 v15, $0x3;
	v35 =	vshll.u32 v16, $0x3  }
0x9a: {  	v34 =	vld [tilespmem:$0x740];
	v7 =	vadd.s32 v61, v60;
	v6 =	vadd.s32 v6, v62;
	[tilespmem:$0xE00] =	vst v11;
	v38 =	vadd.s32 v35, v33  }
0x9b: {  	v49 =	vld [tilespmem:$0xB60];
	[tilespmem:$0xE20] =	vst v47;
	vm4 =	vgt.s32 v37, $0x0;
	vm7 =	vgt.s32 v22, $0x0;
	vm8 =	vgt.s32 v25, $0x0  }
0x9c: {  	v4 =	vld [tilespmem:$0x710];
	[tilespmem:$0xE40] =	vst v54;
	vm12 =	vgt.s32 v32, $0x0;
	v57 =	vshll.u32 v27, $0x3;
	v23 =	vshll.u32 v9, $0x3  }
0x9d: {  	v18 =	vld [tilespmem:$0x720];
	[tilespmem:$0xE50] =	vst v55;
	v24 =	vnsel vm4, $0x0, v37;
	vm5 =	vgt.s32 v13, $0x0;
	v36 =	vnsel vm7, $0x0, v22  }
0x9e: {  	v40 =	vld [tilespmem:$0x750];
	[tilespmem:$0xE60] =	vst v59;
	v10 =	vshll.u32 v10, $0x3;
	v41 =	vnsel vm8, $0x0, v25;
	vm10 =	vgt.s32 v29, $0x0  }
0x9f: {  	v51 =	vld [tilespmem:$0x770];
	[tilespmem:$0xE70] =	vst v7;
	v46 =	vshll.u32 v20, $0x3;
	vm11 =	vgt.s32 v28, $0x0;
	v55 =	vnsel vm12, $0x0, v32  }
0xa0: {  	v53 =	vld [tilespmem:$0xB70];
	[tilespmem:$0xE80] =	vst v6;
	vm13 =	vgt.s32 v58, $0x0;
	vm14 =	vgt.s32 v63, $0x0;
	v11 =	vshll.u32 v34, $0x3  }
0xa1: {  	v56 =	vld [tilespmem:$0x780];
	[tilespmem:$0xEA0] =	vst v38;
	vm6 =	vgt.s32 v49, $0x0;
	v34 =	vshll.u32 v45, $0x3;
	v39 =	vadd.s32 v10, v36  }
0xa2: {  	v59 =	vld [tilespmem:$0xB80];
	v17 =	vnsel vm5, $0x0, v13;
	v2 =	vadd.s32 v42, v41;
	v47 =	vnsel vm10, $0x0, v29;
	[tilespmem:$0xEB0] =	vst v39  }
0xa3: {  	v60 =	vld [tilespmem:$0x790];
	v3 =	vadd.s32 v46, v44;
	v52 =	vnsel vm11, $0x0, v28;
	v58 =	vnsel vm13, $0x0, v58;
	[tilespmem:$0xEC0] =	vst v2  }
0xa4: {  	v33 =	vld [tilespmem:$0x7C0];
	v4 =	vshll.u32 v4, $0x3;
	v0 =	vadd.s32 v57, v55;
	v61 =	vnsel vm14, $0x0, v63;
	[tilespmem:$0xED0] =	vst v3  }
0xa5: {  	v20 =	vld [tilespmem:$0x7A0];
	v62 =	vshll.u32 v18, $0x3;
	v27 =	vadd.s32 v11, v24;
	vm5 =	vgt.s32 v43, $0x0;
	[tilespmem:$0xF00] =	vst v0  }
0xa6: {  	v25 =	vld [tilespmem:$0xBA0];
	v32 =	vnsel vm6, $0x0, v49;
	vm7 =	vgt.s32 v53, $0x0;
	v30 =	vadd.s32 v5, v17;
	[tilespmem:$0xF40] =	vst v27  }
0xa7: {  	v45 =	vld [tilespmem:$0x7E0];
	v8 =	vshll.u32 v51, $0x3;
	v41 =	vshll.u32 v56, $0x3;
	v50 =	vadd.s32 v48, v47;
	[tilespmem:$0xE90] =	vst v30  }
0xa8: {  	v13 =	vld [tilespmem:$0xB30];
	vm11 =	vgt.s32 v31, $0x0;
	v54 =	vadd.s32 v15, v52;
	v4 =	vadd.s32 v4, v58;
	[tilespmem:$0xEE0] =	vst v50  }
0xa9: {  	v63 =	vld [tilespmem:$0xB90];
	v2 =	vadd.s32 v62, v61;
	v29 =	vnsel vm5, $0x0, v43;
	v35 =	vnsel vm7, $0x0, v53;
	[tilespmem:$0xEF0] =	vst v54  }
0xaa: {  	v28 =	vld [tilespmem:$0x7B0];
	v37 =	vadd.s32 v34, v32;
	vm8 =	vgt.s32 v59, $0x0;
	v46 =	vshll.u32 v60, $0x3;
	[tilespmem:$0xF10] =	vst v4  }
0xab: {  	v36 =	vld [tilespmem:$0xBC0];
	v51 =	vnsel vm11, $0x0, v31;
	v30 =	vshll.u32 v40, $0x3;
	[tilespmem:$0xF20] =	vst v2;
	v38 =	vadd.s32 v8, v35  }
0xac: {  	v42 =	vld [tilespmem:$0xBD0];
	v40 =	vnsel vm8, $0x0, v59;
	[tilespmem:$0xF60] =	vst v37;
	v56 =	vshll.u32 v33, $0x3;
	v0 =	vadd.s32 v30, v29  }
0xad: {  	v39 =	vld [tilespmem:$0x7D0];
	v43 =	vadd.s32 v41, v40;
	[tilespmem:$0xF70] =	vst v38;
	vm10 =	vgt.s32 v25, $0x0;
	v6 =	vshll.u32 v20, $0x3  }
0xae: {  	v48 =	vld [tilespmem:$0xBE0];
	[tilespmem:$0xF50] =	vst v0;
	v60 =	vshll.u32 v45, $0x3;
	vm15 =	vgt.s32 v13, $0x0;
	v47 =	vnsel vm10, $0x0, v25  }
0xaf: {  	v50 =	vld [tilespmem:$0xBF0];
	[tilespmem:$0xF80] =	vst v43;
	vm9 =	vgt.s32 v63, $0x0;
	v52 =	vshll.u32 v28, $0x3;
	v49 =	vadd.s32 v6, v47  }
0xb0: {  	v53 =	vld [tilespmem:$0x7F0];
	vm12 =	vgt.s32 v36, $0x0;
	v19 =	vnsel vm15, $0x0, v13;
	v0 =	vadd.s32 v52, v51;
	[tilespmem:$0xFA0] =	vst v49  }
0xb1: {  	vm13 =	vgt.s32 v42, $0x0;
	v44 =	vnsel vm9, $0x0, v63;
	v26 =	vadd.s32 v23, v19;
	[tilespmem:$0xFB0] =	vst v0  }
0xb2: {  	v54 =	vnsel vm12, $0x0, v36;
	v55 =	vnsel vm13, $0x0, v42;
	v1 =	vadd.s32 v46, v44;
	[tilespmem:$0xF30] =	vst v26  }
0xb3: {  	v4 =	vshll.u32 v39, $0x3;
	vm14 =	vgt.s32 v48, $0x0;
	v57 =	vadd.s32 v56, v54;
	[tilespmem:$0xF90] =	vst v1  }
0xb4: {  	v58 =	vadd.s32 v4, v55;
	v59 =	vnsel vm14, $0x0, v48;
	vm15 =	vgt.s32 v50, $0x0;
	[tilespmem:$0xFC0] =	vst v57  }
0xb5: {  	s7 =	rddreg [dreg:$0x8];
	v62 =	vshll.u32 v53, $0x3;
	[tilespmem:$0xFD0] =	vst v58;
	v0 =	vadd.s32 v60, v59;
	v61 =	vnsel vm15, $0x0, v50  }
0xb6: {  	s5 =	rddreg [dreg:$0x9];
	[tilespmem:$0xFE0] =	vst v0;
	v63 =	vadd.s32 v62, v61  }
0xb7: {  	s6 =	rddreg [dreg:$0xb];
	[tilespmem:$0xFF0] =	vst v63  }
0xb8: {  	[tilespmem:s10], [sflag:$0x1] =	stream.indirect.gather [hbm4b:s3+s9], $0x10, s2, s9, $0xb8;
	[tilespmem:$0x9000] =	vst v63  }
0xb9: {  	s0 =	rddreg [dreg:$0xc]  }
0xba: {  	[tilespmem:s11], [sflag:$0x1] =	stream.indirect.gather [hbm4b:s4+s9], $0x10, s7, s9, $0xb8;
	[tilespmem:$0x9000] =	vst v63  }
0xbb: {  	s7 =	rddreg [dreg:$0xa]  }
0xbc: {  	[tilespmem:s5], [sflag:$0x1] =	stream.indirect.gather [hbm4b:s3+s9], $0x10, s9, s9, $0xb8;
	[tilespmem:$0x9000] =	vst v63  }
0xbd: {  	s5 =	rddreg [dreg:$0xd]  }
0xbe: {  	[tilespmem:s6], [sflag:$0x1] =	stream.indirect.gather [hbm4b:s4+s9], $0x10, s7, s9, $0xb8;
	[tilespmem:$0x9000] =	vst v63  }
0xbf: {  	s6 =	rddreg [dreg:$0xe]  }
0xc0: {  	s7 =	rddreg [dreg:$0xf]  }
0xc1: {  	[tilespmem:s5], [sflag:$0x1] =	stream.indirect.gather [hbm4b:s3+s9], $0x10, s0, s9, $0xb8;
	[tilespmem:$0x9000] =	vst v63  }
0xc2: {  	s0 =	rddreg [dreg:$0x10]  }
0xc3: {  	s5 =	rddreg [dreg:$0x11]  }
0xc4: {  	[tilespmem:s7], [sflag:$0x1] =	stream.indirect.gather [hbm4b:s4+s9], $0x10, s6, s9, $0xb8;
	[tilespmem:$0x9000] =	vst v63  }
0xc5: {  	s6 =	rddreg [dreg:$0x12]  }
0xc6: {  	[tilespmem:s5], [sflag:$0x1] =	stream.indirect.gather [hbm4b:s3+s9], $0x10, s0, s9, $0xb8;
	[tilespmem:$0x9000] =	vst v63  }
0xc7: {  	s7 =	rddreg [dreg:$0x13]  }
0xc8: {  	[tilespmem:s7], [sflag:$0x1] =	stream.indirect.gather [hbm4b:s4+s9], $0x10, s6, s9, $0xb8;
	[tilespmem:$0x9000] =	vst v63  }
0xc9: {  	s5 =	rddreg [dreg:$0x14]  }
0xca: {  	[tilespmem:s12], [sflag:$0x1] =	stream.indirect.gather [hbm4b:s3+s9], $0x10, s5, s9, $0xb8;
	[tilespmem:$0x9000] =	vst v63  }
0xcb: {  	_ = 	snop  }
0xcc: {  	[tilespmem:s14], [sflag:$0x1] =	stream.indirect.gather [hbm4b:s4+s9], $0x10, s13, s9, $0xb8;
	[tilespmem:$0x9000] =	vst v63  }
0xcd: {  	_ = 	snop  }
0xce: {  	[tilespmem:s16], [sflag:$0x1] =	stream.indirect.gather [hbm4b:s3+s9], $0x10, s15, s9, $0xb8;
	[tilespmem:$0x9000] =	vst v63  }
0xcf: {  	_ = 	snop  }
0xd0: {  	[tilespmem:s18], [sflag:$0x1] =	stream.indirect.gather [hbm4b:s4+s9], $0x10, s17, s9, $0xb8;
	[tilespmem:$0x9000] =	vst v63  }
0xd1: {  	_ = 	snop  }
0xd2: {  	[tilespmem:s20], [sflag:$0x1] =	stream.indirect.gather [hbm4b:s3+s9], $0x10, s19, s9, $0xb8;
	[tilespmem:$0x9000] =	vst v63  }
0xd3: {  	_ = 	snop  }
0xd4: {  	[tilespmem:s22], [sflag:$0x1] =	stream.indirect.gather [hbm4b:s4+s9], $0x10, s21, s9, $0xb8;
	[tilespmem:$0x9000] =	vst v63  }
0xd5: {  	_ = 	snop  }
0xd6: {  	[tilespmem:s24], [sflag:$0x1] =	stream.indirect.gather [hbm4b:s3+s9], $0x10, s23, s9, $0xb8;
	[tilespmem:$0x9000] =	vst v63  }
0xd7: {  	_ = 	snop  }
0xd8: {  	[tilespmem:s26], [sflag:$0x1] =	stream.indirect.gather [hbm4b:s4+s9], $0x10, s25, s9, $0xb8;
	[tilespmem:$0x9000] =	vst v63  }
0xd9: {  	_ =	swait.ge [sflag:s28], $0x800  }
0xda: {  	[sflag:s28] =	ssyncset.done $0x0  }
0xdb: {  	[sflag:s28] =	ssyncadd.s32 $0xFFFFF800  }
0xdc: {  	_ =	swait.ge [sflag:s28], $0x800  }
0xdd: {  	[sflag:s28] =	ssyncset.done $0x0  }
0xde: {  	[sflag:s28] =	ssyncadd.s32 $0xFFFFF800  }
0xdf: {  	_ =	swait.ge [sflag:s28], $0x800  }
0xe0: {  	[sflag:s28] =	ssyncset.done $0x0  }
0xe1: {  	[sflag:s28] =	ssyncadd.s32 $0xFFFFF800  }
0xe2: {  	_ =	swait.ge [sflag:s28], $0x800  }
0xe3: {  	[sflag:s28] =	ssyncset.done $0x0  }
0xe4: {  	[sflag:s28] =	ssyncadd.s32 $0xFFFFF800  }
0xe5: {  	_ =	swait.ge [sflag:s28], $0x800  }
0xe6: {  	[sflag:s28] =	ssyncset.done $0x0  }
0xe7: {  	[sflag:s28] =	ssyncadd.s32 $0xFFFFF800  }
0xe8: {  	_ =	swait.ge [sflag:s28], $0x800  }
0xe9: {  	[sflag:s28] =	ssyncset.done $0x0  }
0xea: {  	[sflag:s28] =	ssyncadd.s32 $0xFFFFF800  }
0xeb: {  	_ =	swait.ge [sflag:s28], $0x800  }
0xec: {  	[sflag:s28] =	ssyncset.done $0x0  }
0xed: {  	[sflag:s28] =	ssyncadd.s32 $0xFFFFF800  }
0xee: {  	_ =	swait.ge [sflag:s28], $0x800  }
0xef: {  	[sflag:s28] =	ssyncset.done $0x0  }
0xf0: {  	[sflag:s28] =	ssyncadd.s32 $0xFFFFF800  }
0xf1: {  	_ =	swait.ge [sflag:s28], $0x800  }
0xf2: {  	[sflag:s28] =	ssyncset.done $0x0  }
0xf3: {  	[sflag:s28] =	ssyncadd.s32 $0xFFFFF800  }
0xf4: {  	_ =	swait.ge [sflag:s28], $0x800  }
0xf5: {  	[sflag:s28] =	ssyncset.done $0x0  }
0xf6: {  	[sflag:s28] =	ssyncadd.s32 $0xFFFFF800  }
0xf7: {  	_ =	swait.ge [sflag:s28], $0x800  }
0xf8: {  	[sflag:s28] =	ssyncset.done $0x0  }
0xf9: {  	[sflag:s28] =	ssyncadd.s32 $0xFFFFF800  }
0xfa: {  	_ =	swait.ge [sflag:s28], $0x800  }
0xfb: {  	[sflag:s28] =	ssyncset.done $0x0  }
0xfc: {  	[sflag:s28] =	ssyncadd.s32 $0xFFFFF800  }
0xfd: {  	_ =	swait.ge [sflag:s28], $0x800  }
0xfe: {  	[sflag:s28] =	ssyncset.done $0x0  }
0xff: {  	[sflag:s28] =	ssyncadd.s32 $0xFFFFF800  }
0x100: {  	_ =	swait.ge [sflag:s28], $0x800  }
0x101: {  	[sflag:s28] =	ssyncset.done $0x0  }
0x102: {  	[sflag:s28] =	ssyncadd.s32 $0xFFFFF800  }
0x103: {  	_ =	swait.ge [sflag:s28], $0x800  }
0x104: {  	[sflag:s28] =	ssyncset.done $0x0  }
0x105: {  	[sflag:s28] =	ssyncadd.s32 $0xFFFFF800  }
0x106: {  	_ =	swait.ge [sflag:s28], $0x800  }
0x107: {  	[sflag:s28] =	ssyncset.done $0x0  }
0x108: {  	[sflag:s28] =	ssyncadd.s32 $0xFFFFF800  }
0x109: {  	[hbm4b:s31+s2] =	stream.linear.scatter [tilespmem:s10], [sflag:$0x2], $0x4000, $0x38;
	[tilespmem:$0x9000] =	vst v63  }
0x10a: {  	_ =	swait.ge [sflag:s8], $0x4000  }
0x10b: {  	p0 =	sne.s32 s1, $0xC00;
	[sflag:s8] =	ssyncset.done $0x0  }
.Ltmp0:
0x10c: {  	[sflag:s8] =	ssyncadd.s32 $0xFFFFC000;
	(pc) =	sbr.rel @p0 .LBB2_2-.Ltmp0, $4  }
0x10d: {  	[hbm4b:s30+s2] =	stream.linear.scatter [tilespmem:s11], [sflag:$0x2], $0x4000, $0x38;
	[tilespmem:$0x9000] =	vst v63  }
0x10e: {  	_ =	swait.ge [sflag:s8], $0x4000  }
0x10f: {  	s1 =	sadd.s32 $0x80, s1;
	[sflag:s8] =	ssyncset.done $0x0  }
0x110: {  	s31 =	sadd.s32 $0x800, s31;
	s30 =	sadd.s32 $0x800, s30;
	[sflag:s8] =	ssyncadd.s32 $0xFFFFC000  }
0x111: {  	s29 =	sadd.s32 $0x1, s29;
	s0 =	rddreg [dreg:$0x15]  }
0x112: {  	p0 =	sne.s32 s29, s0  }
.Ltmp1:
0x113: {  	_ = 	snop;
	(pc) =	sbr.rel @p0 .LBB2_1-.Ltmp1, $1  }
0x114: {  	_ =	sdelay $0x3  }
0x115: {  	_ =	sfence.sel $0x180000  }
0x116: {  	[bflag:$0x0] =	sbarrier.arrive $0xFFFF  }
0x117: {  	_ =	strace $0x90000047  }
0x118: {  	s0 =	stileid.u32;
	[bflag:$0x2] =	sbarrier.arrive $0xFFFF  }
0x119: {  	p0 =	sne.s32 s0, $0x0;
	s0 =	rddreg [dreg:$0x2]  }
0x11a: {  	s0 =	sadd.s32 @!p0 $0x100000, s0  }
0x11b: {  	[sflag:s0] =	ssyncadd.tile.s32 @!p0 $0x1;
	_ =	shalt  }
.Lfunc_end2:
_tile_overlayer_lowered:
.L_overlay_start_2:
0x11c: {  	(tag) =	ssettag $0x2  }
0x11d: {  	s0 =	rddreg [dreg:$0x0];
	s2 =	stileid.u32  }
0x11e: {  	s1 =	rddreg [dreg:$0x1];
	p0 =	sne.s32 s2, $0x0  }
0x11f: {  	s3 =	rddreg [dreg:$0x2];
	[bflag:$0x3] =	sbarrier.arrive $0xFFFF;
	s2 =	simm.s32 @!p0 $0x1C02  }
0x120: {  	[timem:s3], [sflag:s2] =	dma.local @!p0 [hbm:s0], s1  }
0x121: {  	s0 =	simm.s32 @!p0 $0x2  }
0x122: {  	_ =	swait.ge @!p0 [sflag:s0], s1  }
0x123: {  	s1 =	ssub.s32 @!p0 $0x0, s1;
	[sflag:s0] =	ssyncset.done @!p0 $0x0  }
0x124: {  	[sflag:s0] =	ssyncadd.s32 @!p0 s1  }
0x125: {  	[bflag:$0x3] =	sbarrier.arrive $0xFFFF  }
0x126: {  	_ =	shalt  }

// kernel: sparse-core-data-format-call.1.cloned.1.call-start
scs
called_computation.1_lowered:
.L_overlay_start_0:
0x0: {  	s1 =	sld [smem:$0x3FD9]  }
0x1: {  	s2 =	sld [smem:$0x3FFE];
	_ =	sdelay $0x1  }
0x2: {  	s3 =	srdreg.scid  }
0x3: {  	s0 =	sand.u32 $0x1, s3  }
0x4: {  	s17 =	sshll.u32 s0, $0xA;
	s1 =	sadd.s32 s2, s1  }
0x5: {  	s1 =	sadd.s32 s1, s17  }
0x6: {  	[smem:$0x3FBD] =	sst s1  }
0x7: {  	_ = 	snop  }
0x8: {  	(tm) =	ssettm $0x1  }
0x9: {  	s18 =	sld [smem:$0x3FFB];
	_ =	sdelay $0x3  }
0xa: {  	_ =	strace s18  }
0xb: {  	s1 =	sld [smem:$0x3FFC];
	_ =	sdelay $0x3  }
0xc: {  	_ =	strace s1  }
0xd: {  	s1 =	sld [smem:$0x3FFD];
	_ =	sdelay $0x3  }
0xe: {  	_ =	strace s1  }
0xf: {  	_ =	strace $0x8FFFFFFF  }
0x10: {  	s19 =	sld [smem:$0x3FDB];
	_ =	sdelay $0x1  }
0x11: {  	s20 =	simm.s32 $_scs_section_size  }
0x12: {  	s4 =	simm.s32 $_size__tile_overlayer_lowered;
	s5 =	simm.s32 $_tile_overlayer_lowered  }
0x13: {  	s23 =	simm.s32 $0x1BFF;
	s22 =	sshll.u32 s5, $0x1;
	s1 =	sadd.s32 s20, s19  }
0x14: {  	s6 =	simm.s32 $0x0;
	s21 =	sshll.u32 s4, $0x1;
	s4 =	sadd.s32 s22, s1  }
0x15: {  	[timem:s6], [sflag:s23] =	dma.local [hbm:s4], s21  }
0x16: {  	_ =	swait.ge [sflag:s23], s21  }
0x17: {  	s2 =	ssub.s32 $0x0, s21;
	[sflag:s23] =	ssyncset.done $0x0  }
0x18: {  	[sflag:s23] =	ssyncadd.s32 s2;
	_ =	sdelay $0x1  }
0x19: {  	s24 =	simm.s32 $0x1B8B  }
0x1a: {  	_ =	swait.ge [sflag:s24], $0x1  }
0x1b: {  	[sflag:s24] =	ssyncset.done $0x0  }
0x1c: {  	s26 =	simm.s32 $0x1B8E;
	s25 =	sld [smem:$0x3FFE];
	[sflag:s24] =	ssyncadd.s32 $0xFFFFFFFF  }
0x1d: {  	s27 =	simm.s32 $execute0_lowered;
	[smem:$0x3FD2] =	sst s26  }
0x1e: {  	s4 =	sshll.u32 s27, $0x1;
	_ =	strace $0x80000049;
	[dreg:$0x1] =	wrdreg $0xFFFFFFFF  }
0x1f: {  	s28 =	simm.s32 $_size_execute0_lowered;
	s1 =	sadd.s32 s1, s4;
	[dreg:$0x0] =	wrdreg $0x0  }
0x20: {  	s4 =	sshll.u32 s28, $0x1;
	[dreg:$0x2] =	wrdreg s1  }
0x21: {  	[dreg:$0x3] =	wrdreg s4  }
0x22: {  	[dreg:$0x4] =	wrdreg $0xC0  }
0x23: {  	_ =	task [dreg:s6], $0x5FFFF  }
0x24: {  	[dreg:$0x1] =	wrdreg $0xFFFFFFFF  }
0x25: {  	[dreg:$0x0] =	wrdreg $0x60  }
0x26: {  	[dreg:$0x2] =	wrdreg s25  }
0x27: {  	[dreg:$0x3] =	wrdreg $0xA  }
0x28: {  	_ =	task.clear_ibuf [dreg:s6], $0x4FFFF;
	_ =	strace $0x90000049  }
0x29: {  	s29 =	simm.s32 $0xA;
	_ =	strace $0x8000004B  }
0x2a: {  	_ =	swait.ge [sflag:s29], $0x1  }
0x2b: {  	[sflag:s29] =	ssyncadd.s32 $0xFFFFFFFF  }
0x2c: {  	_ =	strace $0x9000004B  }
0x2d: {  	_ =	sfence  }
0x2e: {  	s30 =	sld [smem:$0x0];
	_ =	sdelay $0x2  }
0x2f: {  	s31 =	sshll.u32 s3, $0xD;
	s3 =	sshrl.u32 s3, $0x2  }
0x30: {  	s2 =	sand.u32 $0x4000, s31;
	s1 =	sadd.s32 s3, s30  }
0x31: {  	s0 =	sor.u32 s2, s0;
	s1 =	sshll.u32 s1, $0x11  }
0x32: {  	s0 =	sor.u32 s1, s0  }
0x33: {  	s0 =	sadd.s32 $0x8F2B, s0  }
0x34: {  	[sflag:s0] =	ssyncadd.remote.s32 $0x1  }
0x35: {  	_ =	sfence.sel $0xFFFF  }
0x36: {  	[dreg:$0x0] =	wrdreg $0xFFFFFFFF;
	(pc) =	sbr.abs _section_cstart, $3  }
0x37: {  	[dreg:$0x1] =	wrdreg $0xFFFFFFFF  }
0x38: {  	_ =	task.clear_ibuf [dreg:s6], $0x2FFFF;
	_ =	strace $0x9FFFFFFF  }
0x39: {  	(tm) =	ssettm $0x7FFFFFFF  }
tec
execute0_lowered:
.L_overlay_start_1:
0x0: {  	(tag) =	ssettag $0x1  }
0x1: {  	s0 =	srdreg.scid;
	s4 =	rddreg [dreg:$0x0]  }
0x2: {  	s11 =	simm.s32 $0x2;
	s19 =	simm.s32 $0x0;
	s15 =	simm.s32 $0x400  }
0x3: {  	s16 =	simm.s32 $0x8000;
	s20 =	simm.s32 $0x0;
	s1 =	sshll.u32 s0, $0x4  }
0x4: {  	s17 =	simm.s32 $0x0;
	s0 =	stileid.u32;
	s1 =	sand.u32 $0x10, s1  }
0x5: {  	s18 =	simm.s32 $0x0;
	s3 =	sor.u32 s0, s1;
	s1 =	rddreg [dreg:$0x1]  }
0x6: {  	_ =	strace $0x8000004A;
	s2 =	sshll.u32 s3, $0x7;
	s3 =	sshll.u32 s3, $0xB  }
0x7: {  	s5 =	ssub.s32 $0x1000, s2;
	s13 =	sadd.s32 s3, s4;
	s3 =	sadd.s32 $0xE93800, s4  }
0x8: {  	s4 =	simm.s32 $0x1;
	s6 =	sand.u32 $0xF80, s5;
	s5 =	sshrl.u32 s5, $0xC  }
0x9: {  	s7 =	sadd.s32 $0x223800, s13;
	p0 =	sne.s32 s6, $0x0;
	s6 =	simm.s32 $0x1  }
.Ltmp0:
0xa: {  	s8 =	sadd.s32 $0x233800, s13;
	s6 =	simm.s32 @!p0 $0x0;
	(pc) =	sbr.rel .LBB1_1-.Ltmp0, $4  }
0xb: {  	s9 =	sadd.s32 $0x243800, s13;
	s10 =	sadd.s32 $0x253800, s13;
	s5 =	sadd.s32 s6, s5  }
0xc: {  	[sflag:s4] =	ssyncpa.u1 $0x0;
	s12 =	sadd.s32 $0x273800, s13;
	s5 =	smul.u32 $0x19, s5  }
0xd: {  	[sflag:s11] =	ssyncpa.u1 $0x0;
	s11 =	sadd.s32 $0x263800, s13;
	p0 =	por $0x0, $0x0  }
0xe: {  	s6 =	sadd.s32 $0x213800, s13;
	s13 =	sadd.s32 $0x283800, s13;
	s14 =	sadd.s32 $0x1, s5  }
.LBB1_7:
0xf: {  	s21 =	sadd.s32 $0x8, s17  }
0x10: {  	p2 =	sgt.s32 s21, $0xC7  }
0x11: {  	s21 =	simm.s32 @p2 $0x0;
	p2 =	sne.s32 s18, s14  }
.Ltmp1:
0x12: {  	p1 =	slt.u32 s18, $0x2;
	(pc) =	sbr.rel @!p2 .LBB1_8-.Ltmp1, $4  }
0x13: {  	s19 =	simm.s32 @!p1 $0x2  }
0x14: {  	s22 =	sadd.s32 $0x1, s18;
	s20 =	smov.u32 s17;
	_ =	swait.ge @!p1 [sflag:s19], $0x4000  }
0x15: {  	p0 =	por !p0, !p0;
	s18 =	smov.u32 s22;
	[sflag:s19] =	ssyncset.done @!p1 $0x0  }
0x16: {  	s17 =	smov.u32 s21;
	[sflag:s19] =	ssyncadd.s32 @!p1 $0xFFFFC000;
	s19 =	smov.u32 s2  }
.LBB1_1:
0x17: {  	p1 =	sge.u32 s18, s5  }
0x18: {  	s21 =	sxor.u32 @!p1 $0xFFFFFFFF, s18  }
0x19: {  	s22 =	sshll.u32 @!p1 s17, $0x10;
	s24 =	simm.s32 @!p1 $0x10;
	s21 =	sshll.u32 @!p1 s21, $0xE  }
0x1a: {  	s25 =	simm.s32 @!p1 $0x80;
	s23 =	sadd.s32 @!p1 s22, s6;
	s21 =	sand.u32 @!p1 $0x4000, s21  }
0x1b: {  	[tilespmem:s21], [sflag:$0x1] =	stream.strided.gather @!p1 [hbm4b:s23+s24], $0x800, s25, s24, $0x38;
	[tilespmem:$0x10100] =	vst v63  }
0x1c: {  	s23 =	sadd.s32 @!p1 s22, s7;
	s26 =	sor.u32 @!p1 $0x800, s21  }
0x1d: {  	[tilespmem:s26], [sflag:$0x1] =	stream.strided.gather @!p1 [hbm4b:s23+s24], $0x800, s25, s24, $0x38;
	[tilespmem:$0x10100] =	vst v63  }
0x1e: {  	s23 =	sadd.s32 @!p1 s22, s8;
	s26 =	sor.u32 @!p1 $0x1000, s21  }
0x1f: {  	[tilespmem:s26], [sflag:$0x1] =	stream.strided.gather @!p1 [hbm4b:s23+s24], $0x800, s25, s24, $0x38;
	[tilespmem:$0x10100] =	vst v63  }
0x20: {  	s23 =	sadd.s32 @!p1 s22, s9;
	s26 =	sor.u32 @!p1 $0x1800, s21  }
0x21: {  	[tilespmem:s26], [sflag:$0x1] =	stream.strided.gather @!p1 [hbm4b:s23+s24], $0x800, s25, s24, $0x38;
	[tilespmem:$0x10100] =	vst v63  }
0x22: {  	s23 =	sadd.s32 @!p1 s22, s10;
	s26 =	sor.u32 @!p1 $0x2000, s21  }
0x23: {  	[tilespmem:s26], [sflag:$0x1] =	stream.strided.gather @!p1 [hbm4b:s23+s24], $0x800, s25, s24, $0x38;
	[tilespmem:$0x10100] =	vst v63  }
0x24: {  	s23 =	sadd.s32 @!p1 s22, s11;
	s26 =	sor.u32 @!p1 $0x2800, s21  }
0x25: {  	[tilespmem:s26], [sflag:$0x1] =	stream.strided.gather @!p1 [hbm4b:s23+s24], $0x800, s25, s24, $0x38;
	[tilespmem:$0x10100] =	vst v63  }
0x26: {  	s23 =	sadd.s32 @!p1 s22, s12;
	s26 =	sor.u32 @!p1 $0x3000, s21  }
0x27: {  	[tilespmem:s26], [sflag:$0x1] =	stream.strided.gather @!p1 [hbm4b:s23+s24], $0x800, s25, s24, $0x38;
	[tilespmem:$0x10100] =	vst v63  }
0x28: {  	s31 =	sadd.s32 $0xFFFFFFFF, s18;
	s22 =	sadd.s32 @!p1 s22, s13;
	s21 =	sor.u32 @!p1 $0x3800, s21  }
0x29: {  	[tilespmem:s21], [sflag:$0x1] =	stream.strided.gather @!p1 [hbm4b:s22+s24], $0x800, s25, s24, $0x38;
	[tilespmem:$0x10100] =	vst v63  }
0x2a: {  	p1 =	sge.u32 s31, s5  }
.Ltmp2:
0x2b: {  	_ = 	snop;
	(pc) =	sbr.rel @p1 .LBB1_7-.Ltmp2, $1  }
0x2c: {  	_ =	sdelay $0x3  }
0x2d: {  	s22 =	simm.s32 $0x1;
	s23 =	sand.u32 $0x1, s18  }
0x2e: {  	_ =	swait.ge [sflag:s4], $0x4000;
	s22 =	simm.s32 @!p0 $0x0;
	s24 =	smul.u32 $0x10200, s23  }
0x2f: {  	[sflag:s4] =	ssyncset.done $0x0;
	s21 =	smul.u32 $0x10200, s22  }
0x30: {  	s22 =	sshll.u32 s22, $0xE;
	[sflag:s4] =	ssyncadd.s32 $0xFFFFC000  }
0x31: {  	s23 =	sor.u32 $0x40, s22;
	s31 =	sshrl.u32 s24, $0x2;
	s21 =	sshrl.u32 s21, $0x2  }
0x32: {  	s24 =	simm.s32 $0x0;
	s22 =	sor.u32 $0x8000, s31;
	s21 =	sor.u32 $0x8007, s21  }
.LBB1_3:
0x33: {  	v3 =	vld [tilespmem:s23+$0x30]  }
0x34: {  	v4 =	vld [tilespmem:s23+$0xFFFFFFD0]  }
0x35: {  	v5 =	vld [tilespmem:s23+$0xFFFFFFE0]  }
0x36: {  	v1 =	vld [tilespmem:s23+$0xFFFFFFF0]  }
0x37: {  	v0 =	vld [tilespmem:s23+$0x0]  }
0x38: {  	v2 =	vld [tilespmem:s23+$0x10];
	[tilespmem:s21+$0x0 ss:$0x81] =	vst.msk $0xffff, v3  }
0x39: {  	[tilespmem:s21+$0xFFFFFFFA ss:$0x81] =	vst.msk $0xffff, v4;
	v4 =	vld [tilespmem:s23+$0x20]  }
0x3a: {  	s26 =	simm.s32 $0x0;
	s27 =	sadd.s32 $0x80, s23;
	s25 =	smov.u32 s21;
	v3 =	vld [tilespmem:s23+$0xFFFFFFC0];
	[tilespmem:s21+$0xFFFFFFFB ss:$0x81] =	vst.msk $0xffff, v5  }
.LBB1_4:
0x3b: {  	v5 =	vld [tilespmem:s27+$0x30];
	s26 =	sadd.s32 $0x8, s26;
	[tilespmem:s25+$0xFFFFFFFC ss:$0x81] =	vst.msk $0xffff, v1  }
0x3c: {  	v6 =	vld [tilespmem:s27+$0xFFFFFFD0];
	p1 =	slt.u32 s26, $0x78;
	[tilespmem:s25+$0xFFFFFFFD ss:$0x81] =	vst.msk $0xffff, v0  }
0x3d: {  	v7 =	vld [tilespmem:s27+$0xFFFFFFE0];
	[tilespmem:s25+$0xFFFFFFFE ss:$0x81] =	vst.msk $0xffff, v2  }
.Ltmp3:
0x3e: {  	v1 =	vld [tilespmem:s27+$0xFFFFFFF0];
	[tilespmem:s25+$0xFFFFFFFF ss:$0x81] =	vst.msk $0xffff, v4;
	(pc) =	sbr.rel @p1 .LBB1_4-.Ltmp3, $4  }
0x3f: {  	v0 =	vld [tilespmem:s27+$0x0];
	[tilespmem:s25+$0xFFFFFFF9 ss:$0x81] =	vst.msk $0xffff, v3;
	s25 =	sadd.s32 $0x8, s25  }
0x40: {  	v2 =	vld [tilespmem:s27+$0x10];
	[tilespmem:s25+$0x0 ss:$0x81] =	vst.msk $0xffff, v5  }
0x41: {  	[tilespmem:s25+$0xFFFFFFFA ss:$0x81] =	vst.msk $0xffff, v6;
	v4 =	vld [tilespmem:s27+$0x20]  }
0x42: {  	v3 =	vld [tilespmem:s27+$0xFFFFFFC0];
	[tilespmem:s25+$0xFFFFFFFB ss:$0x81] =	vst.msk $0xffff, v7;
	s27 =	sadd.s32 $0x80, s27  }
0x43: {  	s24 =	sadd.s32 $0x1, s24  }
0x44: {  	p1 =	sne.s32 s24, $0x8  }
.Ltmp4:
0x45: {  	[tilespmem:s25+$0xFFFFFFFC ss:$0x81] =	vst.msk $0xffff, v1;
	(pc) =	sbr.rel @p1 .LBB1_3-.Ltmp4, $4  }
0x46: {  	[tilespmem:s25+$0xFFFFFFFD ss:$0x81] =	vst.msk $0xffff, v0  }
0x47: {  	[tilespmem:s25+$0xFFFFFFFE ss:$0x81] =	vst.msk $0xffff, v2  }
0x48: {  	[tilespmem:s25+$0xFFFFFFFF ss:$0x81] =	vst.msk $0xffff, v4  }
0x49: {  	s21 =	sadd.s32 $0x810, s21;
	s23 =	sadd.s32 $0x800, s23;
	[tilespmem:s25+$0xFFFFFFF9 ss:$0x81] =	vst.msk $0xffff, v3  }
.Ltmp5:
0x4a: {  	(pc) =	sbr.rel .LBB1_7-.Ltmp5, $4  }
0x4b: {  	s20 =	sshll.u32 s20, $0xD  }
0x4c: {  	s20 =	sadd.s32 s3, s20  }
0x4d: {  	s19 =	sadd.s32 s19, s20  }
0x4e: {  	[hbm4b:s19+s15] =	stream.strided.scatter [tilespmem:s22], [sflag:$0x2], $0x4000, s16, s15, $0x20;
	[tilespmem:$0x10100] =	vst v63  }
.LBB1_8:
0x4f: {  	_ =	sfence.sel $0x180000  }
0x50: {  	s2 =	simm.s32 $0x1;
	[bflag:$0x0] =	sbarrier.arrive $0xFFFF  }
0x51: {  	s31 =	simm.s32 $0x2;
	[sflag:s2] =	ssyncpa.u1 $0x1  }
0x52: {  	[sflag:s31] =	ssyncpa.u1 $0x1  }
0x53: {  	p0 =	sne.s32 s0, $0x0;
	_ =	strace $0x9000004A  }
0x54: {  	s0 =	sadd.s32 @!p0 $0x100000, s1;
	[bflag:$0x2] =	sbarrier.arrive $0xFFFF  }
0x55: {  	[sflag:s0] =	ssyncadd.tile.s32 @!p0 $0x1;
	_ =	shalt  }
.Lfunc_end1:
_tile_overlayer_lowered:
.L_overlay_start_2:
0x56: {  	(tag) =	ssettag $0x2  }
0x57: {  	s0 =	rddreg [dreg:$0x0];
	s2 =	stileid.u32  }
0x58: {  	s1 =	rddreg [dreg:$0x1];
	p0 =	sne.s32 s2, $0x0  }
0x59: {  	s3 =	rddreg [dreg:$0x2];
	[bflag:$0x3] =	sbarrier.arrive $0xFFFF;
	s2 =	simm.s32 @!p0 $0x1C01  }
0x5a: {  	[timem:s3], [sflag:s2] =	dma.local @!p0 [hbm:s0], s1  }
0x5b: {  	s0 =	simm.s32 @!p0 $0x1  }
0x5c: {  	_ =	swait.ge @!p0 [sflag:s0], s1  }
0x5d: {  	s1 =	ssub.s32 @!p0 $0x0, s1;
	[sflag:s0] =	ssyncset.done @!p0 $0x0  }
0x5e: {  	[sflag:s0] =	ssyncadd.s32 @!p0 s1  }
0x5f: {  	[bflag:$0x3] =	sbarrier.arrive $0xFFFF  }
0x60: {  	_ =	shalt  }

// kernel: sparse-core-data-format-call.cloned.1.call-start
scs
called_computation_lowered:
.L_overlay_start_0:
0x0: {  	s2 =	sld [smem:$0x3FD9]  }
0x1: {  	s3 =	sld [smem:$0x3FFE];
	_ =	sdelay $0x1  }
0x2: {  	s1 =	srdreg.scid  }
0x3: {  	s0 =	sand.u32 $0x1, s1  }
0x4: {  	s18 =	sshll.u32 s0, $0xA;
	s2 =	sadd.s32 s3, s2  }
0x5: {  	s2 =	sadd.s32 s2, s18  }
0x6: {  	[smem:$0x3FBD] =	sst s2  }
0x7: {  	_ = 	snop  }
0x8: {  	(tm) =	ssettm $0x1  }
0x9: {  	s19 =	sld [smem:$0x3FFB];
	_ =	sdelay $0x3  }
0xa: {  	_ =	strace s19  }
0xb: {  	s2 =	sld [smem:$0x3FFC];
	_ =	sdelay $0x3  }
0xc: {  	_ =	strace s2  }
0xd: {  	s2 =	sld [smem:$0x3FFD];
	_ =	sdelay $0x3  }
0xe: {  	_ =	strace s2  }
0xf: {  	_ =	strace $0x8FFFFFFF  }
0x10: {  	s20 =	sld [smem:$0x3FDB];
	_ =	sdelay $0x1  }
0x11: {  	s21 =	simm.s32 $_scs_section_size  }
0x12: {  	s4 =	simm.s32 $_size__tile_overlayer_lowered;
	s5 =	simm.s32 $_tile_overlayer_lowered  }
0x13: {  	s6 =	simm.s32 $0x1BFF;
	s22 =	sshll.u32 s5, $0x1;
	s3 =	sadd.s32 s21, s20  }
0x14: {  	s23 =	simm.s32 $0x0;
	s4 =	sshll.u32 s4, $0x1;
	s5 =	sadd.s32 s22, s3  }
0x15: {  	[timem:s23], [sflag:s6] =	dma.local [hbm:s5], s4  }
0x16: {  	_ =	swait.ge [sflag:s6], s4  }
0x17: {  	s4 =	ssub.s32 $0x0, s4;
	[sflag:s6] =	ssyncset.done $0x0  }
0x18: {  	[sflag:s6] =	ssyncadd.s32 s4;
	_ =	sdelay $0x1  }
0x19: {  	s24 =	simm.s32 $0x1B8B  }
0x1a: {  	_ =	swait.ge [sflag:s24], $0x1  }
0x1b: {  	[sflag:s24] =	ssyncset.done $0x0  }
0x1c: {  	[sflag:s24] =	ssyncadd.s32 $0xFFFFFFFF  }
0x1d: {  	s4 =	sld [smem:$0x0]  }
0x1e: {  	s5 =	sand.u32 $0xFFFFFFFE, s1  }
0x1f: {  	p0 =	sne.s32 s1, s5  }
0x20: {  	s5 =	sshll.u32 @p0 s5, $0xE  }
0x21: {  	s5 =	sadd.s32 @p0 $0x11B8D, s5;
	s6 =	sshll.u32 @p0 s4, $0x11  }
0x22: {  	s5 =	sor.u32 @p0 s6, s5  }
0x23: {  	[sflag:s5] =	ssyncadd.remote.s32 @p0 $0x1;
	_ =	sdelay $0x1  }
0x24: {  	s5 =	simm.s32 @p0 $0x1B8D  }
0x25: {  	_ =	swait.eq @p0 [sflag:s5], $0x1  }
0x26: {  	[sflag:s5] =	ssyncadd.s32 @p0 $0xFFFFFFFF  }
0x27: {  	s6 =	sshll.u32 @!p0 s1, $0xE  }
0x28: {  	s6 =	sor.u32 @!p0 $0x4000, s6;
	s5 =	simm.s32 @!p0 $0x1B8D  }
0x29: {  	s4 =	sshll.u32 @!p0 s4, $0x11;
	s6 =	sadd.s32 @!p0 $0x11B8D, s6;
	_ =	swait.eq @!p0 [sflag:s5], $0x1  }
0x2a: {  	s4 =	sor.u32 @!p0 s4, s6;
	[sflag:s5] =	ssyncadd.s32 @!p0 $0xFFFFFFFF  }
0x2b: {  	s26 =	simm.s32 $0x1B8E;
	s25 =	sld [smem:$0x3FFE];
	[sflag:s4] =	ssyncadd.remote.s32 @!p0 $0x1  }
0x2c: {  	s27 =	simm.s32 $execute0_lowered;
	[smem:$0x3FD2] =	sst s26  }
0x2d: {  	s5 =	sshll.u32 s27, $0x1;
	_ =	strace $0x8000004C;
	[dreg:$0x1] =	wrdreg $0xFFFFFFFF  }
0x2e: {  	s28 =	simm.s32 $_size_execute0_lowered;
	s3 =	sadd.s32 s3, s5;
	[dreg:$0x0] =	wrdreg $0x0  }
0x2f: {  	s5 =	sshll.u32 s28, $0x1;
	[dreg:$0x2] =	wrdreg s3  }
0x30: {  	[dreg:$0x3] =	wrdreg s5  }
0x31: {  	[dreg:$0x4] =	wrdreg $0xC0  }
0x32: {  	_ =	task [dreg:s23], $0x5FFFF  }
0x33: {  	[dreg:$0x1] =	wrdreg $0xFFFFFFFF  }
0x34: {  	[dreg:$0x0] =	wrdreg $0x60  }
0x35: {  	[dreg:$0x2] =	wrdreg s25  }
0x36: {  	[dreg:$0x3] =	wrdreg $0x9  }
0x37: {  	_ =	task.clear_ibuf [dreg:s23], $0x4FFFF;
	_ =	strace $0x9000004C  }
0x38: {  	s29 =	simm.s32 $0x9;
	_ =	strace $0x8000004E  }
0x39: {  	_ =	swait.ge [sflag:s29], $0x1  }
0x3a: {  	[sflag:s29] =	ssyncadd.s32 $0xFFFFFFFF  }
0x3b: {  	_ =	strace $0x9000004E  }
0x3c: {  	_ =	sfence  }
0x3d: {  	s30 =	sld [smem:$0x0];
	_ =	sdelay $0x2  }
0x3e: {  	s31 =	sshll.u32 s1, $0xD;
	s1 =	sshrl.u32 s1, $0x2  }
0x3f: {  	s4 =	sand.u32 $0x4000, s31;
	s1 =	sadd.s32 s1, s30  }
0x40: {  	s0 =	sor.u32 s4, s0;
	s1 =	sshll.u32 s1, $0x11  }
0x41: {  	s0 =	sor.u32 s1, s0  }
0x42: {  	s0 =	sadd.s32 $0x8F2B, s0  }
0x43: {  	[sflag:s0] =	ssyncadd.remote.s32 $0x1  }
0x44: {  	_ =	sfence.sel $0xFFFF  }
0x45: {  	[dreg:$0x0] =	wrdreg $0xFFFFFFFF;
	(pc) =	sbr.abs _section_cstart, $3  }
0x46: {  	[dreg:$0x1] =	wrdreg $0xFFFFFFFF  }
0x47: {  	_ =	task.clear_ibuf [dreg:s23], $0x2FFFF;
	_ =	strace $0x9FFFFFFF  }
0x48: {  	(tm) =	ssettm $0x7FFFFFFF  }
0x49: {  	_ =	shalt  }
tec
execute0_lowered:
.L_overlay_start_1:
0x0: {  	(tag) =	ssettag $0x1  }
0x1: {  	s0 =	srdreg.scid;
	s4 =	rddreg [dreg:$0x0]  }
0x2: {  	s11 =	simm.s32 $0x2;
	s19 =	simm.s32 $0x0;
	s15 =	simm.s32 $0x400  }
0x3: {  	s16 =	simm.s32 $0x8000;
	s20 =	simm.s32 $0x0;
	s1 =	sshll.u32 s0, $0x4  }
0x4: {  	s17 =	simm.s32 $0x0;
	s0 =	stileid.u32;
	s1 =	sand.u32 $0x10, s1  }
0x5: {  	s18 =	simm.s32 $0x0;
	s3 =	sor.u32 s0, s1;
	s1 =	rddreg [dreg:$0x1]  }
0x6: {  	_ =	strace $0x8000004D;
	s2 =	sshll.u32 s3, $0x7;
	s3 =	sshll.u32 s3, $0xB  }
0x7: {  	s5 =	ssub.s32 $0x1000, s2;
	s13 =	sadd.s32 s3, s4;
	s3 =	sadd.s32 $0x2800, s4  }
0x8: {  	s4 =	simm.s32 $0x1;
	s6 =	sand.u32 $0xF80, s5;
	s5 =	sshrl.u32 s5, $0xC  }
0x9: {  	s7 =	sadd.s32 $0x1033800, s13;
	p0 =	sne.s32 s6, $0x0;
	s6 =	simm.s32 $0x1  }
.Ltmp0:
0xa: {  	s8 =	sadd.s32 $0x1043800, s13;
	s6 =	simm.s32 @!p0 $0x0;
	(pc) =	sbr.rel .LBB1_1-.Ltmp0, $4  }
0xb: {  	s9 =	sadd.s32 $0x1053800, s13;
	s10 =	sadd.s32 $0x1063800, s13;
	s5 =	sadd.s32 s6, s5  }
0xc: {  	[sflag:s4] =	ssyncpa.u1 $0x0;
	s12 =	sadd.s32 $0x1083800, s13;
	s5 =	smul.u32 $0x19, s5  }
0xd: {  	[sflag:s11] =	ssyncpa.u1 $0x0;
	s11 =	sadd.s32 $0x1073800, s13;
	p0 =	por $0x0, $0x0  }
0xe: {  	s6 =	sadd.s32 $0x1023800, s13;
	s13 =	sadd.s32 $0x1093800, s13;
	s14 =	sadd.s32 $0x1, s5  }
.LBB1_7:
0xf: {  	s21 =	sadd.s32 $0x8, s17  }
0x10: {  	p2 =	sgt.s32 s21, $0xC7  }
0x11: {  	s21 =	simm.s32 @p2 $0x0;
	p2 =	sne.s32 s18, s14  }
.Ltmp1:
0x12: {  	p1 =	slt.u32 s18, $0x2;
	(pc) =	sbr.rel @!p2 .LBB1_8-.Ltmp1, $4  }
0x13: {  	s19 =	simm.s32 @!p1 $0x2  }
0x14: {  	s22 =	sadd.s32 $0x1, s18;
	s20 =	smov.u32 s17;
	_ =	swait.ge @!p1 [sflag:s19], $0x4000  }
0x15: {  	p0 =	por !p0, !p0;
	s18 =	smov.u32 s22;
	[sflag:s19] =	ssyncset.done @!p1 $0x0  }
0x16: {  	s17 =	smov.u32 s21;
	[sflag:s19] =	ssyncadd.s32 @!p1 $0xFFFFC000;
	s19 =	smov.u32 s2  }
.LBB1_1:
0x17: {  	p1 =	sge.u32 s18, s5  }
0x18: {  	s21 =	sxor.u32 @!p1 $0xFFFFFFFF, s18  }
0x19: {  	s22 =	sshll.u32 @!p1 s17, $0x10;
	s24 =	simm.s32 @!p1 $0x10;
	s21 =	sshll.u32 @!p1 s21, $0xE  }
0x1a: {  	s25 =	simm.s32 @!p1 $0x80;
	s23 =	sadd.s32 @!p1 s22, s6;
	s21 =	sand.u32 @!p1 $0x4000, s21  }
0x1b: {  	[tilespmem:s21], [sflag:$0x1] =	stream.strided.gather @!p1 [hbm4b:s23+s24], $0x800, s25, s24, $0x38;
	[tilespmem:$0x10100] =	vst v63  }
0x1c: {  	s23 =	sadd.s32 @!p1 s22, s7;
	s26 =	sor.u32 @!p1 $0x800, s21  }
0x1d: {  	[tilespmem:s26], [sflag:$0x1] =	stream.strided.gather @!p1 [hbm4b:s23+s24], $0x800, s25, s24, $0x38;
	[tilespmem:$0x10100] =	vst v63  }
0x1e: {  	s23 =	sadd.s32 @!p1 s22, s8;
	s26 =	sor.u32 @!p1 $0x1000, s21  }
0x1f: {  	[tilespmem:s26], [sflag:$0x1] =	stream.strided.gather @!p1 [hbm4b:s23+s24], $0x800, s25, s24, $0x38;
	[tilespmem:$0x10100] =	vst v63  }
0x20: {  	s23 =	sadd.s32 @!p1 s22, s9;
	s26 =	sor.u32 @!p1 $0x1800, s21  }
0x21: {  	[tilespmem:s26], [sflag:$0x1] =	stream.strided.gather @!p1 [hbm4b:s23+s24], $0x800, s25, s24, $0x38;
	[tilespmem:$0x10100] =	vst v63  }
0x22: {  	s23 =	sadd.s32 @!p1 s22, s10;
	s26 =	sor.u32 @!p1 $0x2000, s21  }
0x23: {  	[tilespmem:s26], [sflag:$0x1] =	stream.strided.gather @!p1 [hbm4b:s23+s24], $0x800, s25, s24, $0x38;
	[tilespmem:$0x10100] =	vst v63  }
0x24: {  	s23 =	sadd.s32 @!p1 s22, s11;
	s26 =	sor.u32 @!p1 $0x2800, s21  }
0x25: {  	[tilespmem:s26], [sflag:$0x1] =	stream.strided.gather @!p1 [hbm4b:s23+s24], $0x800, s25, s24, $0x38;
	[tilespmem:$0x10100] =	vst v63  }
0x26: {  	s23 =	sadd.s32 @!p1 s22, s12;
	s26 =	sor.u32 @!p1 $0x3000, s21  }
0x27: {  	[tilespmem:s26], [sflag:$0x1] =	stream.strided.gather @!p1 [hbm4b:s23+s24], $0x800, s25, s24, $0x38;
	[tilespmem:$0x10100] =	vst v63  }
0x28: {  	s31 =	sadd.s32 $0xFFFFFFFF, s18;
	s22 =	sadd.s32 @!p1 s22, s13;
	s21 =	sor.u32 @!p1 $0x3800, s21  }
0x29: {  	[tilespmem:s21], [sflag:$0x1] =	stream.strided.gather @!p1 [hbm4b:s22+s24], $0x800, s25, s24, $0x38;
	[tilespmem:$0x10100] =	vst v63  }
0x2a: {  	p1 =	sge.u32 s31, s5  }
.Ltmp2:
0x2b: {  	_ = 	snop;
	(pc) =	sbr.rel @p1 .LBB1_7-.Ltmp2, $1  }
0x2c: {  	_ =	sdelay $0x3  }
0x2d: {  	s22 =	simm.s32 $0x1;
	s23 =	sand.u32 $0x1, s18  }
0x2e: {  	_ =	swait.ge [sflag:s4], $0x4000;
	s22 =	simm.s32 @!p0 $0x0;
	s24 =	smul.u32 $0x10200, s23  }
0x2f: {  	[sflag:s4] =	ssyncset.done $0x0;
	s21 =	smul.u32 $0x10200, s22  }
0x30: {  	s22 =	sshll.u32 s22, $0xE;
	[sflag:s4] =	ssyncadd.s32 $0xFFFFC000  }
0x31: {  	s23 =	sor.u32 $0x40, s22;
	s31 =	sshrl.u32 s24, $0x2;
	s21 =	sshrl.u32 s21, $0x2  }
0x32: {  	s24 =	simm.s32 $0x0;
	s22 =	sor.u32 $0x8000, s31;
	s21 =	sor.u32 $0x8007, s21  }
.LBB1_3:
0x33: {  	v3 =	vld [tilespmem:s23+$0x30]  }
0x34: {  	v4 =	vld [tilespmem:s23+$0xFFFFFFD0]  }
0x35: {  	v5 =	vld [tilespmem:s23+$0xFFFFFFE0]  }
0x36: {  	v1 =	vld [tilespmem:s23+$0xFFFFFFF0]  }
0x37: {  	v0 =	vld [tilespmem:s23+$0x0]  }
0x38: {  	v2 =	vld [tilespmem:s23+$0x10];
	[tilespmem:s21+$0x0 ss:$0x81] =	vst.msk $0xffff, v3  }
0x39: {  	[tilespmem:s21+$0xFFFFFFFA ss:$0x81] =	vst.msk $0xffff, v4;
	v4 =	vld [tilespmem:s23+$0x20]  }
0x3a: {  	s26 =	simm.s32 $0x0;
	s27 =	sadd.s32 $0x80, s23;
	s25 =	smov.u32 s21;
	v3 =	vld [tilespmem:s23+$0xFFFFFFC0];
	[tilespmem:s21+$0xFFFFFFFB ss:$0x81] =	vst.msk $0xffff, v5  }
.LBB1_4:
0x3b: {  	v5 =	vld [tilespmem:s27+$0x30];
	s26 =	sadd.s32 $0x8, s26;
	[tilespmem:s25+$0xFFFFFFFC ss:$0x81] =	vst.msk $0xffff, v1  }
0x3c: {  	v6 =	vld [tilespmem:s27+$0xFFFFFFD0];
	p1 =	slt.u32 s26, $0x78;
	[tilespmem:s25+$0xFFFFFFFD ss:$0x81] =	vst.msk $0xffff, v0  }
0x3d: {  	v7 =	vld [tilespmem:s27+$0xFFFFFFE0];
	[tilespmem:s25+$0xFFFFFFFE ss:$0x81] =	vst.msk $0xffff, v2  }
.Ltmp3:
0x3e: {  	v1 =	vld [tilespmem:s27+$0xFFFFFFF0];
	[tilespmem:s25+$0xFFFFFFFF ss:$0x81] =	vst.msk $0xffff, v4;
	(pc) =	sbr.rel @p1 .LBB1_4-.Ltmp3, $4  }
0x3f: {  	v0 =	vld [tilespmem:s27+$0x0];
	[tilespmem:s25+$0xFFFFFFF9 ss:$0x81] =	vst.msk $0xffff, v3;
	s25 =	sadd.s32 $0x8, s25  }
0x40: {  	v2 =	vld [tilespmem:s27+$0x10];
	[tilespmem:s25+$0x0 ss:$0x81] =	vst.msk $0xffff, v5  }
0x41: {  	[tilespmem:s25+$0xFFFFFFFA ss:$0x81] =	vst.msk $0xffff, v6;
	v4 =	vld [tilespmem:s27+$0x20]  }
0x42: {  	v3 =	vld [tilespmem:s27+$0xFFFFFFC0];
	[tilespmem:s25+$0xFFFFFFFB ss:$0x81] =	vst.msk $0xffff, v7;
	s27 =	sadd.s32 $0x80, s27  }
0x43: {  	s24 =	sadd.s32 $0x1, s24  }
0x44: {  	p1 =	sne.s32 s24, $0x8  }
.Ltmp4:
0x45: {  	[tilespmem:s25+$0xFFFFFFFC ss:$0x81] =	vst.msk $0xffff, v1;
	(pc) =	sbr.rel @p1 .LBB1_3-.Ltmp4, $4  }
0x46: {  	[tilespmem:s25+$0xFFFFFFFD ss:$0x81] =	vst.msk $0xffff, v0  }
0x47: {  	[tilespmem:s25+$0xFFFFFFFE ss:$0x81] =	vst.msk $0xffff, v2  }
0x48: {  	[tilespmem:s25+$0xFFFFFFFF ss:$0x81] =	vst.msk $0xffff, v4  }
0x49: {  	s21 =	sadd.s32 $0x810, s21;
	s23 =	sadd.s32 $0x800, s23;
	[tilespmem:s25+$0xFFFFFFF9 ss:$0x81] =	vst.msk $0xffff, v3  }
.Ltmp5:
0x4a: {  	(pc) =	sbr.rel .LBB1_7-.Ltmp5, $4  }
0x4b: {  	s20 =	sshll.u32 s20, $0xD  }
0x4c: {  	s20 =	sadd.s32 s3, s20  }
0x4d: {  	s19 =	sadd.s32 s19, s20  }
0x4e: {  	[hbm4b:s19+s15] =	stream.strided.scatter [tilespmem:s22], [sflag:$0x2], $0x4000, s16, s15, $0x20;
	[tilespmem:$0x10100] =	vst v63  }
.LBB1_8:
0x4f: {  	_ =	sfence.sel $0x180000  }
0x50: {  	s2 =	simm.s32 $0x1;
	[bflag:$0x0] =	sbarrier.arrive $0xFFFF  }
0x51: {  	s31 =	simm.s32 $0x2;
	[sflag:s2] =	ssyncpa.u1 $0x1  }
0x52: {  	[sflag:s31] =	ssyncpa.u1 $0x1  }
0x53: {  	p0 =	sne.s32 s0, $0x0;
	_ =	strace $0x9000004D  }
0x54: {  	s0 =	sadd.s32 @!p0 $0x100000, s1;
	[bflag:$0x2] =	sbarrier.arrive $0xFFFF  }
0x55: {  	[sflag:s0] =	ssyncadd.tile.s32 @!p0 $0x1;
	_ =	shalt  }
.Lfunc_end1:
_tile_overlayer_lowered:
.L_overlay_start_2:
0x56: {  	(tag) =	ssettag $0x2  }
0x57: {  	s0 =	rddreg [dreg:$0x0];
	s2 =	stileid.u32  }
0x58: {  	s1 =	rddreg [dreg:$0x1];
	p0 =	sne.s32 s2, $0x0  }
0x59: {  	s3 =	rddreg [dreg:$0x2];
	[bflag:$0x3] =	sbarrier.arrive $0xFFFF;
	s2 =	simm.s32 @!p0 $0x1C01  }
0x5a: {  	[timem:s3], [sflag:s2] =	dma.local @!p0 [hbm:s0], s1  }
0x5b: {  	s0 =	simm.s32 @!p0 $0x1  }
0x5c: {  	_ =	swait.ge @!p0 [sflag:s0], s1  }
0x5d: {  	s1 =	ssub.s32 @!p0 $0x0, s1;
	[sflag:s0] =	ssyncset.done @!p0 $0x0  }
0x5e: {  	[sflag:s0] =	ssyncadd.s32 @!p0 s1  }
0x5f: {  	[bflag:$0x3] =	sbarrier.arrive $0xFFFF  }
0x60: {  	_ =	shalt  }

</sc_bundles>
